<compile_context>
chip_gen: v7x
topology: tpu7x:2x2x1
jax: 0.10.2.dev20260603
libtpu: 0.0.44.dev20260713+nightly
codegen_flags: <defaults>
</compile_context>

<pallas_src>
import jax
import jax.numpy as jnp
from jax import lax
from jax.experimental import pallas as pl
from jax.experimental.pallas import tpu as pltpu
from jax.experimental.pallas import tpu_sc as plsc

B = 16384
D = 128
L = 16
NC = 2
NS = 16
NW = NC * NS
BPW = B // NW
CHUNK = 128
NCHUNK = BPW // CHUNK
DV = D // L


def _gmf_body(uidx_hbm, iidx_hbm, uw_hbm, iw_hbm, w_hbm,
              out_hbm, ss_hbm,
              uidxv, iidxv,
              ub0, ub1, ib0, ib1,
              wv, outb, ssb, tbuf, sem0, sem1):
    wid = lax.axis_index("s") * NC + lax.axis_index("c")
    base = wid * BPW

    ub = (ub0, ub1)
    ib = (ib0, ib1)
    sems = (sem0, sem1)

    cu0 = pltpu.async_copy(uidx_hbm.at[pl.ds(base, BPW)], uidxv, sem0)
    ci0 = pltpu.async_copy(iidx_hbm.at[pl.ds(base, BPW)], iidxv, sem0)
    cw = pltpu.async_copy(w_hbm, wv, sem0)
    cu0.wait()
    ci0.wait()
    cw.wait()
    wc = [wv[pl.ds(L * k, L)] for k in range(DV)]

    def start(c, slot):
        off = c * CHUNK
        cu = pltpu.async_copy(
            uw_hbm.at[uidxv.at[pl.ds(off, CHUNK)]], ub[slot], sems[slot])
        ci = pltpu.async_copy(
            iw_hbm.at[iidxv.at[pl.ds(off, CHUNK)]], ib[slot], sems[slot])
        return cu, ci

    col0 = lax.iota(jnp.int32, L) * L

    def compute(c, slot, carry):
        ubuf = ub[slot]
        ibuf = ib[slot]

        RU = 2

        @plsc.parallel_loop(0, CHUNK // RU, carry=carry)
        def carry(rb, carry):
            ssua, ssub, ssva, ssvb = carry
            rr = rb * RU
            for l in range(RU):
                r = rr + l
                acc = None
                for k in range(DV):
                    u = ubuf[r, pl.ds(L * k, L)]
                    v = ibuf[r, pl.ds(L * k, L)]
                    t = u * v
                    tw = t * wc[k]
                    acc = tw if acc is None else acc + tw
                    if l % 2 == 0:
                        ssua = ssua + u * u
                        ssva = ssva + v * v
                    else:
                        ssub = ssub + u * u
                        ssvb = ssvb + v * v
                tbuf[pl.ds(r * L, L)] = acc
            return (ssua, ssub, ssva, ssvb)

        @plsc.parallel_loop(0, CHUNK // L)
        def _(g):
            colg = col0 + g * (L * L)
            s = None
            for j in range(L):
                colv = plsc.load_gather(tbuf, [colg + j])
                s = colv if s is None else s + colv
            outb[pl.ds(c * CHUNK + g * L, L)] = s

        return carry

    zeros = jnp.zeros((L,), jnp.float32)
    carry = (zeros, zeros, zeros, zeros)
    pend = start(0, 0)
    for c in range(NCHUNK):
        nxt = start(c + 1, (c + 1) % 2) if c + 1 < NCHUNK else None
        pend[0].wait()
        pend[1].wait()
        carry = compute(c, c % 2, carry)
        pend = nxt

    ssb[...] = (carry[0] + carry[1]) + (carry[2] + carry[3])
    pltpu.sync_copy(outb, out_hbm.at[pl.ds(base, BPW)])
    pltpu.sync_copy(ssb, ss_hbm.at[wid])


@jax.jit
def _gmf(uidx, iidx, uid_w, iid_w, w):
    mesh = plsc.VectorSubcoreMesh(core_axis_name="c", subcore_axis_name="s")
    fn = pl.kernel(
        _gmf_body,
        out_type=(
            jax.ShapeDtypeStruct((B,), jnp.float32),
            jax.ShapeDtypeStruct((NW, L), jnp.float32),
        ),
        mesh=mesh,
        compiler_params=pltpu.CompilerParams(needs_layout_passes=False),
        scratch_types=[
            pltpu.VMEM((BPW,), jnp.int32),
            pltpu.VMEM((BPW,), jnp.int32),
            pltpu.VMEM((CHUNK, D), jnp.float32),
            pltpu.VMEM((CHUNK, D), jnp.float32),
            pltpu.VMEM((CHUNK, D), jnp.float32),
            pltpu.VMEM((CHUNK, D), jnp.float32),
            pltpu.VMEM((D,), jnp.float32),
            pltpu.VMEM((BPW,), jnp.float32),
            pltpu.VMEM((L,), jnp.float32),
            pltpu.VMEM((CHUNK * L,), jnp.float32),
            pltpu.SemaphoreType.DMA,
            pltpu.SemaphoreType.DMA,
        ],
    )
    return fn(uidx, iidx, uid_w, iid_w, w)


def kernel(x, uid_w, iid_w, lin_w):
    xi = x.astype(jnp.int32)
    out, ss = _gmf(xi[:, 0], xi[:, 1], uid_w, iid_w, lin_w.reshape(D))
    emb_loss = jnp.sqrt(jnp.sum(ss)) / jnp.float32(B)
    return (out, emb_loss)

# --- scband reference (transcript-rebuilt; emitter-appended) ---
"""Pipeline reference for scband-gmfbase-27745488732915 (READ-ONLY COPY).

The authoritative reference and input builder live on the scoring server;
editing this copy changes nothing except your own understanding.
"""

import jax, jax.numpy as jnp
import numpy as np

UID_ALL = 100000
IID_ALL = 100000
EMB_DIM = 128
BATCH = 16384

def setup_inputs(seed: int = 0) -> dict:
    key = jax.random.key(seed)
    k1, k2, k3, k4 = jax.random.split(key, 4)
    x = jax.random.randint(k1, (BATCH, 2), 0, UID_ALL, dtype=jnp.int64)
    # xavier_normal_ for embedding weight [num, dim]: std = sqrt(2/(num+dim))
    std_u = float(np.sqrt(2.0 / (UID_ALL + EMB_DIM)))
    std_i = float(np.sqrt(2.0 / (IID_ALL + 1 + EMB_DIM)))
    uid_w = jax.random.normal(k2, (UID_ALL, EMB_DIM), dtype=jnp.float32) * std_u
    iid_w = jax.random.normal(k3, (IID_ALL + 1, EMB_DIM), dtype=jnp.float32) * std_i
    # Linear(emb_dim, 1, bias=False): weight [1, emb_dim], kaiming-uniform-ish init
    bound = float(1.0 / np.sqrt(EMB_DIM))
    lin_w = jax.random.uniform(k4, (1, EMB_DIM), dtype=jnp.float32, minval=-bound, maxval=bound)
    return {"x": x, "uid_w": uid_w, "iid_w": iid_w, "lin_w": lin_w}

def reference(x, uid_w, iid_w, lin_w):
    # LookupEmbedding.forward
    uid_emb = jnp.take(uid_w, x[:, 0], axis=0)[:, None, :]  # [B,1,D]
    iid_emb = jnp.take(iid_w, x[:, 1], axis=0)[:, None, :]  # [B,1,D]
    emb = jnp.concatenate([uid_emb, iid_emb], axis=1)       # [B,2,D]
    # GMF interaction
    prod = emb[:, 0, :] * emb[:, 1, :]                      # [B,D]
    # EmbLoss (RecBole-style): frobenius norm of embeddings / batch_size
    emb_loss = jnp.linalg.norm(emb.reshape(-1)) / emb.shape[0]
    out = prod @ lin_w.T                                     # [B,1]
    return (out.squeeze(1), emb_loss)

if __name__ == "__main__":
    import jax
    _d = setup_inputs()
    print(jax.jit(kernel)(*tuple(_d.values())))

</pallas_src>

<mosaic_0001>
#map = affine_map<(d0, d1) -> (0)>
#map1 = affine_map<(d0, d1) -> (0, 0)>
module attributes {stable_mosaic.version = 14 : i64} {
  func.func @_gmf_body(%arg0: i32, %arg1: i32, %arg2: memref<16384xi32, #tpu.memory_space<hbm>>, %arg3: memref<16384xi32, #tpu.memory_space<hbm>>, %arg4: memref<100000x128xf32, #tpu.memory_space<hbm>>, %arg5: memref<100001x128xf32, #tpu.memory_space<hbm>>, %arg6: memref<128xf32, #tpu.memory_space<hbm>>, %arg7: memref<16384xf32, #tpu.memory_space<hbm>>, %arg8: memref<32x16xf32, #tpu.memory_space<hbm>>, %arg9: memref<512xi32, #tpu.memory_space<vmem>>, %arg10: memref<512xi32, #tpu.memory_space<vmem>>, %arg11: memref<128x128xf32, #tpu.memory_space<vmem>>, %arg12: memref<128x128xf32, #tpu.memory_space<vmem>>, %arg13: memref<128x128xf32, #tpu.memory_space<vmem>>, %arg14: memref<128x128xf32, #tpu.memory_space<vmem>>, %arg15: memref<128xf32, #tpu.memory_space<vmem>>, %arg16: memref<512xf32, #tpu.memory_space<vmem>>, %arg17: memref<16xf32, #tpu.memory_space<vmem>>, %arg18: memref<2048xf32, #tpu.memory_space<vmem>>, %arg19: memref<!tpu.dma_semaphore, #tpu.memory_space<semaphore_mem>>, %arg20: memref<!tpu.dma_semaphore, #tpu.memory_space<semaphore_mem>>) attributes {dimension_semantics = [#tpu.dimension_semantics<core_parallel>, #tpu.dimension_semantics<subcore_parallel>], iteration_bounds = array<i64: 2, 16>, scalar_prefetch = 0 : i64, scratch_operands = 12 : i64, tpu.core_type = #tpu.core_type<sc_vector_subcore>, window_params = [{transform_indices = #map}, {transform_indices = #map}, {transform_indices = #map1}, {transform_indices = #map1}, {transform_indices = #map}, {transform_indices = #map}, {transform_indices = #map1}]} {
    %mul3A = arith.constant 2 : i32
    %mul3A_0 = arith.muli %arg1, %mul3A : i32
    %add3A = arith.addi %mul3A_0, %arg0 : i32
    %mul3A_1 = arith.constant 512 : i32
    %mul3A_2 = arith.muli %add3A, %mul3A_1 : i32
    %dma_start3A = tpu.memref_slice %arg2[%mul3A_2] : memref<16384xi32, #tpu.memory_space<hbm>> -> memref<512xi32, #tpu.memory_space<hbm>>
    %dma_start3A_3 = tpu.memref_slice %arg2[%mul3A_2] : memref<16384xi32, #tpu.memory_space<hbm>> -> memref<512xi32, #tpu.memory_space<hbm>>
    tpu.enqueue_dma source(%dma_start3A_3 : memref<512xi32, #tpu.memory_space<hbm>>) target(%arg9 : memref<512xi32, #tpu.memory_space<vmem>>) target_semaphore(%arg19 : memref<!tpu.dma_semaphore, #tpu.memory_space<semaphore_mem>>)
    %dma_start3A_4 = tpu.memref_slice %arg3[%mul3A_2] : memref<16384xi32, #tpu.memory_space<hbm>> -> memref<512xi32, #tpu.memory_space<hbm>>
    %dma_start3A_5 = tpu.memref_slice %arg3[%mul3A_2] : memref<16384xi32, #tpu.memory_space<hbm>> -> memref<512xi32, #tpu.memory_space<hbm>>
    tpu.enqueue_dma source(%dma_start3A_5 : memref<512xi32, #tpu.memory_space<hbm>>) target(%arg10 : memref<512xi32, #tpu.memory_space<vmem>>) target_semaphore(%arg19 : memref<!tpu.dma_semaphore, #tpu.memory_space<semaphore_mem>>)
    tpu.enqueue_dma source(%arg6 : memref<128xf32, #tpu.memory_space<hbm>>) target(%arg15 : memref<128xf32, #tpu.memory_space<vmem>>) target_semaphore(%arg19 : memref<!tpu.dma_semaphore, #tpu.memory_space<semaphore_mem>>)
    %dma_wait3A = tpu.memref_slice %arg2[%mul3A_2] : memref<16384xi32, #tpu.memory_space<hbm>> -> memref<512xi32, #tpu.memory_space<hbm>>
    %dma_wait3A_6 = tpu.memref_slice %arg2[%mul3A_2] : memref<16384xi32, #tpu.memory_space<hbm>> -> memref<512xi32, #tpu.memory_space<hbm>>
    tpu.wait_dma2 semaphore(%arg19 : memref<!tpu.dma_semaphore, #tpu.memory_space<semaphore_mem>>) src(%dma_wait3A_6 : memref<512xi32, #tpu.memory_space<hbm>>) dst(%arg9 : memref<512xi32, #tpu.memory_space<vmem>>)
    %dma_wait3A_7 = tpu.memref_slice %arg3[%mul3A_2] : memref<16384xi32, #tpu.memory_space<hbm>> -> memref<512xi32, #tpu.memory_space<hbm>>
    %dma_wait3A_8 = tpu.memref_slice %arg3[%mul3A_2] : memref<16384xi32, #tpu.memory_space<hbm>> -> memref<512xi32, #tpu.memory_space<hbm>>
    tpu.wait_dma2 semaphore(%arg19 : memref<!tpu.dma_semaphore, #tpu.memory_space<semaphore_mem>>) src(%dma_wait3A_8 : memref<512xi32, #tpu.memory_space<hbm>>) dst(%arg10 : memref<512xi32, #tpu.memory_space<vmem>>)
    tpu.wait_dma2 semaphore(%arg19 : memref<!tpu.dma_semaphore, #tpu.memory_space<semaphore_mem>>) src(%arg6 : memref<128xf32, #tpu.memory_space<hbm>>) dst(%arg15 : memref<128xf32, #tpu.memory_space<vmem>>)
    %get3A = arith.constant 0 : index
    %get3A_9 = tpu.vector_load %arg15[%get3A] {strides = array<i32>} : memref<128xf32, #tpu.memory_space<vmem>>, vector<16xf32>,
    %get3A_10 = arith.constant 16 : index
    %get3A_11 = tpu.vector_load %arg15[%get3A_10] {strides = array<i32>} : memref<128xf32, #tpu.memory_space<vmem>>, vector<16xf32>,
    %get3A_12 = arith.constant 32 : index
    %get3A_13 = tpu.vector_load %arg15[%get3A_12] {strides = array<i32>} : memref<128xf32, #tpu.memory_space<vmem>>, vector<16xf32>,
    %get3A_14 = arith.constant 48 : index
    %get3A_15 = tpu.vector_load %arg15[%get3A_14] {strides = array<i32>} : memref<128xf32, #tpu.memory_space<vmem>>, vector<16xf32>,
    %get3A_16 = arith.constant 64 : index
    %get3A_17 = tpu.vector_load %arg15[%get3A_16] {strides = array<i32>} : memref<128xf32, #tpu.memory_space<vmem>>, vector<16xf32>,
    %get3A_18 = arith.constant 80 : index
    %get3A_19 = tpu.vector_load %arg15[%get3A_18] {strides = array<i32>} : memref<128xf32, #tpu.memory_space<vmem>>, vector<16xf32>,
    %get3A_20 = arith.constant 96 : index
    %get3A_21 = tpu.vector_load %arg15[%get3A_20] {strides = array<i32>} : memref<128xf32, #tpu.memory_space<vmem>>, vector<16xf32>,
    %get3A_22 = arith.constant 112 : index
    %get3A_23 = tpu.vector_load %arg15[%get3A_22] {strides = array<i32>} : memref<128xf32, #tpu.memory_space<vmem>>, vector<16xf32>,
    %iota3A = tpu.iota {dimensions = array<i32: 0>} : vector<16xi32>
    %mul3A_24 = arith.constant 16 : i32
    %mul3A_25 = vector.broadcast %mul3A_24 : i32 to vector<16xi32>
    %mul3A_26 = arith.muli %iota3A, %mul3A_25 : vector<16xi32>
    %broadcast_in_dim3A = arith.constant 0.000000e+00 : f32
    %broadcast_in_dim3A_27 = vector.broadcast %broadcast_in_dim3A : f32 to vector<16xf32>
    %dma_start3A_28 = arith.constant 0 : i32
    %dma_start3A_29 = tpu.memref_slice %arg9[%dma_start3A_28] : memref<512xi32, #tpu.memory_space<vmem>> -> memref<128xi32, #tpu.memory_space<vmem>>
    %dma_start3A_30 = arith.constant 0 : i32
    %dma_start3A_31 = arith.constant 0 : i32
    %dma_start3A_32 = tpu.memref_slice %arg4[%dma_start3A_30, %dma_start3A_31] : memref<100000x128xf32, #tpu.memory_space<hbm>> -> memref<100000x128xf32, #tpu.memory_space<hbm>>
    tpu.enqueue_indirect_dma source(%dma_start3A_32 : memref<100000x128xf32, #tpu.memory_space<hbm>>) target(%arg11 : memref<128x128xf32, #tpu.memory_space<vmem>>) offsets(%dma_start3A_29 : memref<128xi32, #tpu.memory_space<vmem>>) semaphore(%arg19 : memref<!tpu.dma_semaphore, #tpu.memory_space<semaphore_mem>>)
    %dma_start3A_33 = arith.constant 0 : i32
    %dma_start3A_34 = tpu.memref_slice %arg10[%dma_start3A_33] : memref<512xi32, #tpu.memory_space<vmem>> -> memref<128xi32, #tpu.memory_space<vmem>>
    %dma_start3A_35 = arith.constant 0 : i32
    %dma_start3A_36 = arith.constant 0 : i32
    %dma_start3A_37 = tpu.memref_slice %arg5[%dma_start3A_35, %dma_start3A_36] : memref<100001x128xf32, #tpu.memory_space<hbm>> -> memref<100001x128xf32, #tpu.memory_space<hbm>>
    tpu.enqueue_indirect_dma source(%dma_start3A_37 : memref<100001x128xf32, #tpu.memory_space<hbm>>) target(%arg13 : memref<128x128xf32, #tpu.memory_space<vmem>>) offsets(%dma_start3A_34 : memref<128xi32, #tpu.memory_space<vmem>>) semaphore(%arg19 : memref<!tpu.dma_semaphore, #tpu.memory_space<semaphore_mem>>)
    %dma_start3A_38 = arith.constant 128 : i32
    %dma_start3A_39 = tpu.memref_slice %arg9[%dma_start3A_38] : memref<512xi32, #tpu.memory_space<vmem>> -> memref<128xi32, #tpu.memory_space<vmem>>
    %dma_start3A_40 = arith.constant 0 : i32
    %dma_start3A_41 = arith.constant 0 : i32
    %dma_start3A_42 = tpu.memref_slice %arg4[%dma_start3A_40, %dma_start3A_41] : memref<100000x128xf32, #tpu.memory_space<hbm>> -> memref<100000x128xf32, #tpu.memory_space<hbm>>
    tpu.enqueue_indirect_dma source(%dma_start3A_42 : memref<100000x128xf32, #tpu.memory_space<hbm>>) target(%arg12 : memref<128x128xf32, #tpu.memory_space<vmem>>) offsets(%dma_start3A_39 : memref<128xi32, #tpu.memory_space<vmem>>) semaphore(%arg20 : memref<!tpu.dma_semaphore, #tpu.memory_space<semaphore_mem>>)
    %dma_start3A_43 = arith.constant 128 : i32
    %dma_start3A_44 = tpu.memref_slice %arg10[%dma_start3A_43] : memref<512xi32, #tpu.memory_space<vmem>> -> memref<128xi32, #tpu.memory_space<vmem>>
    %dma_start3A_45 = arith.constant 0 : i32
    %dma_start3A_46 = arith.constant 0 : i32
    %dma_start3A_47 = tpu.memref_slice %arg5[%dma_start3A_45, %dma_start3A_46] : memref<100001x128xf32, #tpu.memory_space<hbm>> -> memref<100001x128xf32, #tpu.memory_space<hbm>>
    tpu.enqueue_indirect_dma source(%dma_start3A_47 : memref<100001x128xf32, #tpu.memory_space<hbm>>) target(%arg14 : memref<128x128xf32, #tpu.memory_space<vmem>>) offsets(%dma_start3A_44 : memref<128xi32, #tpu.memory_space<vmem>>) semaphore(%arg20 : memref<!tpu.dma_semaphore, #tpu.memory_space<semaphore_mem>>)
    %dma_wait3A_48 = arith.constant 0 : i32
    %dma_wait3A_49 = tpu.memref_slice %arg9[%dma_wait3A_48] : memref<512xi32, #tpu.memory_space<vmem>> -> memref<128xi32, #tpu.memory_space<vmem>>
    %dma_wait3A_50 = arith.constant 0 : i32
    %dma_wait3A_51 = arith.constant 0 : i32
    %dma_wait3A_52 = tpu.memref_slice %arg4[%dma_wait3A_50, %dma_wait3A_51] : memref<100000x128xf32, #tpu.memory_space<hbm>> -> memref<100000x128xf32, #tpu.memory_space<hbm>>
    tpu.wait_indirect_dma semaphore(%arg19 : memref<!tpu.dma_semaphore, #tpu.memory_space<semaphore_mem>>) src(%dma_wait3A_52 : memref<100000x128xf32, #tpu.memory_space<hbm>>) dst(%arg11 : memref<128x128xf32, #tpu.memory_space<vmem>>)
    %dma_wait3A_53 = arith.constant 0 : i32
    %dma_wait3A_54 = tpu.memref_slice %arg10[%dma_wait3A_53] : memref<512xi32, #tpu.memory_space<vmem>> -> memref<128xi32, #tpu.memory_space<vmem>>
    %dma_wait3A_55 = arith.constant 0 : i32
    %dma_wait3A_56 = arith.constant 0 : i32
    %dma_wait3A_57 = tpu.memref_slice %arg5[%dma_wait3A_55, %dma_wait3A_56] : memref<100001x128xf32, #tpu.memory_space<hbm>> -> memref<100001x128xf32, #tpu.memory_space<hbm>>
    tpu.wait_indirect_dma semaphore(%arg19 : memref<!tpu.dma_semaphore, #tpu.memory_space<semaphore_mem>>) src(%dma_wait3A_57 : memref<100001x128xf32, #tpu.memory_space<hbm>>) dst(%arg13 : memref<128x128xf32, #tpu.memory_space<vmem>>)
    %parallel_loop3A = arith.constant 0 : i32
    %parallel_loop3A_58 = arith.constant 64 : i32
    %parallel_loop3A_59 = arith.constant 1 : i32
    %parallel_loop3A_60:4 = scf.for %parallel_loop3A_139 = %parallel_loop3A to %parallel_loop3A_58 step %parallel_loop3A_59 iter_args(%parallel_loop3A_140 = %broadcast_in_dim3A_27, %parallel_loop3A_141 = %broadcast_in_dim3A_27, %parallel_loop3A_142 = %broadcast_in_dim3A_27, %parallel_loop3A_143 = %broadcast_in_dim3A_27) -> (vector<16xf32>, vector<16xf32>, vector<16xf32>, vector<16xf32>)  : i32 {
      %parallel_loop3A_144 = arith.constant 2 : i32
      %parallel_loop3A_145 = arith.muli %parallel_loop3A_139, %parallel_loop3A_144 : i32
      %parallel_loop3A_146 = arith.constant 0 : i32
      %parallel_loop3A_147 = arith.addi %parallel_loop3A_145, %parallel_loop3A_146 : i32
      %parallel_loop3A_148 = arith.index_cast %parallel_loop3A_147 : i32 to index
      %parallel_loop3A_149 = arith.constant 0 : index
      %parallel_loop3A_150 = tpu.vector_load %arg11[%parallel_loop3A_148, %parallel_loop3A_149] {strides = array<i32>} : memref<128x128xf32, #tpu.memory_space<vmem>>, vector<16xf32>,
      %parallel_loop3A_151 = arith.index_cast %parallel_loop3A_147 : i32 to index
      %parallel_loop3A_152 = arith.constant 0 : index
      %parallel_loop3A_153 = tpu.vector_load %arg13[%parallel_loop3A_151, %parallel_loop3A_152] {strides = array<i32>} : memref<128x128xf32, #tpu.memory_space<vmem>>, vector<16xf32>,
      %parallel_loop3A_154 = arith.mulf %parallel_loop3A_150, %parallel_loop3A_153 : vector<16xf32>
      %parallel_loop3A_155 = arith.mulf %parallel_loop3A_154, %get3A_9 : vector<16xf32>
      %parallel_loop3A_156 = arith.mulf %parallel_loop3A_150, %parallel_loop3A_150 : vector<16xf32>
      %parallel_loop3A_157 = arith.addf %parallel_loop3A_140, %parallel_loop3A_156 : vector<16xf32>
      %parallel_loop3A_158 = arith.mulf %parallel_loop3A_153, %parallel_loop3A_153 : vector<16xf32>
      %parallel_loop3A_159 = arith.addf %parallel_loop3A_142, %parallel_loop3A_158 : vector<16xf32>
      %parallel_loop3A_160 = arith.index_cast %parallel_loop3A_147 : i32 to index
      %parallel_loop3A_161 = arith.constant 16 : index
      %parallel_loop3A_162 = tpu.vector_load %arg11[%parallel_loop3A_160, %parallel_loop3A_161] {strides = array<i32>} : memref<128x128xf32, #tpu.memory_space<vmem>>, vector<16xf32>,
      %parallel_loop3A_163 = arith.index_cast %parallel_loop3A_147 : i32 to index
      %parallel_loop3A_164 = arith.constant 16 : index
      %parallel_loop3A_165 = tpu.vector_load %arg13[%parallel_loop3A_163, %parallel_loop3A_164] {strides = array<i32>} : memref<128x128xf32, #tpu.memory_space<vmem>>, vector<16xf32>,
      %parallel_loop3A_166 = arith.mulf %parallel_loop3A_162, %parallel_loop3A_165 : vector<16xf32>
      %parallel_loop3A_167 = arith.mulf %parallel_loop3A_166, %get3A_11 : vector<16xf32>
      %parallel_loop3A_168 = arith.addf %parallel_loop3A_155, %parallel_loop3A_167 : vector<16xf32>
      %parallel_loop3A_169 = arith.mulf %parallel_loop3A_162, %parallel_loop3A_162 : vector<16xf32>
      %parallel_loop3A_170 = arith.addf %parallel_loop3A_157, %parallel_loop3A_169 : vector<16xf32>
      %parallel_loop3A_171 = arith.mulf %parallel_loop3A_165, %parallel_loop3A_165 : vector<16xf32>
      %parallel_loop3A_172 = arith.addf %parallel_loop3A_159, %parallel_loop3A_171 : vector<16xf32>
      %parallel_loop3A_173 = arith.index_cast %parallel_loop3A_147 : i32 to index
      %parallel_loop3A_174 = arith.constant 32 : index
      %parallel_loop3A_175 = tpu.vector_load %arg11[%parallel_loop3A_173, %parallel_loop3A_174] {strides = array<i32>} : memref<128x128xf32, #tpu.memory_space<vmem>>, vector<16xf32>,
      %parallel_loop3A_176 = arith.index_cast %parallel_loop3A_147 : i32 to index
      %parallel_loop3A_177 = arith.constant 32 : index
      %parallel_loop3A_178 = tpu.vector_load %arg13[%parallel_loop3A_176, %parallel_loop3A_177] {strides = array<i32>} : memref<128x128xf32, #tpu.memory_space<vmem>>, vector<16xf32>,
      %parallel_loop3A_179 = arith.mulf %parallel_loop3A_175, %parallel_loop3A_178 : vector<16xf32>
      %parallel_loop3A_180 = arith.mulf %parallel_loop3A_179, %get3A_13 : vector<16xf32>
      %parallel_loop3A_181 = arith.addf %parallel_loop3A_168, %parallel_loop3A_180 : vector<16xf32>
      %parallel_loop3A_182 = arith.mulf %parallel_loop3A_175, %parallel_loop3A_175 : vector<16xf32>
      %parallel_loop3A_183 = arith.addf %parallel_loop3A_170, %parallel_loop3A_182 : vector<16xf32>
      %parallel_loop3A_184 = arith.mulf %parallel_loop3A_178, %parallel_loop3A_178 : vector<16xf32>
      %parallel_loop3A_185 = arith.addf %parallel_loop3A_172, %parallel_loop3A_184 : vector<16xf32>
      %parallel_loop3A_186 = arith.index_cast %parallel_loop3A_147 : i32 to index
      %parallel_loop3A_187 = arith.constant 48 : index
      %parallel_loop3A_188 = tpu.vector_load %arg11[%parallel_loop3A_186, %parallel_loop3A_187] {strides = array<i32>} : memref<128x128xf32, #tpu.memory_space<vmem>>, vector<16xf32>,
      %parallel_loop3A_189 = arith.index_cast %parallel_loop3A_147 : i32 to index
      %parallel_loop3A_190 = arith.constant 48 : index
      %parallel_loop3A_191 = tpu.vector_load %arg13[%parallel_loop3A_189, %parallel_loop3A_190] {strides = array<i32>} : memref<128x128xf32, #tpu.memory_space<vmem>>, vector<16xf32>,
      %parallel_loop3A_192 = arith.mulf %parallel_loop3A_188, %parallel_loop3A_191 : vector<16xf32>
      %parallel_loop3A_193 = arith.mulf %parallel_loop3A_192, %get3A_15 : vector<16xf32>
      %parallel_loop3A_194 = arith.addf %parallel_loop3A_181, %parallel_loop3A_193 : vector<16xf32>
      %parallel_loop3A_195 = arith.mulf %parallel_loop3A_188, %parallel_loop3A_188 : vector<16xf32>
      %parallel_loop3A_196 = arith.addf %parallel_loop3A_183, %parallel_loop3A_195 : vector<16xf32>
      %parallel_loop3A_197 = arith.mulf %parallel_loop3A_191, %parallel_loop3A_191 : vector<16xf32>
      %parallel_loop3A_198 = arith.addf %parallel_loop3A_185, %parallel_loop3A_197 : vector<16xf32>
      %parallel_loop3A_199 = arith.index_cast %parallel_loop3A_147 : i32 to index
      %parallel_loop3A_200 = arith.constant 64 : index
      %parallel_loop3A_201 = tpu.vector_load %arg11[%parallel_loop3A_199, %parallel_loop3A_200] {strides = array<i32>} : memref<128x128xf32, #tpu.memory_space<vmem>>, vector<16xf32>,
      %parallel_loop3A_202 = arith.index_cast %parallel_loop3A_147 : i32 to index
      %parallel_loop3A_203 = arith.constant 64 : index
      %parallel_loop3A_204 = tpu.vector_load %arg13[%parallel_loop3A_202, %parallel_loop3A_203] {strides = array<i32>} : memref<128x128xf32, #tpu.memory_space<vmem>>, vector<16xf32>,
      %parallel_loop3A_205 = arith.mulf %parallel_loop3A_201, %parallel_loop3A_204 : vector<16xf32>
      %parallel_loop3A_206 = arith.mulf %parallel_loop3A_205, %get3A_17 : vector<16xf32>
      %parallel_loop3A_207 = arith.addf %parallel_loop3A_194, %parallel_loop3A_206 : vector<16xf32>
      %parallel_loop3A_208 = arith.mulf %parallel_loop3A_201, %parallel_loop3A_201 : vector<16xf32>
      %parallel_loop3A_209 = arith.addf %parallel_loop3A_196, %parallel_loop3A_208 : vector<16xf32>
      %parallel_loop3A_210 = arith.mulf %parallel_loop3A_204, %parallel_loop3A_204 : vector<16xf32>
      %parallel_loop3A_211 = arith.addf %parallel_loop3A_198, %parallel_loop3A_210 : vector<16xf32>
      %parallel_loop3A_212 = arith.index_cast %parallel_loop3A_147 : i32 to index
      %parallel_loop3A_213 = arith.constant 80 : index
      %parallel_loop3A_214 = tpu.vector_load %arg11[%parallel_loop3A_212, %parallel_loop3A_213] {strides = array<i32>} : memref<128x128xf32, #tpu.memory_space<vmem>>, vector<16xf32>,
      %parallel_loop3A_215 = arith.index_cast %parallel_loop3A_147 : i32 to index
      %parallel_loop3A_216 = arith.constant 80 : index
      %parallel_loop3A_217 = tpu.vector_load %arg13[%parallel_loop3A_215, %parallel_loop3A_216] {strides = array<i32>} : memref<128x128xf32, #tpu.memory_space<vmem>>, vector<16xf32>,
      %parallel_loop3A_218 = arith.mulf %parallel_loop3A_214, %parallel_loop3A_217 : vector<16xf32>
      %parallel_loop3A_219 = arith.mulf %parallel_loop3A_218, %get3A_19 : vector<16xf32>
      %parallel_loop3A_220 = arith.addf %parallel_loop3A_207, %parallel_loop3A_219 : vector<16xf32>
      %parallel_loop3A_221 = arith.mulf %parallel_loop3A_214, %parallel_loop3A_214 : vector<16xf32>
      %parallel_loop3A_222 = arith.addf %parallel_loop3A_209, %parallel_loop3A_221 : vector<16xf32>
      %parallel_loop3A_223 = arith.mulf %parallel_loop3A_217, %parallel_loop3A_217 : vector<16xf32>
      %parallel_loop3A_224 = arith.addf %parallel_loop3A_211, %parallel_loop3A_223 : vector<16xf32>
      %parallel_loop3A_225 = arith.index_cast %parallel_loop3A_147 : i32 to index
      %parallel_loop3A_226 = arith.constant 96 : index
      %parallel_loop3A_227 = tpu.vector_load %arg11[%parallel_loop3A_225, %parallel_loop3A_226] {strides = array<i32>} : memref<128x128xf32, #tpu.memory_space<vmem>>, vector<16xf32>,
      %parallel_loop3A_228 = arith.index_cast %parallel_loop3A_147 : i32 to index
      %parallel_loop3A_229 = arith.constant 96 : index
      %parallel_loop3A_230 = tpu.vector_load %arg13[%parallel_loop3A_228, %parallel_loop3A_229] {strides = array<i32>} : memref<128x128xf32, #tpu.memory_space<vmem>>, vector<16xf32>,
      %parallel_loop3A_231 = arith.mulf %parallel_loop3A_227, %parallel_loop3A_230 : vector<16xf32>
      %parallel_loop3A_232 = arith.mulf %parallel_loop3A_231, %get3A_21 : vector<16xf32>
      %parallel_loop3A_233 = arith.addf %parallel_loop3A_220, %parallel_loop3A_232 : vector<16xf32>
      %parallel_loop3A_234 = arith.mulf %parallel_loop3A_227, %parallel_loop3A_227 : vector<16xf32>
      %parallel_loop3A_235 = arith.addf %parallel_loop3A_222, %parallel_loop3A_234 : vector<16xf32>
      %parallel_loop3A_236 = arith.mulf %parallel_loop3A_230, %parallel_loop3A_230 : vector<16xf32>
      %parallel_loop3A_237 = arith.addf %parallel_loop3A_224, %parallel_loop3A_236 : vector<16xf32>
      %parallel_loop3A_238 = arith.index_cast %parallel_loop3A_147 : i32 to index
      %parallel_loop3A_239 = arith.constant 112 : index
      %parallel_loop3A_240 = tpu.vector_load %arg11[%parallel_loop3A_238, %parallel_loop3A_239] {strides = array<i32>} : memref<128x128xf32, #tpu.memory_space<vmem>>, vector<16xf32>,
      %parallel_loop3A_241 = arith.index_cast %parallel_loop3A_147 : i32 to index
      %parallel_loop3A_242 = arith.constant 112 : index
      %parallel_loop3A_243 = tpu.vector_load %arg13[%parallel_loop3A_241, %parallel_loop3A_242] {strides = array<i32>} : memref<128x128xf32, #tpu.memory_space<vmem>>, vector<16xf32>,
      %parallel_loop3A_244 = arith.mulf %parallel_loop3A_240, %parallel_loop3A_243 : vector<16xf32>
      %parallel_loop3A_245 = arith.mulf %parallel_loop3A_244, %get3A_23 : vector<16xf32>
      %parallel_loop3A_246 = arith.addf %parallel_loop3A_233, %parallel_loop3A_245 : vector<16xf32>
      %parallel_loop3A_247 = arith.mulf %parallel_loop3A_240, %parallel_loop3A_240 : vector<16xf32>
      %parallel_loop3A_248 = arith.addf %parallel_loop3A_235, %parallel_loop3A_247 : vector<16xf32>
      %parallel_loop3A_249 = arith.mulf %parallel_loop3A_243, %parallel_loop3A_243 : vector<16xf32>
      %parallel_loop3A_250 = arith.addf %parallel_loop3A_237, %parallel_loop3A_249 : vector<16xf32>
      %parallel_loop3A_251 = arith.constant 16 : i32
      %parallel_loop3A_252 = arith.muli %parallel_loop3A_147, %parallel_loop3A_251 : i32
      %parallel_loop3A_253 = arith.index_cast %parallel_loop3A_252 : i32 to index
      %parallel_loop3A_254 = tpu.vector_load %arg18[%parallel_loop3A_253] {strides = array<i32>} : memref<2048xf32, #tpu.memory_space<vmem>>, vector<16xf32>,
      tpu.vector_store %arg18[%parallel_loop3A_253], %parallel_loop3A_246 {strides = array<i32>} : memref<2048xf32, #tpu.memory_space<vmem>>, vector<16xf32>,
      %parallel_loop3A_255 = arith.constant 1 : i32
      %parallel_loop3A_256 = arith.addi %parallel_loop3A_145, %parallel_loop3A_255 : i32
      %parallel_loop3A_257 = arith.index_cast %parallel_loop3A_256 : i32 to index
      %parallel_loop3A_258 = arith.constant 0 : index
      %parallel_loop3A_259 = tpu.vector_load %arg11[%parallel_loop3A_257, %parallel_loop3A_258] {strides = array<i32>} : memref<128x128xf32, #tpu.memory_space<vmem>>, vector<16xf32>,
      %parallel_loop3A_260 = arith.index_cast %parallel_loop3A_256 : i32 to index
      %parallel_loop3A_261 = arith.constant 0 : index
      %parallel_loop3A_262 = tpu.vector_load %arg13[%parallel_loop3A_260, %parallel_loop3A_261] {strides = array<i32>} : memref<128x128xf32, #tpu.memory_space<vmem>>, vector<16xf32>,
      %parallel_loop3A_263 = arith.mulf %parallel_loop3A_259, %parallel_loop3A_262 : vector<16xf32>
      %parallel_loop3A_264 = arith.mulf %parallel_loop3A_263, %get3A_9 : vector<16xf32>
      %parallel_loop3A_265 = arith.mulf %parallel_loop3A_259, %parallel_loop3A_259 : vector<16xf32>
      %parallel_loop3A_266 = arith.addf %parallel_loop3A_141, %parallel_loop3A_265 : vector<16xf32>
      %parallel_loop3A_267 = arith.mulf %parallel_loop3A_262, %parallel_loop3A_262 : vector<16xf32>
      %parallel_loop3A_268 = arith.addf %parallel_loop3A_143, %parallel_loop3A_267 : vector<16xf32>
      %parallel_loop3A_269 = arith.index_cast %parallel_loop3A_256 : i32 to index
      %parallel_loop3A_270 = arith.constant 16 : index
      %parallel_loop3A_271 = tpu.vector_load %arg11[%parallel_loop3A_269, %parallel_loop3A_270] {strides = array<i32>} : memref<128x128xf32, #tpu.memory_space<vmem>>, vector<16xf32>,
      %parallel_loop3A_272 = arith.index_cast %parallel_loop3A_256 : i32 to index
      %parallel_loop3A_273 = arith.constant 16 : index
      %parallel_loop3A_274 = tpu.vector_load %arg13[%parallel_loop3A_272, %parallel_loop3A_273] {strides = array<i32>} : memref<128x128xf32, #tpu.memory_space<vmem>>, vector<16xf32>,
      %parallel_loop3A_275 = arith.mulf %parallel_loop3A_271, %parallel_loop3A_274 : vector<16xf32>
      %parallel_loop3A_276 = arith.mulf %parallel_loop3A_275, %get3A_11 : vector<16xf32>
      %parallel_loop3A_277 = arith.addf %parallel_loop3A_264, %parallel_loop3A_276 : vector<16xf32>
      %parallel_loop3A_278 = arith.mulf %parallel_loop3A_271, %parallel_loop3A_271 : vector<16xf32>
      %parallel_loop3A_279 = arith.addf %parallel_loop3A_266, %parallel_loop3A_278 : vector<16xf32>
      %parallel_loop3A_280 = arith.mulf %parallel_loop3A_274, %parallel_loop3A_274 : vector<16xf32>
      %parallel_loop3A_281 = arith.addf %parallel_loop3A_268, %parallel_loop3A_280 : vector<16xf32>
      %parallel_loop3A_282 = arith.index_cast %parallel_loop3A_256 : i32 to index
      %parallel_loop3A_283 = arith.constant 32 : index
      %parallel_loop3A_284 = tpu.vector_load %arg11[%parallel_loop3A_282, %parallel_loop3A_283] {strides = array<i32>} : memref<128x128xf32, #tpu.memory_space<vmem>>, vector<16xf32>,
      %parallel_loop3A_285 = arith.index_cast %parallel_loop3A_256 : i32 to index
      %parallel_loop3A_286 = arith.constant 32 : index
      %parallel_loop3A_287 = tpu.vector_load %arg13[%parallel_loop3A_285, %parallel_loop3A_286] {strides = array<i32>} : memref<128x128xf32, #tpu.memory_space<vmem>>, vector<16xf32>,
      %parallel_loop3A_288 = arith.mulf %parallel_loop3A_284, %parallel_loop3A_287 : vector<16xf32>
      %parallel_loop3A_289 = arith.mulf %parallel_loop3A_288, %get3A_13 : vector<16xf32>
      %parallel_loop3A_290 = arith.addf %parallel_loop3A_277, %parallel_loop3A_289 : vector<16xf32>
      %parallel_loop3A_291 = arith.mulf %parallel_loop3A_284, %parallel_loop3A_284 : vector<16xf32>
      %parallel_loop3A_292 = arith.addf %parallel_loop3A_279, %parallel_loop3A_291 : vector<16xf32>
      %parallel_loop3A_293 = arith.mulf %parallel_loop3A_287, %parallel_loop3A_287 : vector<16xf32>
      %parallel_loop3A_294 = arith.addf %parallel_loop3A_281, %parallel_loop3A_293 : vector<16xf32>
      %parallel_loop3A_295 = arith.index_cast %parallel_loop3A_256 : i32 to index
      %parallel_loop3A_296 = arith.constant 48 : index
      %parallel_loop3A_297 = tpu.vector_load %arg11[%parallel_loop3A_295, %parallel_loop3A_296] {strides = array<i32>} : memref<128x128xf32, #tpu.memory_space<vmem>>, vector<16xf32>,
      %parallel_loop3A_298 = arith.index_cast %parallel_loop3A_256 : i32 to index
      %parallel_loop3A_299 = arith.constant 48 : index
      %parallel_loop3A_300 = tpu.vector_load %arg13[%parallel_loop3A_298, %parallel_loop3A_299] {strides = array<i32>} : memref<128x128xf32, #tpu.memory_space<vmem>>, vector<16xf32>,
      %parallel_loop3A_301 = arith.mulf %parallel_loop3A_297, %parallel_loop3A_300 : vector<16xf32>
      %parallel_loop3A_302 = arith.mulf %parallel_loop3A_301, %get3A_15 : vector<16xf32>
      %parallel_loop3A_303 = arith.addf %parallel_loop3A_290, %parallel_loop3A_302 : vector<16xf32>
      %parallel_loop3A_304 = arith.mulf %parallel_loop3A_297, %parallel_loop3A_297 : vector<16xf32>
      %parallel_loop3A_305 = arith.addf %parallel_loop3A_292, %parallel_loop3A_304 : vector<16xf32>
      %parallel_loop3A_306 = arith.mulf %parallel_loop3A_300, %parallel_loop3A_300 : vector<16xf32>
      %parallel_loop3A_307 = arith.addf %parallel_loop3A_294, %parallel_loop3A_306 : vector<16xf32>
      %parallel_loop3A_308 = arith.index_cast %parallel_loop3A_256 : i32 to index
      %parallel_loop3A_309 = arith.constant 64 : index
      %parallel_loop3A_310 = tpu.vector_load %arg11[%parallel_loop3A_308, %parallel_loop3A_309] {strides = array<i32>} : memref<128x128xf32, #tpu.memory_space<vmem>>, vector<16xf32>,
      %parallel_loop3A_311 = arith.index_cast %parallel_loop3A_256 : i32 to index
      %parallel_loop3A_312 = arith.constant 64 : index
      %parallel_loop3A_313 = tpu.vector_load %arg13[%parallel_loop3A_311, %parallel_loop3A_312] {strides = array<i32>} : memref<128x128xf32, #tpu.memory_space<vmem>>, vector<16xf32>,
      %parallel_loop3A_314 = arith.mulf %parallel_loop3A_310, %parallel_loop3A_313 : vector<16xf32>
      %parallel_loop3A_315 = arith.mulf %parallel_loop3A_314, %get3A_17 : vector<16xf32>
      %parallel_loop3A_316 = arith.addf %parallel_loop3A_303, %parallel_loop3A_315 : vector<16xf32>
      %parallel_loop3A_317 = arith.mulf %parallel_loop3A_310, %parallel_loop3A_310 : vector<16xf32>
      %parallel_loop3A_318 = arith.addf %parallel_loop3A_305, %parallel_loop3A_317 : vector<16xf32>
      %parallel_loop3A_319 = arith.mulf %parallel_loop3A_313, %parallel_loop3A_313 : vector<16xf32>
      %parallel_loop3A_320 = arith.addf %parallel_loop3A_307, %parallel_loop3A_319 : vector<16xf32>
      %parallel_loop3A_321 = arith.index_cast %parallel_loop3A_256 : i32 to index
      %parallel_loop3A_322 = arith.constant 80 : index
      %parallel_loop3A_323 = tpu.vector_load %arg11[%parallel_loop3A_321, %parallel_loop3A_322] {strides = array<i32>} : memref<128x128xf32, #tpu.memory_space<vmem>>, vector<16xf32>,
      %parallel_loop3A_324 = arith.index_cast %parallel_loop3A_256 : i32 to index
      %parallel_loop3A_325 = arith.constant 80 : index
      %parallel_loop3A_326 = tpu.vector_load %arg13[%parallel_loop3A_324, %parallel_loop3A_325] {strides = array<i32>} : memref<128x128xf32, #tpu.memory_space<vmem>>, vector<16xf32>,
      %parallel_loop3A_327 = arith.mulf %parallel_loop3A_323, %parallel_loop3A_326 : vector<16xf32>
      %parallel_loop3A_328 = arith.mulf %parallel_loop3A_327, %get3A_19 : vector<16xf32>
      %parallel_loop3A_329 = arith.addf %parallel_loop3A_316, %parallel_loop3A_328 : vector<16xf32>
      %parallel_loop3A_330 = arith.mulf %parallel_loop3A_323, %parallel_loop3A_323 : vector<16xf32>
      %parallel_loop3A_331 = arith.addf %parallel_loop3A_318, %parallel_loop3A_330 : vector<16xf32>
      %parallel_loop3A_332 = arith.mulf %parallel_loop3A_326, %parallel_loop3A_326 : vector<16xf32>
      %parallel_loop3A_333 = arith.addf %parallel_loop3A_320, %parallel_loop3A_332 : vector<16xf32>
      %parallel_loop3A_334 = arith.index_cast %parallel_loop3A_256 : i32 to index
      %parallel_loop3A_335 = arith.constant 96 : index
      %parallel_loop3A_336 = tpu.vector_load %arg11[%parallel_loop3A_334, %parallel_loop3A_335] {strides = array<i32>} : memref<128x128xf32, #tpu.memory_space<vmem>>, vector<16xf32>,
      %parallel_loop3A_337 = arith.index_cast %parallel_loop3A_256 : i32 to index
      %parallel_loop3A_338 = arith.constant 96 : index
      %parallel_loop3A_339 = tpu.vector_load %arg13[%parallel_loop3A_337, %parallel_loop3A_338] {strides = array<i32>} : memref<128x128xf32, #tpu.memory_space<vmem>>, vector<16xf32>,
      %parallel_loop3A_340 = arith.mulf %parallel_loop3A_336, %parallel_loop3A_339 : vector<16xf32>
      %parallel_loop3A_341 = arith.mulf %parallel_loop3A_340, %get3A_21 : vector<16xf32>
      %parallel_loop3A_342 = arith.addf %parallel_loop3A_329, %parallel_loop3A_341 : vector<16xf32>
      %parallel_loop3A_343 = arith.mulf %parallel_loop3A_336, %parallel_loop3A_336 : vector<16xf32>
      %parallel_loop3A_344 = arith.addf %parallel_loop3A_331, %parallel_loop3A_343 : vector<16xf32>
      %parallel_loop3A_345 = arith.mulf %parallel_loop3A_339, %parallel_loop3A_339 : vector<16xf32>
      %parallel_loop3A_346 = arith.addf %parallel_loop3A_333, %parallel_loop3A_345 : vector<16xf32>
      %parallel_loop3A_347 = arith.index_cast %parallel_loop3A_256 : i32 to index
      %parallel_loop3A_348 = arith.constant 112 : index
      %parallel_loop3A_349 = tpu.vector_load %arg11[%parallel_loop3A_347, %parallel_loop3A_348] {strides = array<i32>} : memref<128x128xf32, #tpu.memory_space<vmem>>, vector<16xf32>,
      %parallel_loop3A_350 = arith.index_cast %parallel_loop3A_256 : i32 to index
      %parallel_loop3A_351 = arith.constant 112 : index
      %parallel_loop3A_352 = tpu.vector_load %arg13[%parallel_loop3A_350, %parallel_loop3A_351] {strides = array<i32>} : memref<128x128xf32, #tpu.memory_space<vmem>>, vector<16xf32>,
      %parallel_loop3A_353 = arith.mulf %parallel_loop3A_349, %parallel_loop3A_352 : vector<16xf32>
      %parallel_loop3A_354 = arith.mulf %parallel_loop3A_353, %get3A_23 : vector<16xf32>
      %parallel_loop3A_355 = arith.addf %parallel_loop3A_342, %parallel_loop3A_354 : vector<16xf32>
      %parallel_loop3A_356 = arith.mulf %parallel_loop3A_349, %parallel_loop3A_349 : vector<16xf32>
      %parallel_loop3A_357 = arith.addf %parallel_loop3A_344, %parallel_loop3A_356 : vector<16xf32>
      %parallel_loop3A_358 = arith.mulf %parallel_loop3A_352, %parallel_loop3A_352 : vector<16xf32>
      %parallel_loop3A_359 = arith.addf %parallel_loop3A_346, %parallel_loop3A_358 : vector<16xf32>
      %parallel_loop3A_360 = arith.constant 16 : i32
      %parallel_loop3A_361 = arith.muli %parallel_loop3A_256, %parallel_loop3A_360 : i32
      %parallel_loop3A_362 = arith.index_cast %parallel_loop3A_361 : i32 to index
      %parallel_loop3A_363 = tpu.vector_load %arg18[%parallel_loop3A_362] {strides = array<i32>} : memref<2048xf32, #tpu.memory_space<vmem>>, vector<16xf32>,
      tpu.vector_store %arg18[%parallel_loop3A_362], %parallel_loop3A_355 {strides = array<i32>} : memref<2048xf32, #tpu.memory_space<vmem>>, vector<16xf32>,
      scf.yield %parallel_loop3A_248, %parallel_loop3A_357, %parallel_loop3A_250, %parallel_loop3A_359 : vector<16xf32>, vector<16xf32>, vector<16xf32>, vector<16xf32>
    } {sc.loop_unroll_factor = 1 : i64, sc.parallel_access}
    %parallel_loop3A_61 = arith.constant 0 : i32
    %parallel_loop3A_62 = arith.constant 8 : i32
    %parallel_loop3A_63 = arith.constant 1 : i32
    scf.for %parallel_loop3A_139 = %parallel_loop3A_61 to %parallel_loop3A_62 step %parallel_loop3A_63  : i32 {
      %parallel_loop3A_140 = arith.constant 256 : i32
      %parallel_loop3A_141 = arith.muli %parallel_loop3A_139, %parallel_loop3A_140 : i32
      %parallel_loop3A_142 = vector.broadcast %parallel_loop3A_141 : i32 to vector<16xi32>
      %parallel_loop3A_143 = arith.addi %mul3A_26, %parallel_loop3A_142 : vector<16xi32>
      %parallel_loop3A_144 = arith.constant 0 : i32
      %parallel_loop3A_145 = vector.broadcast %parallel_loop3A_144 : i32 to vector<16xi32>
      %parallel_loop3A_146 = arith.addi %parallel_loop3A_143, %parallel_loop3A_145 : vector<16xi32>
      %parallel_loop3A_147 = tpu.vector_load_idx %arg18[%parallel_loop3A_146] : memref<2048xf32, #tpu.memory_space<vmem>>[vector<16xi32>], vector<16xf32>,
      %parallel_loop3A_148 = arith.constant 1 : i32
      %parallel_loop3A_149 = vector.broadcast %parallel_loop3A_148 : i32 to vector<16xi32>
      %parallel_loop3A_150 = arith.addi %parallel_loop3A_143, %parallel_loop3A_149 : vector<16xi32>
      %parallel_loop3A_151 = tpu.vector_load_idx %arg18[%parallel_loop3A_150] : memref<2048xf32, #tpu.memory_space<vmem>>[vector<16xi32>], vector<16xf32>,
      %parallel_loop3A_152 = arith.addf %parallel_loop3A_147, %parallel_loop3A_151 : vector<16xf32>
      %parallel_loop3A_153 = arith.constant 2 : i32
      %parallel_loop3A_154 = vector.broadcast %parallel_loop3A_153 : i32 to vector<16xi32>
      %parallel_loop3A_155 = arith.addi %parallel_loop3A_143, %parallel_loop3A_154 : vector<16xi32>
      %parallel_loop3A_156 = tpu.vector_load_idx %arg18[%parallel_loop3A_155] : memref<2048xf32, #tpu.memory_space<vmem>>[vector<16xi32>], vector<16xf32>,
      %parallel_loop3A_157 = arith.addf %parallel_loop3A_152, %parallel_loop3A_156 : vector<16xf32>
      %parallel_loop3A_158 = arith.constant 3 : i32
      %parallel_loop3A_159 = vector.broadcast %parallel_loop3A_158 : i32 to vector<16xi32>
      %parallel_loop3A_160 = arith.addi %parallel_loop3A_143, %parallel_loop3A_159 : vector<16xi32>
      %parallel_loop3A_161 = tpu.vector_load_idx %arg18[%parallel_loop3A_160] : memref<2048xf32, #tpu.memory_space<vmem>>[vector<16xi32>], vector<16xf32>,
      %parallel_loop3A_162 = arith.addf %parallel_loop3A_157, %parallel_loop3A_161 : vector<16xf32>
      %parallel_loop3A_163 = arith.constant 4 : i32
      %parallel_loop3A_164 = vector.broadcast %parallel_loop3A_163 : i32 to vector<16xi32>
      %parallel_loop3A_165 = arith.addi %parallel_loop3A_143, %parallel_loop3A_164 : vector<16xi32>
      %parallel_loop3A_166 = tpu.vector_load_idx %arg18[%parallel_loop3A_165] : memref<2048xf32, #tpu.memory_space<vmem>>[vector<16xi32>], vector<16xf32>,
      %parallel_loop3A_167 = arith.addf %parallel_loop3A_162, %parallel_loop3A_166 : vector<16xf32>
      %parallel_loop3A_168 = arith.constant 5 : i32
      %parallel_loop3A_169 = vector.broadcast %parallel_loop3A_168 : i32 to vector<16xi32>
      %parallel_loop3A_170 = arith.addi %parallel_loop3A_143, %parallel_loop3A_169 : vector<16xi32>
      %parallel_loop3A_171 = tpu.vector_load_idx %arg18[%parallel_loop3A_170] : memref<2048xf32, #tpu.memory_space<vmem>>[vector<16xi32>], vector<16xf32>,
      %parallel_loop3A_172 = arith.addf %parallel_loop3A_167, %parallel_loop3A_171 : vector<16xf32>
      %parallel_loop3A_173 = arith.constant 6 : i32
      %parallel_loop3A_174 = vector.broadcast %parallel_loop3A_173 : i32 to vector<16xi32>
      %parallel_loop3A_175 = arith.addi %parallel_loop3A_143, %parallel_loop3A_174 : vector<16xi32>
      %parallel_loop3A_176 = tpu.vector_load_idx %arg18[%parallel_loop3A_175] : memref<2048xf32, #tpu.memory_space<vmem>>[vector<16xi32>], vector<16xf32>,
      %parallel_loop3A_177 = arith.addf %parallel_loop3A_172, %parallel_loop3A_176 : vector<16xf32>
      %parallel_loop3A_178 = arith.constant 7 : i32
      %parallel_loop3A_179 = vector.broadcast %parallel_loop3A_178 : i32 to vector<16xi32>
      %parallel_loop3A_180 = arith.addi %parallel_loop3A_143, %parallel_loop3A_179 : vector<16xi32>
      %parallel_loop3A_181 = tpu.vector_load_idx %arg18[%parallel_loop3A_180] : memref<2048xf32, #tpu.memory_space<vmem>>[vector<16xi32>], vector<16xf32>,
      %parallel_loop3A_182 = arith.addf %parallel_loop3A_177, %parallel_loop3A_181 : vector<16xf32>
      %parallel_loop3A_183 = arith.constant 8 : i32
      %parallel_loop3A_184 = vector.broadcast %parallel_loop3A_183 : i32 to vector<16xi32>
      %parallel_loop3A_185 = arith.addi %parallel_loop3A_143, %parallel_loop3A_184 : vector<16xi32>
      %parallel_loop3A_186 = tpu.vector_load_idx %arg18[%parallel_loop3A_185] : memref<2048xf32, #tpu.memory_space<vmem>>[vector<16xi32>], vector<16xf32>,
      %parallel_loop3A_187 = arith.addf %parallel_loop3A_182, %parallel_loop3A_186 : vector<16xf32>
      %parallel_loop3A_188 = arith.constant 9 : i32
      %parallel_loop3A_189 = vector.broadcast %parallel_loop3A_188 : i32 to vector<16xi32>
      %parallel_loop3A_190 = arith.addi %parallel_loop3A_143, %parallel_loop3A_189 : vector<16xi32>
      %parallel_loop3A_191 = tpu.vector_load_idx %arg18[%parallel_loop3A_190] : memref<2048xf32, #tpu.memory_space<vmem>>[vector<16xi32>], vector<16xf32>,
      %parallel_loop3A_192 = arith.addf %parallel_loop3A_187, %parallel_loop3A_191 : vector<16xf32>
      %parallel_loop3A_193 = arith.constant 10 : i32
      %parallel_loop3A_194 = vector.broadcast %parallel_loop3A_193 : i32 to vector<16xi32>
      %parallel_loop3A_195 = arith.addi %parallel_loop3A_143, %parallel_loop3A_194 : vector<16xi32>
      %parallel_loop3A_196 = tpu.vector_load_idx %arg18[%parallel_loop3A_195] : memref<2048xf32, #tpu.memory_space<vmem>>[vector<16xi32>], vector<16xf32>,
      %parallel_loop3A_197 = arith.addf %parallel_loop3A_192, %parallel_loop3A_196 : vector<16xf32>
      %parallel_loop3A_198 = arith.constant 11 : i32
      %parallel_loop3A_199 = vector.broadcast %parallel_loop3A_198 : i32 to vector<16xi32>
      %parallel_loop3A_200 = arith.addi %parallel_loop3A_143, %parallel_loop3A_199 : vector<16xi32>
      %parallel_loop3A_201 = tpu.vector_load_idx %arg18[%parallel_loop3A_200] : memref<2048xf32, #tpu.memory_space<vmem>>[vector<16xi32>], vector<16xf32>,
      %parallel_loop3A_202 = arith.addf %parallel_loop3A_197, %parallel_loop3A_201 : vector<16xf32>
      %parallel_loop3A_203 = arith.constant 12 : i32
      %parallel_loop3A_204 = vector.broadcast %parallel_loop3A_203 : i32 to vector<16xi32>
      %parallel_loop3A_205 = arith.addi %parallel_loop3A_143, %parallel_loop3A_204 : vector<16xi32>
      %parallel_loop3A_206 = tpu.vector_load_idx %arg18[%parallel_loop3A_205] : memref<2048xf32, #tpu.memory_space<vmem>>[vector<16xi32>], vector<16xf32>,
      %parallel_loop3A_207 = arith.addf %parallel_loop3A_202, %parallel_loop3A_206 : vector<16xf32>
      %parallel_loop3A_208 = arith.constant 13 : i32
      %parallel_loop3A_209 = vector.broadcast %parallel_loop3A_208 : i32 to vector<16xi32>
      %parallel_loop3A_210 = arith.addi %parallel_loop3A_143, %parallel_loop3A_209 : vector<16xi32>
      %parallel_loop3A_211 = tpu.vector_load_idx %arg18[%parallel_loop3A_210] : memref<2048xf32, #tpu.memory_space<vmem>>[vector<16xi32>], vector<16xf32>,
      %parallel_loop3A_212 = arith.addf %parallel_loop3A_207, %parallel_loop3A_211 : vector<16xf32>
      %parallel_loop3A_213 = arith.constant 14 : i32
      %parallel_loop3A_214 = vector.broadcast %parallel_loop3A_213 : i32 to vector<16xi32>
      %parallel_loop3A_215 = arith.addi %parallel_loop3A_143, %parallel_loop3A_214 : vector<16xi32>
      %parallel_loop3A_216 = tpu.vector_load_idx %arg18[%parallel_loop3A_215] : memref<2048xf32, #tpu.memory_space<vmem>>[vector<16xi32>], vector<16xf32>,
      %parallel_loop3A_217 = arith.addf %parallel_loop3A_212, %parallel_loop3A_216 : vector<16xf32>
      %parallel_loop3A_218 = arith.constant 15 : i32
      %parallel_loop3A_219 = vector.broadcast %parallel_loop3A_218 : i32 to vector<16xi32>
      %parallel_loop3A_220 = arith.addi %parallel_loop3A_143, %parallel_loop3A_219 : vector<16xi32>
      %parallel_loop3A_221 = tpu.vector_load_idx %arg18[%parallel_loop3A_220] : memref<2048xf32, #tpu.memory_space<vmem>>[vector<16xi32>], vector<16xf32>,
      %parallel_loop3A_222 = arith.addf %parallel_loop3A_217, %parallel_loop3A_221 : vector<16xf32>
      %parallel_loop3A_223 = arith.constant 16 : i32
      %parallel_loop3A_224 = arith.muli %parallel_loop3A_139, %parallel_loop3A_223 : i32
      %parallel_loop3A_225 = arith.constant 0 : i32
      %parallel_loop3A_226 = arith.addi %parallel_loop3A_225, %parallel_loop3A_224 : i32
      %parallel_loop3A_227 = arith.index_cast %parallel_loop3A_226 : i32 to index
      %parallel_loop3A_228 = tpu.vector_load %arg16[%parallel_loop3A_227] {strides = array<i32>} : memref<512xf32, #tpu.memory_space<vmem>>, vector<16xf32>,
      tpu.vector_store %arg16[%parallel_loop3A_227], %parallel_loop3A_222 {strides = array<i32>} : memref<512xf32, #tpu.memory_space<vmem>>, vector<16xf32>,
    } {sc.loop_unroll_factor = 1 : i64, sc.parallel_access}
    %dma_start3A_64 = arith.constant 256 : i32
    %dma_start3A_65 = tpu.memref_slice %arg9[%dma_start3A_64] : memref<512xi32, #tpu.memory_space<vmem>> -> memref<128xi32, #tpu.memory_space<vmem>>
    %dma_start3A_66 = arith.constant 0 : i32
    %dma_start3A_67 = arith.constant 0 : i32
    %dma_start3A_68 = tpu.memref_slice %arg4[%dma_start3A_66, %dma_start3A_67] : memref<100000x128xf32, #tpu.memory_space<hbm>> -> memref<100000x128xf32, #tpu.memory_space<hbm>>
    tpu.enqueue_indirect_dma source(%dma_start3A_68 : memref<100000x128xf32, #tpu.memory_space<hbm>>) target(%arg11 : memref<128x128xf32, #tpu.memory_space<vmem>>) offsets(%dma_start3A_65 : memref<128xi32, #tpu.memory_space<vmem>>) semaphore(%arg19 : memref<!tpu.dma_semaphore, #tpu.memory_space<semaphore_mem>>)
    %dma_start3A_69 = arith.constant 256 : i32
    %dma_start3A_70 = tpu.memref_slice %arg10[%dma_start3A_69] : memref<512xi32, #tpu.memory_space<vmem>> -> memref<128xi32, #tpu.memory_space<vmem>>
    %dma_start3A_71 = arith.constant 0 : i32
    %dma_start3A_72 = arith.constant 0 : i32
    %dma_start3A_73 = tpu.memref_slice %arg5[%dma_start3A_71, %dma_start3A_72] : memref<100001x128xf32, #tpu.memory_space<hbm>> -> memref<100001x128xf32, #tpu.memory_space<hbm>>
    tpu.enqueue_indirect_dma source(%dma_start3A_73 : memref<100001x128xf32, #tpu.memory_space<hbm>>) target(%arg13 : memref<128x128xf32, #tpu.memory_space<vmem>>) offsets(%dma_start3A_70 : memref<128xi32, #tpu.memory_space<vmem>>) semaphore(%arg19 : memref<!tpu.dma_semaphore, #tpu.memory_space<semaphore_mem>>)
    %dma_wait3A_74 = arith.constant 128 : i32
    %dma_wait3A_75 = tpu.memref_slice %arg9[%dma_wait3A_74] : memref<512xi32, #tpu.memory_space<vmem>> -> memref<128xi32, #tpu.memory_space<vmem>>
    %dma_wait3A_76 = arith.constant 0 : i32
    %dma_wait3A_77 = arith.constant 0 : i32
    %dma_wait3A_78 = tpu.memref_slice %arg4[%dma_wait3A_76, %dma_wait3A_77] : memref<100000x128xf32, #tpu.memory_space<hbm>> -> memref<100000x128xf32, #tpu.memory_space<hbm>>
    tpu.wait_indirect_dma semaphore(%arg20 : memref<!tpu.dma_semaphore, #tpu.memory_space<semaphore_mem>>) src(%dma_wait3A_78 : memref<100000x128xf32, #tpu.memory_space<hbm>>) dst(%arg12 : memref<128x128xf32, #tpu.memory_space<vmem>>)
    %dma_wait3A_79 = arith.constant 128 : i32
    %dma_wait3A_80 = tpu.memref_slice %arg10[%dma_wait3A_79] : memref<512xi32, #tpu.memory_space<vmem>> -> memref<128xi32, #tpu.memory_space<vmem>>
    %dma_wait3A_81 = arith.constant 0 : i32
    %dma_wait3A_82 = arith.constant 0 : i32
    %dma_wait3A_83 = tpu.memref_slice %arg5[%dma_wait3A_81, %dma_wait3A_82] : memref<100001x128xf32, #tpu.memory_space<hbm>> -> memref<100001x128xf32, #tpu.memory_space<hbm>>
    tpu.wait_indirect_dma semaphore(%arg20 : memref<!tpu.dma_semaphore, #tpu.memory_space<semaphore_mem>>) src(%dma_wait3A_83 : memref<100001x128xf32, #tpu.memory_space<hbm>>) dst(%arg14 : memref<128x128xf32, #tpu.memory_space<vmem>>)
    %parallel_loop3A_84 = arith.constant 0 : i32
    %parallel_loop3A_85 = arith.constant 64 : i32
    %parallel_loop3A_86 = arith.constant 1 : i32
    %parallel_loop3A_87:4 = scf.for %parallel_loop3A_139 = %parallel_loop3A_84 to %parallel_loop3A_85 step %parallel_loop3A_86 iter_args(%parallel_loop3A_140 = %parallel_loop3A_60#0, %parallel_loop3A_141 = %parallel_loop3A_60#1, %parallel_loop3A_142 = %parallel_loop3A_60#2, %parallel_loop3A_143 = %parallel_loop3A_60#3) -> (vector<16xf32>, vector<16xf32>, vector<16xf32>, vector<16xf32>)  : i32 {
      %parallel_loop3A_144 = arith.constant 2 : i32
      %parallel_loop3A_145 = arith.muli %parallel_loop3A_139, %parallel_loop3A_144 : i32
      %parallel_loop3A_146 = arith.constant 0 : i32
      %parallel_loop3A_147 = arith.addi %parallel_loop3A_145, %parallel_loop3A_146 : i32
      %parallel_loop3A_148 = arith.index_cast %parallel_loop3A_147 : i32 to index
      %parallel_loop3A_149 = arith.constant 0 : index
      %parallel_loop3A_150 = tpu.vector_load %arg12[%parallel_loop3A_148, %parallel_loop3A_149] {strides = array<i32>} : memref<128x128xf32, #tpu.memory_space<vmem>>, vector<16xf32>,
      %parallel_loop3A_151 = arith.index_cast %parallel_loop3A_147 : i32 to index
      %parallel_loop3A_152 = arith.constant 0 : index
      %parallel_loop3A_153 = tpu.vector_load %arg14[%parallel_loop3A_151, %parallel_loop3A_152] {strides = array<i32>} : memref<128x128xf32, #tpu.memory_space<vmem>>, vector<16xf32>,
      %parallel_loop3A_154 = arith.mulf %parallel_loop3A_150, %parallel_loop3A_153 : vector<16xf32>
      %parallel_loop3A_155 = arith.mulf %parallel_loop3A_154, %get3A_9 : vector<16xf32>
      %parallel_loop3A_156 = arith.mulf %parallel_loop3A_150, %parallel_loop3A_150 : vector<16xf32>
      %parallel_loop3A_157 = arith.addf %parallel_loop3A_140, %parallel_loop3A_156 : vector<16xf32>
      %parallel_loop3A_158 = arith.mulf %parallel_loop3A_153, %parallel_loop3A_153 : vector<16xf32>
      %parallel_loop3A_159 = arith.addf %parallel_loop3A_142, %parallel_loop3A_158 : vector<16xf32>
      %parallel_loop3A_160 = arith.index_cast %parallel_loop3A_147 : i32 to index
      %parallel_loop3A_161 = arith.constant 16 : index
      %parallel_loop3A_162 = tpu.vector_load %arg12[%parallel_loop3A_160, %parallel_loop3A_161] {strides = array<i32>} : memref<128x128xf32, #tpu.memory_space<vmem>>, vector<16xf32>,
      %parallel_loop3A_163 = arith.index_cast %parallel_loop3A_147 : i32 to index
      %parallel_loop3A_164 = arith.constant 16 : index
      %parallel_loop3A_165 = tpu.vector_load %arg14[%parallel_loop3A_163, %parallel_loop3A_164] {strides = array<i32>} : memref<128x128xf32, #tpu.memory_space<vmem>>, vector<16xf32>,
      %parallel_loop3A_166 = arith.mulf %parallel_loop3A_162, %parallel_loop3A_165 : vector<16xf32>
      %parallel_loop3A_167 = arith.mulf %parallel_loop3A_166, %get3A_11 : vector<16xf32>
      %parallel_loop3A_168 = arith.addf %parallel_loop3A_155, %parallel_loop3A_167 : vector<16xf32>
      %parallel_loop3A_169 = arith.mulf %parallel_loop3A_162, %parallel_loop3A_162 : vector<16xf32>
      %parallel_loop3A_170 = arith.addf %parallel_loop3A_157, %parallel_loop3A_169 : vector<16xf32>
      %parallel_loop3A_171 = arith.mulf %parallel_loop3A_165, %parallel_loop3A_165 : vector<16xf32>
      %parallel_loop3A_172 = arith.addf %parallel_loop3A_159, %parallel_loop3A_171 : vector<16xf32>
      %parallel_loop3A_173 = arith.index_cast %parallel_loop3A_147 : i32 to index
      %parallel_loop3A_174 = arith.constant 32 : index
      %parallel_loop3A_175 = tpu.vector_load %arg12[%parallel_loop3A_173, %parallel_loop3A_174] {strides = array<i32>} : memref<128x128xf32, #tpu.memory_space<vmem>>, vector<16xf32>,
      %parallel_loop3A_176 = arith.index_cast %parallel_loop3A_147 : i32 to index
      %parallel_loop3A_177 = arith.constant 32 : index
      %parallel_loop3A_178 = tpu.vector_load %arg14[%parallel_loop3A_176, %parallel_loop3A_177] {strides = array<i32>} : memref<128x128xf32, #tpu.memory_space<vmem>>, vector<16xf32>,
      %parallel_loop3A_179 = arith.mulf %parallel_loop3A_175, %parallel_loop3A_178 : vector<16xf32>
      %parallel_loop3A_180 = arith.mulf %parallel_loop3A_179, %get3A_13 : vector<16xf32>
      %parallel_loop3A_181 = arith.addf %parallel_loop3A_168, %parallel_loop3A_180 : vector<16xf32>
      %parallel_loop3A_182 = arith.mulf %parallel_loop3A_175, %parallel_loop3A_175 : vector<16xf32>
      %parallel_loop3A_183 = arith.addf %parallel_loop3A_170, %parallel_loop3A_182 : vector<16xf32>
      %parallel_loop3A_184 = arith.mulf %parallel_loop3A_178, %parallel_loop3A_178 : vector<16xf32>
      %parallel_loop3A_185 = arith.addf %parallel_loop3A_172, %parallel_loop3A_184 : vector<16xf32>
      %parallel_loop3A_186 = arith.index_cast %parallel_loop3A_147 : i32 to index
      %parallel_loop3A_187 = arith.constant 48 : index
      %parallel_loop3A_188 = tpu.vector_load %arg12[%parallel_loop3A_186, %parallel_loop3A_187] {strides = array<i32>} : memref<128x128xf32, #tpu.memory_space<vmem>>, vector<16xf32>,
      %parallel_loop3A_189 = arith.index_cast %parallel_loop3A_147 : i32 to index
      %parallel_loop3A_190 = arith.constant 48 : index
      %parallel_loop3A_191 = tpu.vector_load %arg14[%parallel_loop3A_189, %parallel_loop3A_190] {strides = array<i32>} : memref<128x128xf32, #tpu.memory_space<vmem>>, vector<16xf32>,
      %parallel_loop3A_192 = arith.mulf %parallel_loop3A_188, %parallel_loop3A_191 : vector<16xf32>
      %parallel_loop3A_193 = arith.mulf %parallel_loop3A_192, %get3A_15 : vector<16xf32>
      %parallel_loop3A_194 = arith.addf %parallel_loop3A_181, %parallel_loop3A_193 : vector<16xf32>
      %parallel_loop3A_195 = arith.mulf %parallel_loop3A_188, %parallel_loop3A_188 : vector<16xf32>
      %parallel_loop3A_196 = arith.addf %parallel_loop3A_183, %parallel_loop3A_195 : vector<16xf32>
      %parallel_loop3A_197 = arith.mulf %parallel_loop3A_191, %parallel_loop3A_191 : vector<16xf32>
      %parallel_loop3A_198 = arith.addf %parallel_loop3A_185, %parallel_loop3A_197 : vector<16xf32>
      %parallel_loop3A_199 = arith.index_cast %parallel_loop3A_147 : i32 to index
      %parallel_loop3A_200 = arith.constant 64 : index
      %parallel_loop3A_201 = tpu.vector_load %arg12[%parallel_loop3A_199, %parallel_loop3A_200] {strides = array<i32>} : memref<128x128xf32, #tpu.memory_space<vmem>>, vector<16xf32>,
      %parallel_loop3A_202 = arith.index_cast %parallel_loop3A_147 : i32 to index
      %parallel_loop3A_203 = arith.constant 64 : index
      %parallel_loop3A_204 = tpu.vector_load %arg14[%parallel_loop3A_202, %parallel_loop3A_203] {strides = array<i32>} : memref<128x128xf32, #tpu.memory_space<vmem>>, vector<16xf32>,
      %parallel_loop3A_205 = arith.mulf %parallel_loop3A_201, %parallel_loop3A_204 : vector<16xf32>
      %parallel_loop3A_206 = arith.mulf %parallel_loop3A_205, %get3A_17 : vector<16xf32>
      %parallel_loop3A_207 = arith.addf %parallel_loop3A_194, %parallel_loop3A_206 : vector<16xf32>
      %parallel_loop3A_208 = arith.mulf %parallel_loop3A_201, %parallel_loop3A_201 : vector<16xf32>
      %parallel_loop3A_209 = arith.addf %parallel_loop3A_196, %parallel_loop3A_208 : vector<16xf32>
      %parallel_loop3A_210 = arith.mulf %parallel_loop3A_204, %parallel_loop3A_204 : vector<16xf32>
      %parallel_loop3A_211 = arith.addf %parallel_loop3A_198, %parallel_loop3A_210 : vector<16xf32>
      %parallel_loop3A_212 = arith.index_cast %parallel_loop3A_147 : i32 to index
      %parallel_loop3A_213 = arith.constant 80 : index
      %parallel_loop3A_214 = tpu.vector_load %arg12[%parallel_loop3A_212, %parallel_loop3A_213] {strides = array<i32>} : memref<128x128xf32, #tpu.memory_space<vmem>>, vector<16xf32>,
      %parallel_loop3A_215 = arith.index_cast %parallel_loop3A_147 : i32 to index
      %parallel_loop3A_216 = arith.constant 80 : index
      %parallel_loop3A_217 = tpu.vector_load %arg14[%parallel_loop3A_215, %parallel_loop3A_216] {strides = array<i32>} : memref<128x128xf32, #tpu.memory_space<vmem>>, vector<16xf32>,
      %parallel_loop3A_218 = arith.mulf %parallel_loop3A_214, %parallel_loop3A_217 : vector<16xf32>
      %parallel_loop3A_219 = arith.mulf %parallel_loop3A_218, %get3A_19 : vector<16xf32>
      %parallel_loop3A_220 = arith.addf %parallel_loop3A_207, %parallel_loop3A_219 : vector<16xf32>
      %parallel_loop3A_221 = arith.mulf %parallel_loop3A_214, %parallel_loop3A_214 : vector<16xf32>
      %parallel_loop3A_222 = arith.addf %parallel_loop3A_209, %parallel_loop3A_221 : vector<16xf32>
      %parallel_loop3A_223 = arith.mulf %parallel_loop3A_217, %parallel_loop3A_217 : vector<16xf32>
      %parallel_loop3A_224 = arith.addf %parallel_loop3A_211, %parallel_loop3A_223 : vector<16xf32>
      %parallel_loop3A_225 = arith.index_cast %parallel_loop3A_147 : i32 to index
      %parallel_loop3A_226 = arith.constant 96 : index
      %parallel_loop3A_227 = tpu.vector_load %arg12[%parallel_loop3A_225, %parallel_loop3A_226] {strides = array<i32>} : memref<128x128xf32, #tpu.memory_space<vmem>>, vector<16xf32>,
      %parallel_loop3A_228 = arith.index_cast %parallel_loop3A_147 : i32 to index
      %parallel_loop3A_229 = arith.constant 96 : index
      %parallel_loop3A_230 = tpu.vector_load %arg14[%parallel_loop3A_228, %parallel_loop3A_229] {strides = array<i32>} : memref<128x128xf32, #tpu.memory_space<vmem>>, vector<16xf32>,
      %parallel_loop3A_231 = arith.mulf %parallel_loop3A_227, %parallel_loop3A_230 : vector<16xf32>
      %parallel_loop3A_232 = arith.mulf %parallel_loop3A_231, %get3A_21 : vector<16xf32>
      %parallel_loop3A_233 = arith.addf %parallel_loop3A_220, %parallel_loop3A_232 : vector<16xf32>
      %parallel_loop3A_234 = arith.mulf %parallel_loop3A_227, %parallel_loop3A_227 : vector<16xf32>
      %parallel_loop3A_235 = arith.addf %parallel_loop3A_222, %parallel_loop3A_234 : vector<16xf32>
      %parallel_loop3A_236 = arith.mulf %parallel_loop3A_230, %parallel_loop3A_230 : vector<16xf32>
      %parallel_loop3A_237 = arith.addf %parallel_loop3A_224, %parallel_loop3A_236 : vector<16xf32>
      %parallel_loop3A_238 = arith.index_cast %parallel_loop3A_147 : i32 to index
      %parallel_loop3A_239 = arith.constant 112 : index
      %parallel_loop3A_240 = tpu.vector_load %arg12[%parallel_loop3A_238, %parallel_loop3A_239] {strides = array<i32>} : memref<128x128xf32, #tpu.memory_space<vmem>>, vector<16xf32>,
      %parallel_loop3A_241 = arith.index_cast %parallel_loop3A_147 : i32 to index
      %parallel_loop3A_242 = arith.constant 112 : index
      %parallel_loop3A_243 = tpu.vector_load %arg14[%parallel_loop3A_241, %parallel_loop3A_242] {strides = array<i32>} : memref<128x128xf32, #tpu.memory_space<vmem>>, vector<16xf32>,
      %parallel_loop3A_244 = arith.mulf %parallel_loop3A_240, %parallel_loop3A_243 : vector<16xf32>
      %parallel_loop3A_245 = arith.mulf %parallel_loop3A_244, %get3A_23 : vector<16xf32>
      %parallel_loop3A_246 = arith.addf %parallel_loop3A_233, %parallel_loop3A_245 : vector<16xf32>
      %parallel_loop3A_247 = arith.mulf %parallel_loop3A_240, %parallel_loop3A_240 : vector<16xf32>
      %parallel_loop3A_248 = arith.addf %parallel_loop3A_235, %parallel_loop3A_247 : vector<16xf32>
      %parallel_loop3A_249 = arith.mulf %parallel_loop3A_243, %parallel_loop3A_243 : vector<16xf32>
      %parallel_loop3A_250 = arith.addf %parallel_loop3A_237, %parallel_loop3A_249 : vector<16xf32>
      %parallel_loop3A_251 = arith.constant 16 : i32
      %parallel_loop3A_252 = arith.muli %parallel_loop3A_147, %parallel_loop3A_251 : i32
      %parallel_loop3A_253 = arith.index_cast %parallel_loop3A_252 : i32 to index
      %parallel_loop3A_254 = tpu.vector_load %arg18[%parallel_loop3A_253] {strides = array<i32>} : memref<2048xf32, #tpu.memory_space<vmem>>, vector<16xf32>,
      tpu.vector_store %arg18[%parallel_loop3A_253], %parallel_loop3A_246 {strides = array<i32>} : memref<2048xf32, #tpu.memory_space<vmem>>, vector<16xf32>,
      %parallel_loop3A_255 = arith.constant 1 : i32
      %parallel_loop3A_256 = arith.addi %parallel_loop3A_145, %parallel_loop3A_255 : i32
      %parallel_loop3A_257 = arith.index_cast %parallel_loop3A_256 : i32 to index
      %parallel_loop3A_258 = arith.constant 0 : index
      %parallel_loop3A_259 = tpu.vector_load %arg12[%parallel_loop3A_257, %parallel_loop3A_258] {strides = array<i32>} : memref<128x128xf32, #tpu.memory_space<vmem>>, vector<16xf32>,
      %parallel_loop3A_260 = arith.index_cast %parallel_loop3A_256 : i32 to index
      %parallel_loop3A_261 = arith.constant 0 : index
      %parallel_loop3A_262 = tpu.vector_load %arg14[%parallel_loop3A_260, %parallel_loop3A_261] {strides = array<i32>} : memref<128x128xf32, #tpu.memory_space<vmem>>, vector<16xf32>,
      %parallel_loop3A_263 = arith.mulf %parallel_loop3A_259, %parallel_loop3A_262 : vector<16xf32>
      %parallel_loop3A_264 = arith.mulf %parallel_loop3A_263, %get3A_9 : vector<16xf32>
      %parallel_loop3A_265 = arith.mulf %parallel_loop3A_259, %parallel_loop3A_259 : vector<16xf32>
      %parallel_loop3A_266 = arith.addf %parallel_loop3A_141, %parallel_loop3A_265 : vector<16xf32>
      %parallel_loop3A_267 = arith.mulf %parallel_loop3A_262, %parallel_loop3A_262 : vector<16xf32>
      %parallel_loop3A_268 = arith.addf %parallel_loop3A_143, %parallel_loop3A_267 : vector<16xf32>
      %parallel_loop3A_269 = arith.index_cast %parallel_loop3A_256 : i32 to index
      %parallel_loop3A_270 = arith.constant 16 : index
      %parallel_loop3A_271 = tpu.vector_load %arg12[%parallel_loop3A_269, %parallel_loop3A_270] {strides = array<i32>} : memref<128x128xf32, #tpu.memory_space<vmem>>, vector<16xf32>,
      %parallel_loop3A_272 = arith.index_cast %parallel_loop3A_256 : i32 to index
      %parallel_loop3A_273 = arith.constant 16 : index
      %parallel_loop3A_274 = tpu.vector_load %arg14[%parallel_loop3A_272, %parallel_loop3A_273] {strides = array<i32>} : memref<128x128xf32, #tpu.memory_space<vmem>>, vector<16xf32>,
      %parallel_loop3A_275 = arith.mulf %parallel_loop3A_271, %parallel_loop3A_274 : vector<16xf32>
      %parallel_loop3A_276 = arith.mulf %parallel_loop3A_275, %get3A_11 : vector<16xf32>
      %parallel_loop3A_277 = arith.addf %parallel_loop3A_264, %parallel_loop3A_276 : vector<16xf32>
      %parallel_loop3A_278 = arith.mulf %parallel_loop3A_271, %parallel_loop3A_271 : vector<16xf32>
      %parallel_loop3A_279 = arith.addf %parallel_loop3A_266, %parallel_loop3A_278 : vector<16xf32>
      %parallel_loop3A_280 = arith.mulf %parallel_loop3A_274, %parallel_loop3A_274 : vector<16xf32>
      %parallel_loop3A_281 = arith.addf %parallel_loop3A_268, %parallel_loop3A_280 : vector<16xf32>
      %parallel_loop3A_282 = arith.index_cast %parallel_loop3A_256 : i32 to index
      %parallel_loop3A_283 = arith.constant 32 : index
      %parallel_loop3A_284 = tpu.vector_load %arg12[%parallel_loop3A_282, %parallel_loop3A_283] {strides = array<i32>} : memref<128x128xf32, #tpu.memory_space<vmem>>, vector<16xf32>,
      %parallel_loop3A_285 = arith.index_cast %parallel_loop3A_256 : i32 to index
      %parallel_loop3A_286 = arith.constant 32 : index
      %parallel_loop3A_287 = tpu.vector_load %arg14[%parallel_loop3A_285, %parallel_loop3A_286] {strides = array<i32>} : memref<128x128xf32, #tpu.memory_space<vmem>>, vector<16xf32>,
      %parallel_loop3A_288 = arith.mulf %parallel_loop3A_284, %parallel_loop3A_287 : vector<16xf32>
      %parallel_loop3A_289 = arith.mulf %parallel_loop3A_288, %get3A_13 : vector<16xf32>
      %parallel_loop3A_290 = arith.addf %parallel_loop3A_277, %parallel_loop3A_289 : vector<16xf32>
      %parallel_loop3A_291 = arith.mulf %parallel_loop3A_284, %parallel_loop3A_284 : vector<16xf32>
      %parallel_loop3A_292 = arith.addf %parallel_loop3A_279, %parallel_loop3A_291 : vector<16xf32>
      %parallel_loop3A_293 = arith.mulf %parallel_loop3A_287, %parallel_loop3A_287 : vector<16xf32>
      %parallel_loop3A_294 = arith.addf %parallel_loop3A_281, %parallel_loop3A_293 : vector<16xf32>
      %parallel_loop3A_295 = arith.index_cast %parallel_loop3A_256 : i32 to index
      %parallel_loop3A_296 = arith.constant 48 : index
      %parallel_loop3A_297 = tpu.vector_load %arg12[%parallel_loop3A_295, %parallel_loop3A_296] {strides = array<i32>} : memref<128x128xf32, #tpu.memory_space<vmem>>, vector<16xf32>,
      %parallel_loop3A_298 = arith.index_cast %parallel_loop3A_256 : i32 to index
      %parallel_loop3A_299 = arith.constant 48 : index
      %parallel_loop3A_300 = tpu.vector_load %arg14[%parallel_loop3A_298, %parallel_loop3A_299] {strides = array<i32>} : memref<128x128xf32, #tpu.memory_space<vmem>>, vector<16xf32>,
      %parallel_loop3A_301 = arith.mulf %parallel_loop3A_297, %parallel_loop3A_300 : vector<16xf32>
      %parallel_loop3A_302 = arith.mulf %parallel_loop3A_301, %get3A_15 : vector<16xf32>
      %parallel_loop3A_303 = arith.addf %parallel_loop3A_290, %parallel_loop3A_302 : vector<16xf32>
      %parallel_loop3A_304 = arith.mulf %parallel_loop3A_297, %parallel_loop3A_297 : vector<16xf32>
      %parallel_loop3A_305 = arith.addf %parallel_loop3A_292, %parallel_loop3A_304 : vector<16xf32>
      %parallel_loop3A_306 = arith.mulf %parallel_loop3A_300, %parallel_loop3A_300 : vector<16xf32>
      %parallel_loop3A_307 = arith.addf %parallel_loop3A_294, %parallel_loop3A_306 : vector<16xf32>
      %parallel_loop3A_308 = arith.index_cast %parallel_loop3A_256 : i32 to index
      %parallel_loop3A_309 = arith.constant 64 : index
      %parallel_loop3A_310 = tpu.vector_load %arg12[%parallel_loop3A_308, %parallel_loop3A_309] {strides = array<i32>} : memref<128x128xf32, #tpu.memory_space<vmem>>, vector<16xf32>,
      %parallel_loop3A_311 = arith.index_cast %parallel_loop3A_256 : i32 to index
      %parallel_loop3A_312 = arith.constant 64 : index
      %parallel_loop3A_313 = tpu.vector_load %arg14[%parallel_loop3A_311, %parallel_loop3A_312] {strides = array<i32>} : memref<128x128xf32, #tpu.memory_space<vmem>>, vector<16xf32>,
      %parallel_loop3A_314 = arith.mulf %parallel_loop3A_310, %parallel_loop3A_313 : vector<16xf32>
      %parallel_loop3A_315 = arith.mulf %parallel_loop3A_314, %get3A_17 : vector<16xf32>
      %parallel_loop3A_316 = arith.addf %parallel_loop3A_303, %parallel_loop3A_315 : vector<16xf32>
      %parallel_loop3A_317 = arith.mulf %parallel_loop3A_310, %parallel_loop3A_310 : vector<16xf32>
      %parallel_loop3A_318 = arith.addf %parallel_loop3A_305, %parallel_loop3A_317 : vector<16xf32>
      %parallel_loop3A_319 = arith.mulf %parallel_loop3A_313, %parallel_loop3A_313 : vector<16xf32>
      %parallel_loop3A_320 = arith.addf %parallel_loop3A_307, %parallel_loop3A_319 : vector<16xf32>
      %parallel_loop3A_321 = arith.index_cast %parallel_loop3A_256 : i32 to index
      %parallel_loop3A_322 = arith.constant 80 : index
      %parallel_loop3A_323 = tpu.vector_load %arg12[%parallel_loop3A_321, %parallel_loop3A_322] {strides = array<i32>} : memref<128x128xf32, #tpu.memory_space<vmem>>, vector<16xf32>,
      %parallel_loop3A_324 = arith.index_cast %parallel_loop3A_256 : i32 to index
      %parallel_loop3A_325 = arith.constant 80 : index
      %parallel_loop3A_326 = tpu.vector_load %arg14[%parallel_loop3A_324, %parallel_loop3A_325] {strides = array<i32>} : memref<128x128xf32, #tpu.memory_space<vmem>>, vector<16xf32>,
      %parallel_loop3A_327 = arith.mulf %parallel_loop3A_323, %parallel_loop3A_326 : vector<16xf32>
      %parallel_loop3A_328 = arith.mulf %parallel_loop3A_327, %get3A_19 : vector<16xf32>
      %parallel_loop3A_329 = arith.addf %parallel_loop3A_316, %parallel_loop3A_328 : vector<16xf32>
      %parallel_loop3A_330 = arith.mulf %parallel_loop3A_323, %parallel_loop3A_323 : vector<16xf32>
      %parallel_loop3A_331 = arith.addf %parallel_loop3A_318, %parallel_loop3A_330 : vector<16xf32>
      %parallel_loop3A_332 = arith.mulf %parallel_loop3A_326, %parallel_loop3A_326 : vector<16xf32>
      %parallel_loop3A_333 = arith.addf %parallel_loop3A_320, %parallel_loop3A_332 : vector<16xf32>
      %parallel_loop3A_334 = arith.index_cast %parallel_loop3A_256 : i32 to index
      %parallel_loop3A_335 = arith.constant 96 : index
      %parallel_loop3A_336 = tpu.vector_load %arg12[%parallel_loop3A_334, %parallel_loop3A_335] {strides = array<i32>} : memref<128x128xf32, #tpu.memory_space<vmem>>, vector<16xf32>,
      %parallel_loop3A_337 = arith.index_cast %parallel_loop3A_256 : i32 to index
      %parallel_loop3A_338 = arith.constant 96 : index
      %parallel_loop3A_339 = tpu.vector_load %arg14[%parallel_loop3A_337, %parallel_loop3A_338] {strides = array<i32>} : memref<128x128xf32, #tpu.memory_space<vmem>>, vector<16xf32>,
      %parallel_loop3A_340 = arith.mulf %parallel_loop3A_336, %parallel_loop3A_339 : vector<16xf32>
      %parallel_loop3A_341 = arith.mulf %parallel_loop3A_340, %get3A_21 : vector<16xf32>
      %parallel_loop3A_342 = arith.addf %parallel_loop3A_329, %parallel_loop3A_341 : vector<16xf32>
      %parallel_loop3A_343 = arith.mulf %parallel_loop3A_336, %parallel_loop3A_336 : vector<16xf32>
      %parallel_loop3A_344 = arith.addf %parallel_loop3A_331, %parallel_loop3A_343 : vector<16xf32>
      %parallel_loop3A_345 = arith.mulf %parallel_loop3A_339, %parallel_loop3A_339 : vector<16xf32>
      %parallel_loop3A_346 = arith.addf %parallel_loop3A_333, %parallel_loop3A_345 : vector<16xf32>
      %parallel_loop3A_347 = arith.index_cast %parallel_loop3A_256 : i32 to index
      %parallel_loop3A_348 = arith.constant 112 : index
      %parallel_loop3A_349 = tpu.vector_load %arg12[%parallel_loop3A_347, %parallel_loop3A_348] {strides = array<i32>} : memref<128x128xf32, #tpu.memory_space<vmem>>, vector<16xf32>,
      %parallel_loop3A_350 = arith.index_cast %parallel_loop3A_256 : i32 to index
      %parallel_loop3A_351 = arith.constant 112 : index
      %parallel_loop3A_352 = tpu.vector_load %arg14[%parallel_loop3A_350, %parallel_loop3A_351] {strides = array<i32>} : memref<128x128xf32, #tpu.memory_space<vmem>>, vector<16xf32>,
      %parallel_loop3A_353 = arith.mulf %parallel_loop3A_349, %parallel_loop3A_352 : vector<16xf32>
      %parallel_loop3A_354 = arith.mulf %parallel_loop3A_353, %get3A_23 : vector<16xf32>
      %parallel_loop3A_355 = arith.addf %parallel_loop3A_342, %parallel_loop3A_354 : vector<16xf32>
      %parallel_loop3A_356 = arith.mulf %parallel_loop3A_349, %parallel_loop3A_349 : vector<16xf32>
      %parallel_loop3A_357 = arith.addf %parallel_loop3A_344, %parallel_loop3A_356 : vector<16xf32>
      %parallel_loop3A_358 = arith.mulf %parallel_loop3A_352, %parallel_loop3A_352 : vector<16xf32>
      %parallel_loop3A_359 = arith.addf %parallel_loop3A_346, %parallel_loop3A_358 : vector<16xf32>
      %parallel_loop3A_360 = arith.constant 16 : i32
      %parallel_loop3A_361 = arith.muli %parallel_loop3A_256, %parallel_loop3A_360 : i32
      %parallel_loop3A_362 = arith.index_cast %parallel_loop3A_361 : i32 to index
      %parallel_loop3A_363 = tpu.vector_load %arg18[%parallel_loop3A_362] {strides = array<i32>} : memref<2048xf32, #tpu.memory_space<vmem>>, vector<16xf32>,
      tpu.vector_store %arg18[%parallel_loop3A_362], %parallel_loop3A_355 {strides = array<i32>} : memref<2048xf32, #tpu.memory_space<vmem>>, vector<16xf32>,
      scf.yield %parallel_loop3A_248, %parallel_loop3A_357, %parallel_loop3A_250, %parallel_loop3A_359 : vector<16xf32>, vector<16xf32>, vector<16xf32>, vector<16xf32>
    } {sc.loop_unroll_factor = 1 : i64, sc.parallel_access}
    %parallel_loop3A_88 = arith.constant 0 : i32
    %parallel_loop3A_89 = arith.constant 8 : i32
    %parallel_loop3A_90 = arith.constant 1 : i32
    scf.for %parallel_loop3A_139 = %parallel_loop3A_88 to %parallel_loop3A_89 step %parallel_loop3A_90  : i32 {
      %parallel_loop3A_140 = arith.constant 256 : i32
      %parallel_loop3A_141 = arith.muli %parallel_loop3A_139, %parallel_loop3A_140 : i32
      %parallel_loop3A_142 = vector.broadcast %parallel_loop3A_141 : i32 to vector<16xi32>
      %parallel_loop3A_143 = arith.addi %mul3A_26, %parallel_loop3A_142 : vector<16xi32>
      %parallel_loop3A_144 = arith.constant 0 : i32
      %parallel_loop3A_145 = vector.broadcast %parallel_loop3A_144 : i32 to vector<16xi32>
      %parallel_loop3A_146 = arith.addi %parallel_loop3A_143, %parallel_loop3A_145 : vector<16xi32>
      %parallel_loop3A_147 = tpu.vector_load_idx %arg18[%parallel_loop3A_146] : memref<2048xf32, #tpu.memory_space<vmem>>[vector<16xi32>], vector<16xf32>,
      %parallel_loop3A_148 = arith.constant 1 : i32
      %parallel_loop3A_149 = vector.broadcast %parallel_loop3A_148 : i32 to vector<16xi32>
      %parallel_loop3A_150 = arith.addi %parallel_loop3A_143, %parallel_loop3A_149 : vector<16xi32>
      %parallel_loop3A_151 = tpu.vector_load_idx %arg18[%parallel_loop3A_150] : memref<2048xf32, #tpu.memory_space<vmem>>[vector<16xi32>], vector<16xf32>,
      %parallel_loop3A_152 = arith.addf %parallel_loop3A_147, %parallel_loop3A_151 : vector<16xf32>
      %parallel_loop3A_153 = arith.constant 2 : i32
      %parallel_loop3A_154 = vector.broadcast %parallel_loop3A_153 : i32 to vector<16xi32>
      %parallel_loop3A_155 = arith.addi %parallel_loop3A_143, %parallel_loop3A_154 : vector<16xi32>
      %parallel_loop3A_156 = tpu.vector_load_idx %arg18[%parallel_loop3A_155] : memref<2048xf32, #tpu.memory_space<vmem>>[vector<16xi32>], vector<16xf32>,
      %parallel_loop3A_157 = arith.addf %parallel_loop3A_152, %parallel_loop3A_156 : vector<16xf32>
      %parallel_loop3A_158 = arith.constant 3 : i32
      %parallel_loop3A_159 = vector.broadcast %parallel_loop3A_158 : i32 to vector<16xi32>
      %parallel_loop3A_160 = arith.addi %parallel_loop3A_143, %parallel_loop3A_159 : vector<16xi32>
      %parallel_loop3A_161 = tpu.vector_load_idx %arg18[%parallel_loop3A_160] : memref<2048xf32, #tpu.memory_space<vmem>>[vector<16xi32>], vector<16xf32>,
      %parallel_loop3A_162 = arith.addf %parallel_loop3A_157, %parallel_loop3A_161 : vector<16xf32>
      %parallel_loop3A_163 = arith.constant 4 : i32
      %parallel_loop3A_164 = vector.broadcast %parallel_loop3A_163 : i32 to vector<16xi32>
      %parallel_loop3A_165 = arith.addi %parallel_loop3A_143, %parallel_loop3A_164 : vector<16xi32>
      %parallel_loop3A_166 = tpu.vector_load_idx %arg18[%parallel_loop3A_165] : memref<2048xf32, #tpu.memory_space<vmem>>[vector<16xi32>], vector<16xf32>,
      %parallel_loop3A_167 = arith.addf %parallel_loop3A_162, %parallel_loop3A_166 : vector<16xf32>
      %parallel_loop3A_168 = arith.constant 5 : i32
      %parallel_loop3A_169 = vector.broadcast %parallel_loop3A_168 : i32 to vector<16xi32>
      %parallel_loop3A_170 = arith.addi %parallel_loop3A_143, %parallel_loop3A_169 : vector<16xi32>
      %parallel_loop3A_171 = tpu.vector_load_idx %arg18[%parallel_loop3A_170] : memref<2048xf32, #tpu.memory_space<vmem>>[vector<16xi32>], vector<16xf32>,
      %parallel_loop3A_172 = arith.addf %parallel_loop3A_167, %parallel_loop3A_171 : vector<16xf32>
      %parallel_loop3A_173 = arith.constant 6 : i32
      %parallel_loop3A_174 = vector.broadcast %parallel_loop3A_173 : i32 to vector<16xi32>
      %parallel_loop3A_175 = arith.addi %parallel_loop3A_143, %parallel_loop3A_174 : vector<16xi32>
      %parallel_loop3A_176 = tpu.vector_load_idx %arg18[%parallel_loop3A_175] : memref<2048xf32, #tpu.memory_space<vmem>>[vector<16xi32>], vector<16xf32>,
      %parallel_loop3A_177 = arith.addf %parallel_loop3A_172, %parallel_loop3A_176 : vector<16xf32>
      %parallel_loop3A_178 = arith.constant 7 : i32
      %parallel_loop3A_179 = vector.broadcast %parallel_loop3A_178 : i32 to vector<16xi32>
      %parallel_loop3A_180 = arith.addi %parallel_loop3A_143, %parallel_loop3A_179 : vector<16xi32>
      %parallel_loop3A_181 = tpu.vector_load_idx %arg18[%parallel_loop3A_180] : memref<2048xf32, #tpu.memory_space<vmem>>[vector<16xi32>], vector<16xf32>,
      %parallel_loop3A_182 = arith.addf %parallel_loop3A_177, %parallel_loop3A_181 : vector<16xf32>
      %parallel_loop3A_183 = arith.constant 8 : i32
      %parallel_loop3A_184 = vector.broadcast %parallel_loop3A_183 : i32 to vector<16xi32>
      %parallel_loop3A_185 = arith.addi %parallel_loop3A_143, %parallel_loop3A_184 : vector<16xi32>
      %parallel_loop3A_186 = tpu.vector_load_idx %arg18[%parallel_loop3A_185] : memref<2048xf32, #tpu.memory_space<vmem>>[vector<16xi32>], vector<16xf32>,
      %parallel_loop3A_187 = arith.addf %parallel_loop3A_182, %parallel_loop3A_186 : vector<16xf32>
      %parallel_loop3A_188 = arith.constant 9 : i32
      %parallel_loop3A_189 = vector.broadcast %parallel_loop3A_188 : i32 to vector<16xi32>
      %parallel_loop3A_190 = arith.addi %parallel_loop3A_143, %parallel_loop3A_189 : vector<16xi32>
      %parallel_loop3A_191 = tpu.vector_load_idx %arg18[%parallel_loop3A_190] : memref<2048xf32, #tpu.memory_space<vmem>>[vector<16xi32>], vector<16xf32>,
      %parallel_loop3A_192 = arith.addf %parallel_loop3A_187, %parallel_loop3A_191 : vector<16xf32>
      %parallel_loop3A_193 = arith.constant 10 : i32
      %parallel_loop3A_194 = vector.broadcast %parallel_loop3A_193 : i32 to vector<16xi32>
      %parallel_loop3A_195 = arith.addi %parallel_loop3A_143, %parallel_loop3A_194 : vector<16xi32>
      %parallel_loop3A_196 = tpu.vector_load_idx %arg18[%parallel_loop3A_195] : memref<2048xf32, #tpu.memory_space<vmem>>[vector<16xi32>], vector<16xf32>,
      %parallel_loop3A_197 = arith.addf %parallel_loop3A_192, %parallel_loop3A_196 : vector<16xf32>
      %parallel_loop3A_198 = arith.constant 11 : i32
      %parallel_loop3A_199 = vector.broadcast %parallel_loop3A_198 : i32 to vector<16xi32>
      %parallel_loop3A_200 = arith.addi %parallel_loop3A_143, %parallel_loop3A_199 : vector<16xi32>
      %parallel_loop3A_201 = tpu.vector_load_idx %arg18[%parallel_loop3A_200] : memref<2048xf32, #tpu.memory_space<vmem>>[vector<16xi32>], vector<16xf32>,
      %parallel_loop3A_202 = arith.addf %parallel_loop3A_197, %parallel_loop3A_201 : vector<16xf32>
      %parallel_loop3A_203 = arith.constant 12 : i32
      %parallel_loop3A_204 = vector.broadcast %parallel_loop3A_203 : i32 to vector<16xi32>
      %parallel_loop3A_205 = arith.addi %parallel_loop3A_143, %parallel_loop3A_204 : vector<16xi32>
      %parallel_loop3A_206 = tpu.vector_load_idx %arg18[%parallel_loop3A_205] : memref<2048xf32, #tpu.memory_space<vmem>>[vector<16xi32>], vector<16xf32>,
      %parallel_loop3A_207 = arith.addf %parallel_loop3A_202, %parallel_loop3A_206 : vector<16xf32>
      %parallel_loop3A_208 = arith.constant 13 : i32
      %parallel_loop3A_209 = vector.broadcast %parallel_loop3A_208 : i32 to vector<16xi32>
      %parallel_loop3A_210 = arith.addi %parallel_loop3A_143, %parallel_loop3A_209 : vector<16xi32>
      %parallel_loop3A_211 = tpu.vector_load_idx %arg18[%parallel_loop3A_210] : memref<2048xf32, #tpu.memory_space<vmem>>[vector<16xi32>], vector<16xf32>,
      %parallel_loop3A_212 = arith.addf %parallel_loop3A_207, %parallel_loop3A_211 : vector<16xf32>
      %parallel_loop3A_213 = arith.constant 14 : i32
      %parallel_loop3A_214 = vector.broadcast %parallel_loop3A_213 : i32 to vector<16xi32>
      %parallel_loop3A_215 = arith.addi %parallel_loop3A_143, %parallel_loop3A_214 : vector<16xi32>
      %parallel_loop3A_216 = tpu.vector_load_idx %arg18[%parallel_loop3A_215] : memref<2048xf32, #tpu.memory_space<vmem>>[vector<16xi32>], vector<16xf32>,
      %parallel_loop3A_217 = arith.addf %parallel_loop3A_212, %parallel_loop3A_216 : vector<16xf32>
      %parallel_loop3A_218 = arith.constant 15 : i32
      %parallel_loop3A_219 = vector.broadcast %parallel_loop3A_218 : i32 to vector<16xi32>
      %parallel_loop3A_220 = arith.addi %parallel_loop3A_143, %parallel_loop3A_219 : vector<16xi32>
      %parallel_loop3A_221 = tpu.vector_load_idx %arg18[%parallel_loop3A_220] : memref<2048xf32, #tpu.memory_space<vmem>>[vector<16xi32>], vector<16xf32>,
      %parallel_loop3A_222 = arith.addf %parallel_loop3A_217, %parallel_loop3A_221 : vector<16xf32>
      %parallel_loop3A_223 = arith.constant 16 : i32
      %parallel_loop3A_224 = arith.muli %parallel_loop3A_139, %parallel_loop3A_223 : i32
      %parallel_loop3A_225 = arith.constant 128 : i32
      %parallel_loop3A_226 = arith.addi %parallel_loop3A_225, %parallel_loop3A_224 : i32
      %parallel_loop3A_227 = arith.index_cast %parallel_loop3A_226 : i32 to index
      %parallel_loop3A_228 = tpu.vector_load %arg16[%parallel_loop3A_227] {strides = array<i32>} : memref<512xf32, #tpu.memory_space<vmem>>, vector<16xf32>,
      tpu.vector_store %arg16[%parallel_loop3A_227], %parallel_loop3A_222 {strides = array<i32>} : memref<512xf32, #tpu.memory_space<vmem>>, vector<16xf32>,
    } {sc.loop_unroll_factor = 1 : i64, sc.parallel_access}
    %dma_start3A_91 = arith.constant 384 : i32
    %dma_start3A_92 = tpu.memref_slice %arg9[%dma_start3A_91] : memref<512xi32, #tpu.memory_space<vmem>> -> memref<128xi32, #tpu.memory_space<vmem>>
    %dma_start3A_93 = arith.constant 0 : i32
    %dma_start3A_94 = arith.constant 0 : i32
    %dma_start3A_95 = tpu.memref_slice %arg4[%dma_start3A_93, %dma_start3A_94] : memref<100000x128xf32, #tpu.memory_space<hbm>> -> memref<100000x128xf32, #tpu.memory_space<hbm>>
    tpu.enqueue_indirect_dma source(%dma_start3A_95 : memref<100000x128xf32, #tpu.memory_space<hbm>>) target(%arg12 : memref<128x128xf32, #tpu.memory_space<vmem>>) offsets(%dma_start3A_92 : memref<128xi32, #tpu.memory_space<vmem>>) semaphore(%arg20 : memref<!tpu.dma_semaphore, #tpu.memory_space<semaphore_mem>>)
    %dma_start3A_96 = arith.constant 384 : i32
    %dma_start3A_97 = tpu.memref_slice %arg10[%dma_start3A_96] : memref<512xi32, #tpu.memory_space<vmem>> -> memref<128xi32, #tpu.memory_space<vmem>>
    %dma_start3A_98 = arith.constant 0 : i32
    %dma_start3A_99 = arith.constant 0 : i32
    %dma_start3A_100 = tpu.memref_slice %arg5[%dma_start3A_98, %dma_start3A_99] : memref<100001x128xf32, #tpu.memory_space<hbm>> -> memref<100001x128xf32, #tpu.memory_space<hbm>>
    tpu.enqueue_indirect_dma source(%dma_start3A_100 : memref<100001x128xf32, #tpu.memory_space<hbm>>) target(%arg14 : memref<128x128xf32, #tpu.memory_space<vmem>>) offsets(%dma_start3A_97 : memref<128xi32, #tpu.memory_space<vmem>>) semaphore(%arg20 : memref<!tpu.dma_semaphore, #tpu.memory_space<semaphore_mem>>)
    %dma_wait3A_101 = arith.constant 256 : i32
    %dma_wait3A_102 = tpu.memref_slice %arg9[%dma_wait3A_101] : memref<512xi32, #tpu.memory_space<vmem>> -> memref<128xi32, #tpu.memory_space<vmem>>
    %dma_wait3A_103 = arith.constant 0 : i32
    %dma_wait3A_104 = arith.constant 0 : i32
    %dma_wait3A_105 = tpu.memref_slice %arg4[%dma_wait3A_103, %dma_wait3A_104] : memref<100000x128xf32, #tpu.memory_space<hbm>> -> memref<100000x128xf32, #tpu.memory_space<hbm>>
    tpu.wait_indirect_dma semaphore(%arg19 : memref<!tpu.dma_semaphore, #tpu.memory_space<semaphore_mem>>) src(%dma_wait3A_105 : memref<100000x128xf32, #tpu.memory_space<hbm>>) dst(%arg11 : memref<128x128xf32, #tpu.memory_space<vmem>>)
    %dma_wait3A_106 = arith.constant 256 : i32
    %dma_wait3A_107 = tpu.memref_slice %arg10[%dma_wait3A_106] : memref<512xi32, #tpu.memory_space<vmem>> -> memref<128xi32, #tpu.memory_space<vmem>>
    %dma_wait3A_108 = arith.constant 0 : i32
    %dma_wait3A_109 = arith.constant 0 : i32
    %dma_wait3A_110 = tpu.memref_slice %arg5[%dma_wait3A_108, %dma_wait3A_109] : memref<100001x128xf32, #tpu.memory_space<hbm>> -> memref<100001x128xf32, #tpu.memory_space<hbm>>
    tpu.wait_indirect_dma semaphore(%arg19 : memref<!tpu.dma_semaphore, #tpu.memory_space<semaphore_mem>>) src(%dma_wait3A_110 : memref<100001x128xf32, #tpu.memory_space<hbm>>) dst(%arg13 : memref<128x128xf32, #tpu.memory_space<vmem>>)
    %parallel_loop3A_111 = arith.constant 0 : i32
    %parallel_loop3A_112 = arith.constant 64 : i32
    %parallel_loop3A_113 = arith.constant 1 : i32
    %parallel_loop3A_114:4 = scf.for %parallel_loop3A_139 = %parallel_loop3A_111 to %parallel_loop3A_112 step %parallel_loop3A_113 iter_args(%parallel_loop3A_140 = %parallel_loop3A_87#0, %parallel_loop3A_141 = %parallel_loop3A_87#1, %parallel_loop3A_142 = %parallel_loop3A_87#2, %parallel_loop3A_143 = %parallel_loop3A_87#3) -> (vector<16xf32>, vector<16xf32>, vector<16xf32>, vector<16xf32>)  : i32 {
      %parallel_loop3A_144 = arith.constant 2 : i32
      %parallel_loop3A_145 = arith.muli %parallel_loop3A_139, %parallel_loop3A_144 : i32
      %parallel_loop3A_146 = arith.constant 0 : i32
      %parallel_loop3A_147 = arith.addi %parallel_loop3A_145, %parallel_loop3A_146 : i32
      %parallel_loop3A_148 = arith.index_cast %parallel_loop3A_147 : i32 to index
      %parallel_loop3A_149 = arith.constant 0 : index
      %parallel_loop3A_150 = tpu.vector_load %arg11[%parallel_loop3A_148, %parallel_loop3A_149] {strides = array<i32>} : memref<128x128xf32, #tpu.memory_space<vmem>>, vector<16xf32>,
      %parallel_loop3A_151 = arith.index_cast %parallel_loop3A_147 : i32 to index
      %parallel_loop3A_152 = arith.constant 0 : index
      %parallel_loop3A_153 = tpu.vector_load %arg13[%parallel_loop3A_151, %parallel_loop3A_152] {strides = array<i32>} : memref<128x128xf32, #tpu.memory_space<vmem>>, vector<16xf32>,
      %parallel_loop3A_154 = arith.mulf %parallel_loop3A_150, %parallel_loop3A_153 : vector<16xf32>
      %parallel_loop3A_155 = arith.mulf %parallel_loop3A_154, %get3A_9 : vector<16xf32>
      %parallel_loop3A_156 = arith.mulf %parallel_loop3A_150, %parallel_loop3A_150 : vector<16xf32>
      %parallel_loop3A_157 = arith.addf %parallel_loop3A_140, %parallel_loop3A_156 : vector<16xf32>
      %parallel_loop3A_158 = arith.mulf %parallel_loop3A_153, %parallel_loop3A_153 : vector<16xf32>
      %parallel_loop3A_159 = arith.addf %parallel_loop3A_142, %parallel_loop3A_158 : vector<16xf32>
      %parallel_loop3A_160 = arith.index_cast %parallel_loop3A_147 : i32 to index
      %parallel_loop3A_161 = arith.constant 16 : index
      %parallel_loop3A_162 = tpu.vector_load %arg11[%parallel_loop3A_160, %parallel_loop3A_161] {strides = array<i32>} : memref<128x128xf32, #tpu.memory_space<vmem>>, vector<16xf32>,
      %parallel_loop3A_163 = arith.index_cast %parallel_loop3A_147 : i32 to index
      %parallel_loop3A_164 = arith.constant 16 : index
      %parallel_loop3A_165 = tpu.vector_load %arg13[%parallel_loop3A_163, %parallel_loop3A_164] {strides = array<i32>} : memref<128x128xf32, #tpu.memory_space<vmem>>, vector<16xf32>,
      %parallel_loop3A_166 = arith.mulf %parallel_loop3A_162, %parallel_loop3A_165 : vector<16xf32>
      %parallel_loop3A_167 = arith.mulf %parallel_loop3A_166, %get3A_11 : vector<16xf32>
      %parallel_loop3A_168 = arith.addf %parallel_loop3A_155, %parallel_loop3A_167 : vector<16xf32>
      %parallel_loop3A_169 = arith.mulf %parallel_loop3A_162, %parallel_loop3A_162 : vector<16xf32>
      %parallel_loop3A_170 = arith.addf %parallel_loop3A_157, %parallel_loop3A_169 : vector<16xf32>
      %parallel_loop3A_171 = arith.mulf %parallel_loop3A_165, %parallel_loop3A_165 : vector<16xf32>
      %parallel_loop3A_172 = arith.addf %parallel_loop3A_159, %parallel_loop3A_171 : vector<16xf32>
      %parallel_loop3A_173 = arith.index_cast %parallel_loop3A_147 : i32 to index
      %parallel_loop3A_174 = arith.constant 32 : index
      %parallel_loop3A_175 = tpu.vector_load %arg11[%parallel_loop3A_173, %parallel_loop3A_174] {strides = array<i32>} : memref<128x128xf32, #tpu.memory_space<vmem>>, vector<16xf32>,
      %parallel_loop3A_176 = arith.index_cast %parallel_loop3A_147 : i32 to index
      %parallel_loop3A_177 = arith.constant 32 : index
      %parallel_loop3A_178 = tpu.vector_load %arg13[%parallel_loop3A_176, %parallel_loop3A_177] {strides = array<i32>} : memref<128x128xf32, #tpu.memory_space<vmem>>, vector<16xf32>,
      %parallel_loop3A_179 = arith.mulf %parallel_loop3A_175, %parallel_loop3A_178 : vector<16xf32>
      %parallel_loop3A_180 = arith.mulf %parallel_loop3A_179, %get3A_13 : vector<16xf32>
      %parallel_loop3A_181 = arith.addf %parallel_loop3A_168, %parallel_loop3A_180 : vector<16xf32>
      %parallel_loop3A_182 = arith.mulf %parallel_loop3A_175, %parallel_loop3A_175 : vector<16xf32>
      %parallel_loop3A_183 = arith.addf %parallel_loop3A_170, %parallel_loop3A_182 : vector<16xf32>
      %parallel_loop3A_184 = arith.mulf %parallel_loop3A_178, %parallel_loop3A_178 : vector<16xf32>
      %parallel_loop3A_185 = arith.addf %parallel_loop3A_172, %parallel_loop3A_184 : vector<16xf32>
      %parallel_loop3A_186 = arith.index_cast %parallel_loop3A_147 : i32 to index
      %parallel_loop3A_187 = arith.constant 48 : index
      %parallel_loop3A_188 = tpu.vector_load %arg11[%parallel_loop3A_186, %parallel_loop3A_187] {strides = array<i32>} : memref<128x128xf32, #tpu.memory_space<vmem>>, vector<16xf32>,
      %parallel_loop3A_189 = arith.index_cast %parallel_loop3A_147 : i32 to index
      %parallel_loop3A_190 = arith.constant 48 : index
      %parallel_loop3A_191 = tpu.vector_load %arg13[%parallel_loop3A_189, %parallel_loop3A_190] {strides = array<i32>} : memref<128x128xf32, #tpu.memory_space<vmem>>, vector<16xf32>,
      %parallel_loop3A_192 = arith.mulf %parallel_loop3A_188, %parallel_loop3A_191 : vector<16xf32>
      %parallel_loop3A_193 = arith.mulf %parallel_loop3A_192, %get3A_15 : vector<16xf32>
      %parallel_loop3A_194 = arith.addf %parallel_loop3A_181, %parallel_loop3A_193 : vector<16xf32>
      %parallel_loop3A_195 = arith.mulf %parallel_loop3A_188, %parallel_loop3A_188 : vector<16xf32>
      %parallel_loop3A_196 = arith.addf %parallel_loop3A_183, %parallel_loop3A_195 : vector<16xf32>
      %parallel_loop3A_197 = arith.mulf %parallel_loop3A_191, %parallel_loop3A_191 : vector<16xf32>
      %parallel_loop3A_198 = arith.addf %parallel_loop3A_185, %parallel_loop3A_197 : vector<16xf32>
      %parallel_loop3A_199 = arith.index_cast %parallel_loop3A_147 : i32 to index
      %parallel_loop3A_200 = arith.constant 64 : index
      %parallel_loop3A_201 = tpu.vector_load %arg11[%parallel_loop3A_199, %parallel_loop3A_200] {strides = array<i32>} : memref<128x128xf32, #tpu.memory_space<vmem>>, vector<16xf32>,
      %parallel_loop3A_202 = arith.index_cast %parallel_loop3A_147 : i32 to index
      %parallel_loop3A_203 = arith.constant 64 : index
      %parallel_loop3A_204 = tpu.vector_load %arg13[%parallel_loop3A_202, %parallel_loop3A_203] {strides = array<i32>} : memref<128x128xf32, #tpu.memory_space<vmem>>, vector<16xf32>,
      %parallel_loop3A_205 = arith.mulf %parallel_loop3A_201, %parallel_loop3A_204 : vector<16xf32>
      %parallel_loop3A_206 = arith.mulf %parallel_loop3A_205, %get3A_17 : vector<16xf32>
      %parallel_loop3A_207 = arith.addf %parallel_loop3A_194, %parallel_loop3A_206 : vector<16xf32>
      %parallel_loop3A_208 = arith.mulf %parallel_loop3A_201, %parallel_loop3A_201 : vector<16xf32>
      %parallel_loop3A_209 = arith.addf %parallel_loop3A_196, %parallel_loop3A_208 : vector<16xf32>
      %parallel_loop3A_210 = arith.mulf %parallel_loop3A_204, %parallel_loop3A_204 : vector<16xf32>
      %parallel_loop3A_211 = arith.addf %parallel_loop3A_198, %parallel_loop3A_210 : vector<16xf32>
      %parallel_loop3A_212 = arith.index_cast %parallel_loop3A_147 : i32 to index
      %parallel_loop3A_213 = arith.constant 80 : index
      %parallel_loop3A_214 = tpu.vector_load %arg11[%parallel_loop3A_212, %parallel_loop3A_213] {strides = array<i32>} : memref<128x128xf32, #tpu.memory_space<vmem>>, vector<16xf32>,
      %parallel_loop3A_215 = arith.index_cast %parallel_loop3A_147 : i32 to index
      %parallel_loop3A_216 = arith.constant 80 : index
      %parallel_loop3A_217 = tpu.vector_load %arg13[%parallel_loop3A_215, %parallel_loop3A_216] {strides = array<i32>} : memref<128x128xf32, #tpu.memory_space<vmem>>, vector<16xf32>,
      %parallel_loop3A_218 = arith.mulf %parallel_loop3A_214, %parallel_loop3A_217 : vector<16xf32>
      %parallel_loop3A_219 = arith.mulf %parallel_loop3A_218, %get3A_19 : vector<16xf32>
      %parallel_loop3A_220 = arith.addf %parallel_loop3A_207, %parallel_loop3A_219 : vector<16xf32>
      %parallel_loop3A_221 = arith.mulf %parallel_loop3A_214, %parallel_loop3A_214 : vector<16xf32>
      %parallel_loop3A_222 = arith.addf %parallel_loop3A_209, %parallel_loop3A_221 : vector<16xf32>
      %parallel_loop3A_223 = arith.mulf %parallel_loop3A_217, %parallel_loop3A_217 : vector<16xf32>
      %parallel_loop3A_224 = arith.addf %parallel_loop3A_211, %parallel_loop3A_223 : vector<16xf32>
      %parallel_loop3A_225 = arith.index_cast %parallel_loop3A_147 : i32 to index
      %parallel_loop3A_226 = arith.constant 96 : index
      %parallel_loop3A_227 = tpu.vector_load %arg11[%parallel_loop3A_225, %parallel_loop3A_226] {strides = array<i32>} : memref<128x128xf32, #tpu.memory_space<vmem>>, vector<16xf32>,
      %parallel_loop3A_228 = arith.index_cast %parallel_loop3A_147 : i32 to index
      %parallel_loop3A_229 = arith.constant 96 : index
      %parallel_loop3A_230 = tpu.vector_load %arg13[%parallel_loop3A_228, %parallel_loop3A_229] {strides = array<i32>} : memref<128x128xf32, #tpu.memory_space<vmem>>, vector<16xf32>,
      %parallel_loop3A_231 = arith.mulf %parallel_loop3A_227, %parallel_loop3A_230 : vector<16xf32>
      %parallel_loop3A_232 = arith.mulf %parallel_loop3A_231, %get3A_21 : vector<16xf32>
      %parallel_loop3A_233 = arith.addf %parallel_loop3A_220, %parallel_loop3A_232 : vector<16xf32>
      %parallel_loop3A_234 = arith.mulf %parallel_loop3A_227, %parallel_loop3A_227 : vector<16xf32>
      %parallel_loop3A_235 = arith.addf %parallel_loop3A_222, %parallel_loop3A_234 : vector<16xf32>
      %parallel_loop3A_236 = arith.mulf %parallel_loop3A_230, %parallel_loop3A_230 : vector<16xf32>
      %parallel_loop3A_237 = arith.addf %parallel_loop3A_224, %parallel_loop3A_236 : vector<16xf32>
      %parallel_loop3A_238 = arith.index_cast %parallel_loop3A_147 : i32 to index
      %parallel_loop3A_239 = arith.constant 112 : index
      %parallel_loop3A_240 = tpu.vector_load %arg11[%parallel_loop3A_238, %parallel_loop3A_239] {strides = array<i32>} : memref<128x128xf32, #tpu.memory_space<vmem>>, vector<16xf32>,
      %parallel_loop3A_241 = arith.index_cast %parallel_loop3A_147 : i32 to index
      %parallel_loop3A_242 = arith.constant 112 : index
      %parallel_loop3A_243 = tpu.vector_load %arg13[%parallel_loop3A_241, %parallel_loop3A_242] {strides = array<i32>} : memref<128x128xf32, #tpu.memory_space<vmem>>, vector<16xf32>,
      %parallel_loop3A_244 = arith.mulf %parallel_loop3A_240, %parallel_loop3A_243 : vector<16xf32>
      %parallel_loop3A_245 = arith.mulf %parallel_loop3A_244, %get3A_23 : vector<16xf32>
      %parallel_loop3A_246 = arith.addf %parallel_loop3A_233, %parallel_loop3A_245 : vector<16xf32>
      %parallel_loop3A_247 = arith.mulf %parallel_loop3A_240, %parallel_loop3A_240 : vector<16xf32>
      %parallel_loop3A_248 = arith.addf %parallel_loop3A_235, %parallel_loop3A_247 : vector<16xf32>
      %parallel_loop3A_249 = arith.mulf %parallel_loop3A_243, %parallel_loop3A_243 : vector<16xf32>
      %parallel_loop3A_250 = arith.addf %parallel_loop3A_237, %parallel_loop3A_249 : vector<16xf32>
      %parallel_loop3A_251 = arith.constant 16 : i32
      %parallel_loop3A_252 = arith.muli %parallel_loop3A_147, %parallel_loop3A_251 : i32
      %parallel_loop3A_253 = arith.index_cast %parallel_loop3A_252 : i32 to index
      %parallel_loop3A_254 = tpu.vector_load %arg18[%parallel_loop3A_253] {strides = array<i32>} : memref<2048xf32, #tpu.memory_space<vmem>>, vector<16xf32>,
      tpu.vector_store %arg18[%parallel_loop3A_253], %parallel_loop3A_246 {strides = array<i32>} : memref<2048xf32, #tpu.memory_space<vmem>>, vector<16xf32>,
      %parallel_loop3A_255 = arith.constant 1 : i32
      %parallel_loop3A_256 = arith.addi %parallel_loop3A_145, %parallel_loop3A_255 : i32
      %parallel_loop3A_257 = arith.index_cast %parallel_loop3A_256 : i32 to index
      %parallel_loop3A_258 = arith.constant 0 : index
      %parallel_loop3A_259 = tpu.vector_load %arg11[%parallel_loop3A_257, %parallel_loop3A_258] {strides = array<i32>} : memref<128x128xf32, #tpu.memory_space<vmem>>, vector<16xf32>,
      %parallel_loop3A_260 = arith.index_cast %parallel_loop3A_256 : i32 to index
      %parallel_loop3A_261 = arith.constant 0 : index
      %parallel_loop3A_262 = tpu.vector_load %arg13[%parallel_loop3A_260, %parallel_loop3A_261] {strides = array<i32>} : memref<128x128xf32, #tpu.memory_space<vmem>>, vector<16xf32>,
      %parallel_loop3A_263 = arith.mulf %parallel_loop3A_259, %parallel_loop3A_262 : vector<16xf32>
      %parallel_loop3A_264 = arith.mulf %parallel_loop3A_263, %get3A_9 : vector<16xf32>
      %parallel_loop3A_265 = arith.mulf %parallel_loop3A_259, %parallel_loop3A_259 : vector<16xf32>
      %parallel_loop3A_266 = arith.addf %parallel_loop3A_141, %parallel_loop3A_265 : vector<16xf32>
      %parallel_loop3A_267 = arith.mulf %parallel_loop3A_262, %parallel_loop3A_262 : vector<16xf32>
      %parallel_loop3A_268 = arith.addf %parallel_loop3A_143, %parallel_loop3A_267 : vector<16xf32>
      %parallel_loop3A_269 = arith.index_cast %parallel_loop3A_256 : i32 to index
      %parallel_loop3A_270 = arith.constant 16 : index
      %parallel_loop3A_271 = tpu.vector_load %arg11[%parallel_loop3A_269, %parallel_loop3A_270] {strides = array<i32>} : memref<128x128xf32, #tpu.memory_space<vmem>>, vector<16xf32>,
      %parallel_loop3A_272 = arith.index_cast %parallel_loop3A_256 : i32 to index
      %parallel_loop3A_273 = arith.constant 16 : index
      %parallel_loop3A_274 = tpu.vector_load %arg13[%parallel_loop3A_272, %parallel_loop3A_273] {strides = array<i32>} : memref<128x128xf32, #tpu.memory_space<vmem>>, vector<16xf32>,
      %parallel_loop3A_275 = arith.mulf %parallel_loop3A_271, %parallel_loop3A_274 : vector<16xf32>
      %parallel_loop3A_276 = arith.mulf %parallel_loop3A_275, %get3A_11 : vector<16xf32>
      %parallel_loop3A_277 = arith.addf %parallel_loop3A_264, %parallel_loop3A_276 : vector<16xf32>
      %parallel_loop3A_278 = arith.mulf %parallel_loop3A_271, %parallel_loop3A_271 : vector<16xf32>
      %parallel_loop3A_279 = arith.addf %parallel_loop3A_266, %parallel_loop3A_278 : vector<16xf32>
      %parallel_loop3A_280 = arith.mulf %parallel_loop3A_274, %parallel_loop3A_274 : vector<16xf32>
      %parallel_loop3A_281 = arith.addf %parallel_loop3A_268, %parallel_loop3A_280 : vector<16xf32>
      %parallel_loop3A_282 = arith.index_cast %parallel_loop3A_256 : i32 to index
      %parallel_loop3A_283 = arith.constant 32 : index
      %parallel_loop3A_284 = tpu.vector_load %arg11[%parallel_loop3A_282, %parallel_loop3A_283] {strides = array<i32>} : memref<128x128xf32, #tpu.memory_space<vmem>>, vector<16xf32>,
      %parallel_loop3A_285 = arith.index_cast %parallel_loop3A_256 : i32 to index
      %parallel_loop3A_286 = arith.constant 32 : index
      %parallel_loop3A_287 = tpu.vector_load %arg13[%parallel_loop3A_285, %parallel_loop3A_286] {strides = array<i32>} : memref<128x128xf32, #tpu.memory_space<vmem>>, vector<16xf32>,
      %parallel_loop3A_288 = arith.mulf %parallel_loop3A_284, %parallel_loop3A_287 : vector<16xf32>
      %parallel_loop3A_289 = arith.mulf %parallel_loop3A_288, %get3A_13 : vector<16xf32>
      %parallel_loop3A_290 = arith.addf %parallel_loop3A_277, %parallel_loop3A_289 : vector<16xf32>
      %parallel_loop3A_291 = arith.mulf %parallel_loop3A_284, %parallel_loop3A_284 : vector<16xf32>
      %parallel_loop3A_292 = arith.addf %parallel_loop3A_279, %parallel_loop3A_291 : vector<16xf32>
      %parallel_loop3A_293 = arith.mulf %parallel_loop3A_287, %parallel_loop3A_287 : vector<16xf32>
      %parallel_loop3A_294 = arith.addf %parallel_loop3A_281, %parallel_loop3A_293 : vector<16xf32>
      %parallel_loop3A_295 = arith.index_cast %parallel_loop3A_256 : i32 to index
      %parallel_loop3A_296 = arith.constant 48 : index
      %parallel_loop3A_297 = tpu.vector_load %arg11[%parallel_loop3A_295, %parallel_loop3A_296] {strides = array<i32>} : memref<128x128xf32, #tpu.memory_space<vmem>>, vector<16xf32>,
      %parallel_loop3A_298 = arith.index_cast %parallel_loop3A_256 : i32 to index
      %parallel_loop3A_299 = arith.constant 48 : index
      %parallel_loop3A_300 = tpu.vector_load %arg13[%parallel_loop3A_298, %parallel_loop3A_299] {strides = array<i32>} : memref<128x128xf32, #tpu.memory_space<vmem>>, vector<16xf32>,
      %parallel_loop3A_301 = arith.mulf %parallel_loop3A_297, %parallel_loop3A_300 : vector<16xf32>
      %parallel_loop3A_302 = arith.mulf %parallel_loop3A_301, %get3A_15 : vector<16xf32>
      %parallel_loop3A_303 = arith.addf %parallel_loop3A_290, %parallel_loop3A_302 : vector<16xf32>
      %parallel_loop3A_304 = arith.mulf %parallel_loop3A_297, %parallel_loop3A_297 : vector<16xf32>
      %parallel_loop3A_305 = arith.addf %parallel_loop3A_292, %parallel_loop3A_304 : vector<16xf32>
      %parallel_loop3A_306 = arith.mulf %parallel_loop3A_300, %parallel_loop3A_300 : vector<16xf32>
      %parallel_loop3A_307 = arith.addf %parallel_loop3A_294, %parallel_loop3A_306 : vector<16xf32>
      %parallel_loop3A_308 = arith.index_cast %parallel_loop3A_256 : i32 to index
      %parallel_loop3A_309 = arith.constant 64 : index
      %parallel_loop3A_310 = tpu.vector_load %arg11[%parallel_loop3A_308, %parallel_loop3A_309] {strides = array<i32>} : memref<128x128xf32, #tpu.memory_space<vmem>>, vector<16xf32>,
      %parallel_loop3A_311 = arith.index_cast %parallel_loop3A_256 : i32 to index
      %parallel_loop3A_312 = arith.constant 64 : index
      %parallel_loop3A_313 = tpu.vector_load %arg13[%parallel_loop3A_311, %parallel_loop3A_312] {strides = array<i32>} : memref<128x128xf32, #tpu.memory_space<vmem>>, vector<16xf32>,
      %parallel_loop3A_314 = arith.mulf %parallel_loop3A_310, %parallel_loop3A_313 : vector<16xf32>
      %parallel_loop3A_315 = arith.mulf %parallel_loop3A_314, %get3A_17 : vector<16xf32>
      %parallel_loop3A_316 = arith.addf %parallel_loop3A_303, %parallel_loop3A_315 : vector<16xf32>
      %parallel_loop3A_317 = arith.mulf %parallel_loop3A_310, %parallel_loop3A_310 : vector<16xf32>
      %parallel_loop3A_318 = arith.addf %parallel_loop3A_305, %parallel_loop3A_317 : vector<16xf32>
      %parallel_loop3A_319 = arith.mulf %parallel_loop3A_313, %parallel_loop3A_313 : vector<16xf32>
      %parallel_loop3A_320 = arith.addf %parallel_loop3A_307, %parallel_loop3A_319 : vector<16xf32>
      %parallel_loop3A_321 = arith.index_cast %parallel_loop3A_256 : i32 to index
      %parallel_loop3A_322 = arith.constant 80 : index
      %parallel_loop3A_323 = tpu.vector_load %arg11[%parallel_loop3A_321, %parallel_loop3A_322] {strides = array<i32>} : memref<128x128xf32, #tpu.memory_space<vmem>>, vector<16xf32>,
      %parallel_loop3A_324 = arith.index_cast %parallel_loop3A_256 : i32 to index
      %parallel_loop3A_325 = arith.constant 80 : index
      %parallel_loop3A_326 = tpu.vector_load %arg13[%parallel_loop3A_324, %parallel_loop3A_325] {strides = array<i32>} : memref<128x128xf32, #tpu.memory_space<vmem>>, vector<16xf32>,
      %parallel_loop3A_327 = arith.mulf %parallel_loop3A_323, %parallel_loop3A_326 : vector<16xf32>
      %parallel_loop3A_328 = arith.mulf %parallel_loop3A_327, %get3A_19 : vector<16xf32>
      %parallel_loop3A_329 = arith.addf %parallel_loop3A_316, %parallel_loop3A_328 : vector<16xf32>
      %parallel_loop3A_330 = arith.mulf %parallel_loop3A_323, %parallel_loop3A_323 : vector<16xf32>
      %parallel_loop3A_331 = arith.addf %parallel_loop3A_318, %parallel_loop3A_330 : vector<16xf32>
      %parallel_loop3A_332 = arith.mulf %parallel_loop3A_326, %parallel_loop3A_326 : vector<16xf32>
      %parallel_loop3A_333 = arith.addf %parallel_loop3A_320, %parallel_loop3A_332 : vector<16xf32>
      %parallel_loop3A_334 = arith.index_cast %parallel_loop3A_256 : i32 to index
      %parallel_loop3A_335 = arith.constant 96 : index
      %parallel_loop3A_336 = tpu.vector_load %arg11[%parallel_loop3A_334, %parallel_loop3A_335] {strides = array<i32>} : memref<128x128xf32, #tpu.memory_space<vmem>>, vector<16xf32>,
      %parallel_loop3A_337 = arith.index_cast %parallel_loop3A_256 : i32 to index
      %parallel_loop3A_338 = arith.constant 96 : index
      %parallel_loop3A_339 = tpu.vector_load %arg13[%parallel_loop3A_337, %parallel_loop3A_338] {strides = array<i32>} : memref<128x128xf32, #tpu.memory_space<vmem>>, vector<16xf32>,
      %parallel_loop3A_340 = arith.mulf %parallel_loop3A_336, %parallel_loop3A_339 : vector<16xf32>
      %parallel_loop3A_341 = arith.mulf %parallel_loop3A_340, %get3A_21 : vector<16xf32>
      %parallel_loop3A_342 = arith.addf %parallel_loop3A_329, %parallel_loop3A_341 : vector<16xf32>
      %parallel_loop3A_343 = arith.mulf %parallel_loop3A_336, %parallel_loop3A_336 : vector<16xf32>
      %parallel_loop3A_344 = arith.addf %parallel_loop3A_331, %parallel_loop3A_343 : vector<16xf32>
      %parallel_loop3A_345 = arith.mulf %parallel_loop3A_339, %parallel_loop3A_339 : vector<16xf32>
      %parallel_loop3A_346 = arith.addf %parallel_loop3A_333, %parallel_loop3A_345 : vector<16xf32>
      %parallel_loop3A_347 = arith.index_cast %parallel_loop3A_256 : i32 to index
      %parallel_loop3A_348 = arith.constant 112 : index
      %parallel_loop3A_349 = tpu.vector_load %arg11[%parallel_loop3A_347, %parallel_loop3A_348] {strides = array<i32>} : memref<128x128xf32, #tpu.memory_space<vmem>>, vector<16xf32>,
      %parallel_loop3A_350 = arith.index_cast %parallel_loop3A_256 : i32 to index
      %parallel_loop3A_351 = arith.constant 112 : index
      %parallel_loop3A_352 = tpu.vector_load %arg13[%parallel_loop3A_350, %parallel_loop3A_351] {strides = array<i32>} : memref<128x128xf32, #tpu.memory_space<vmem>>, vector<16xf32>,
      %parallel_loop3A_353 = arith.mulf %parallel_loop3A_349, %parallel_loop3A_352 : vector<16xf32>
      %parallel_loop3A_354 = arith.mulf %parallel_loop3A_353, %get3A_23 : vector<16xf32>
      %parallel_loop3A_355 = arith.addf %parallel_loop3A_342, %parallel_loop3A_354 : vector<16xf32>
      %parallel_loop3A_356 = arith.mulf %parallel_loop3A_349, %parallel_loop3A_349 : vector<16xf32>
      %parallel_loop3A_357 = arith.addf %parallel_loop3A_344, %parallel_loop3A_356 : vector<16xf32>
      %parallel_loop3A_358 = arith.mulf %parallel_loop3A_352, %parallel_loop3A_352 : vector<16xf32>
      %parallel_loop3A_359 = arith.addf %parallel_loop3A_346, %parallel_loop3A_358 : vector<16xf32>
      %parallel_loop3A_360 = arith.constant 16 : i32
      %parallel_loop3A_361 = arith.muli %parallel_loop3A_256, %parallel_loop3A_360 : i32
      %parallel_loop3A_362 = arith.index_cast %parallel_loop3A_361 : i32 to index
      %parallel_loop3A_363 = tpu.vector_load %arg18[%parallel_loop3A_362] {strides = array<i32>} : memref<2048xf32, #tpu.memory_space<vmem>>, vector<16xf32>,
      tpu.vector_store %arg18[%parallel_loop3A_362], %parallel_loop3A_355 {strides = array<i32>} : memref<2048xf32, #tpu.memory_space<vmem>>, vector<16xf32>,
      scf.yield %parallel_loop3A_248, %parallel_loop3A_357, %parallel_loop3A_250, %parallel_loop3A_359 : vector<16xf32>, vector<16xf32>, vector<16xf32>, vector<16xf32>
    } {sc.loop_unroll_factor = 1 : i64, sc.parallel_access}
    %parallel_loop3A_115 = arith.constant 0 : i32
    %parallel_loop3A_116 = arith.constant 8 : i32
    %parallel_loop3A_117 = arith.constant 1 : i32
    scf.for %parallel_loop3A_139 = %parallel_loop3A_115 to %parallel_loop3A_116 step %parallel_loop3A_117  : i32 {
      %parallel_loop3A_140 = arith.constant 256 : i32
      %parallel_loop3A_141 = arith.muli %parallel_loop3A_139, %parallel_loop3A_140 : i32
      %parallel_loop3A_142 = vector.broadcast %parallel_loop3A_141 : i32 to vector<16xi32>
      %parallel_loop3A_143 = arith.addi %mul3A_26, %parallel_loop3A_142 : vector<16xi32>
      %parallel_loop3A_144 = arith.constant 0 : i32
      %parallel_loop3A_145 = vector.broadcast %parallel_loop3A_144 : i32 to vector<16xi32>
      %parallel_loop3A_146 = arith.addi %parallel_loop3A_143, %parallel_loop3A_145 : vector<16xi32>
      %parallel_loop3A_147 = tpu.vector_load_idx %arg18[%parallel_loop3A_146] : memref<2048xf32, #tpu.memory_space<vmem>>[vector<16xi32>], vector<16xf32>,
      %parallel_loop3A_148 = arith.constant 1 : i32
      %parallel_loop3A_149 = vector.broadcast %parallel_loop3A_148 : i32 to vector<16xi32>
      %parallel_loop3A_150 = arith.addi %parallel_loop3A_143, %parallel_loop3A_149 : vector<16xi32>
      %parallel_loop3A_151 = tpu.vector_load_idx %arg18[%parallel_loop3A_150] : memref<2048xf32, #tpu.memory_space<vmem>>[vector<16xi32>], vector<16xf32>,
      %parallel_loop3A_152 = arith.addf %parallel_loop3A_147, %parallel_loop3A_151 : vector<16xf32>
      %parallel_loop3A_153 = arith.constant 2 : i32
      %parallel_loop3A_154 = vector.broadcast %parallel_loop3A_153 : i32 to vector<16xi32>
      %parallel_loop3A_155 = arith.addi %parallel_loop3A_143, %parallel_loop3A_154 : vector<16xi32>
      %parallel_loop3A_156 = tpu.vector_load_idx %arg18[%parallel_loop3A_155] : memref<2048xf32, #tpu.memory_space<vmem>>[vector<16xi32>], vector<16xf32>,
      %parallel_loop3A_157 = arith.addf %parallel_loop3A_152, %parallel_loop3A_156 : vector<16xf32>
      %parallel_loop3A_158 = arith.constant 3 : i32
      %parallel_loop3A_159 = vector.broadcast %parallel_loop3A_158 : i32 to vector<16xi32>
      %parallel_loop3A_160 = arith.addi %parallel_loop3A_143, %parallel_loop3A_159 : vector<16xi32>
      %parallel_loop3A_161 = tpu.vector_load_idx %arg18[%parallel_loop3A_160] : memref<2048xf32, #tpu.memory_space<vmem>>[vector<16xi32>], vector<16xf32>,
      %parallel_loop3A_162 = arith.addf %parallel_loop3A_157, %parallel_loop3A_161 : vector<16xf32>
      %parallel_loop3A_163 = arith.constant 4 : i32
      %parallel_loop3A_164 = vector.broadcast %parallel_loop3A_163 : i32 to vector<16xi32>
      %parallel_loop3A_165 = arith.addi %parallel_loop3A_143, %parallel_loop3A_164 : vector<16xi32>
      %parallel_loop3A_166 = tpu.vector_load_idx %arg18[%parallel_loop3A_165] : memref<2048xf32, #tpu.memory_space<vmem>>[vector<16xi32>], vector<16xf32>,
      %parallel_loop3A_167 = arith.addf %parallel_loop3A_162, %parallel_loop3A_166 : vector<16xf32>
      %parallel_loop3A_168 = arith.constant 5 : i32
      %parallel_loop3A_169 = vector.broadcast %parallel_loop3A_168 : i32 to vector<16xi32>
      %parallel_loop3A_170 = arith.addi %parallel_loop3A_143, %parallel_loop3A_169 : vector<16xi32>
      %parallel_loop3A_171 = tpu.vector_load_idx %arg18[%parallel_loop3A_170] : memref<2048xf32, #tpu.memory_space<vmem>>[vector<16xi32>], vector<16xf32>,
      %parallel_loop3A_172 = arith.addf %parallel_loop3A_167, %parallel_loop3A_171 : vector<16xf32>
      %parallel_loop3A_173 = arith.constant 6 : i32
      %parallel_loop3A_174 = vector.broadcast %parallel_loop3A_173 : i32 to vector<16xi32>
      %parallel_loop3A_175 = arith.addi %parallel_loop3A_143, %parallel_loop3A_174 : vector<16xi32>
      %parallel_loop3A_176 = tpu.vector_load_idx %arg18[%parallel_loop3A_175] : memref<2048xf32, #tpu.memory_space<vmem>>[vector<16xi32>], vector<16xf32>,
      %parallel_loop3A_177 = arith.addf %parallel_loop3A_172, %parallel_loop3A_176 : vector<16xf32>
      %parallel_loop3A_178 = arith.constant 7 : i32
      %parallel_loop3A_179 = vector.broadcast %parallel_loop3A_178 : i32 to vector<16xi32>
      %parallel_loop3A_180 = arith.addi %parallel_loop3A_143, %parallel_loop3A_179 : vector<16xi32>
      %parallel_loop3A_181 = tpu.vector_load_idx %arg18[%parallel_loop3A_180] : memref<2048xf32, #tpu.memory_space<vmem>>[vector<16xi32>], vector<16xf32>,
      %parallel_loop3A_182 = arith.addf %parallel_loop3A_177, %parallel_loop3A_181 : vector<16xf32>
      %parallel_loop3A_183 = arith.constant 8 : i32
      %parallel_loop3A_184 = vector.broadcast %parallel_loop3A_183 : i32 to vector<16xi32>
      %parallel_loop3A_185 = arith.addi %parallel_loop3A_143, %parallel_loop3A_184 : vector<16xi32>
      %parallel_loop3A_186 = tpu.vector_load_idx %arg18[%parallel_loop3A_185] : memref<2048xf32, #tpu.memory_space<vmem>>[vector<16xi32>], vector<16xf32>,
      %parallel_loop3A_187 = arith.addf %parallel_loop3A_182, %parallel_loop3A_186 : vector<16xf32>
      %parallel_loop3A_188 = arith.constant 9 : i32
      %parallel_loop3A_189 = vector.broadcast %parallel_loop3A_188 : i32 to vector<16xi32>
      %parallel_loop3A_190 = arith.addi %parallel_loop3A_143, %parallel_loop3A_189 : vector<16xi32>
      %parallel_loop3A_191 = tpu.vector_load_idx %arg18[%parallel_loop3A_190] : memref<2048xf32, #tpu.memory_space<vmem>>[vector<16xi32>], vector<16xf32>,
      %parallel_loop3A_192 = arith.addf %parallel_loop3A_187, %parallel_loop3A_191 : vector<16xf32>
      %parallel_loop3A_193 = arith.constant 10 : i32
      %parallel_loop3A_194 = vector.broadcast %parallel_loop3A_193 : i32 to vector<16xi32>
      %parallel_loop3A_195 = arith.addi %parallel_loop3A_143, %parallel_loop3A_194 : vector<16xi32>
      %parallel_loop3A_196 = tpu.vector_load_idx %arg18[%parallel_loop3A_195] : memref<2048xf32, #tpu.memory_space<vmem>>[vector<16xi32>], vector<16xf32>,
      %parallel_loop3A_197 = arith.addf %parallel_loop3A_192, %parallel_loop3A_196 : vector<16xf32>
      %parallel_loop3A_198 = arith.constant 11 : i32
      %parallel_loop3A_199 = vector.broadcast %parallel_loop3A_198 : i32 to vector<16xi32>
      %parallel_loop3A_200 = arith.addi %parallel_loop3A_143, %parallel_loop3A_199 : vector<16xi32>
      %parallel_loop3A_201 = tpu.vector_load_idx %arg18[%parallel_loop3A_200] : memref<2048xf32, #tpu.memory_space<vmem>>[vector<16xi32>], vector<16xf32>,
      %parallel_loop3A_202 = arith.addf %parallel_loop3A_197, %parallel_loop3A_201 : vector<16xf32>
      %parallel_loop3A_203 = arith.constant 12 : i32
      %parallel_loop3A_204 = vector.broadcast %parallel_loop3A_203 : i32 to vector<16xi32>
      %parallel_loop3A_205 = arith.addi %parallel_loop3A_143, %parallel_loop3A_204 : vector<16xi32>
      %parallel_loop3A_206 = tpu.vector_load_idx %arg18[%parallel_loop3A_205] : memref<2048xf32, #tpu.memory_space<vmem>>[vector<16xi32>], vector<16xf32>,
      %parallel_loop3A_207 = arith.addf %parallel_loop3A_202, %parallel_loop3A_206 : vector<16xf32>
      %parallel_loop3A_208 = arith.constant 13 : i32
      %parallel_loop3A_209 = vector.broadcast %parallel_loop3A_208 : i32 to vector<16xi32>
      %parallel_loop3A_210 = arith.addi %parallel_loop3A_143, %parallel_loop3A_209 : vector<16xi32>
      %parallel_loop3A_211 = tpu.vector_load_idx %arg18[%parallel_loop3A_210] : memref<2048xf32, #tpu.memory_space<vmem>>[vector<16xi32>], vector<16xf32>,
      %parallel_loop3A_212 = arith.addf %parallel_loop3A_207, %parallel_loop3A_211 : vector<16xf32>
      %parallel_loop3A_213 = arith.constant 14 : i32
      %parallel_loop3A_214 = vector.broadcast %parallel_loop3A_213 : i32 to vector<16xi32>
      %parallel_loop3A_215 = arith.addi %parallel_loop3A_143, %parallel_loop3A_214 : vector<16xi32>
      %parallel_loop3A_216 = tpu.vector_load_idx %arg18[%parallel_loop3A_215] : memref<2048xf32, #tpu.memory_space<vmem>>[vector<16xi32>], vector<16xf32>,
      %parallel_loop3A_217 = arith.addf %parallel_loop3A_212, %parallel_loop3A_216 : vector<16xf32>
      %parallel_loop3A_218 = arith.constant 15 : i32
      %parallel_loop3A_219 = vector.broadcast %parallel_loop3A_218 : i32 to vector<16xi32>
      %parallel_loop3A_220 = arith.addi %parallel_loop3A_143, %parallel_loop3A_219 : vector<16xi32>
      %parallel_loop3A_221 = tpu.vector_load_idx %arg18[%parallel_loop3A_220] : memref<2048xf32, #tpu.memory_space<vmem>>[vector<16xi32>], vector<16xf32>,
      %parallel_loop3A_222 = arith.addf %parallel_loop3A_217, %parallel_loop3A_221 : vector<16xf32>
      %parallel_loop3A_223 = arith.constant 16 : i32
      %parallel_loop3A_224 = arith.muli %parallel_loop3A_139, %parallel_loop3A_223 : i32
      %parallel_loop3A_225 = arith.constant 256 : i32
      %parallel_loop3A_226 = arith.addi %parallel_loop3A_225, %parallel_loop3A_224 : i32
      %parallel_loop3A_227 = arith.index_cast %parallel_loop3A_226 : i32 to index
      %parallel_loop3A_228 = tpu.vector_load %arg16[%parallel_loop3A_227] {strides = array<i32>} : memref<512xf32, #tpu.memory_space<vmem>>, vector<16xf32>,
      tpu.vector_store %arg16[%parallel_loop3A_227], %parallel_loop3A_222 {strides = array<i32>} : memref<512xf32, #tpu.memory_space<vmem>>, vector<16xf32>,
    } {sc.loop_unroll_factor = 1 : i64, sc.parallel_access}
    %dma_wait3A_118 = arith.constant 384 : i32
    %dma_wait3A_119 = tpu.memref_slice %arg9[%dma_wait3A_118] : memref<512xi32, #tpu.memory_space<vmem>> -> memref<128xi32, #tpu.memory_space<vmem>>
    %dma_wait3A_120 = arith.constant 0 : i32
    %dma_wait3A_121 = arith.constant 0 : i32
    %dma_wait3A_122 = tpu.memref_slice %arg4[%dma_wait3A_120, %dma_wait3A_121] : memref<100000x128xf32, #tpu.memory_space<hbm>> -> memref<100000x128xf32, #tpu.memory_space<hbm>>
    tpu.wait_indirect_dma semaphore(%arg20 : memref<!tpu.dma_semaphore, #tpu.memory_space<semaphore_mem>>) src(%dma_wait3A_122 : memref<100000x128xf32, #tpu.memory_space<hbm>>) dst(%arg12 : memref<128x128xf32, #tpu.memory_space<vmem>>)
    %dma_wait3A_123 = arith.constant 384 : i32
    %dma_wait3A_124 = tpu.memref_slice %arg10[%dma_wait3A_123] : memref<512xi32, #tpu.memory_space<vmem>> -> memref<128xi32, #tpu.memory_space<vmem>>
    %dma_wait3A_125 = arith.constant 0 : i32
    %dma_wait3A_126 = arith.constant 0 : i32
    %dma_wait3A_127 = tpu.memref_slice %arg5[%dma_wait3A_125, %dma_wait3A_126] : memref<100001x128xf32, #tpu.memory_space<hbm>> -> memref<100001x128xf32, #tpu.memory_space<hbm>>
    tpu.wait_indirect_dma semaphore(%arg20 : memref<!tpu.dma_semaphore, #tpu.memory_space<semaphore_mem>>) src(%dma_wait3A_127 : memref<100001x128xf32, #tpu.memory_space<hbm>>) dst(%arg14 : memref<128x128xf32, #tpu.memory_space<vmem>>)
    %parallel_loop3A_128 = arith.constant 0 : i32
    %parallel_loop3A_129 = arith.constant 64 : i32
    %parallel_loop3A_130 = arith.constant 1 : i32
    %parallel_loop3A_131:4 = scf.for %parallel_loop3A_139 = %parallel_loop3A_128 to %parallel_loop3A_129 step %parallel_loop3A_130 iter_args(%parallel_loop3A_140 = %parallel_loop3A_114#0, %parallel_loop3A_141 = %parallel_loop3A_114#1, %parallel_loop3A_142 = %parallel_loop3A_114#2, %parallel_loop3A_143 = %parallel_loop3A_114#3) -> (vector<16xf32>, vector<16xf32>, vector<16xf32>, vector<16xf32>)  : i32 {
      %parallel_loop3A_144 = arith.constant 2 : i32
      %parallel_loop3A_145 = arith.muli %parallel_loop3A_139, %parallel_loop3A_144 : i32
      %parallel_loop3A_146 = arith.constant 0 : i32
      %parallel_loop3A_147 = arith.addi %parallel_loop3A_145, %parallel_loop3A_146 : i32
      %parallel_loop3A_148 = arith.index_cast %parallel_loop3A_147 : i32 to index
      %parallel_loop3A_149 = arith.constant 0 : index
      %parallel_loop3A_150 = tpu.vector_load %arg12[%parallel_loop3A_148, %parallel_loop3A_149] {strides = array<i32>} : memref<128x128xf32, #tpu.memory_space<vmem>>, vector<16xf32>,
      %parallel_loop3A_151 = arith.index_cast %parallel_loop3A_147 : i32 to index
      %parallel_loop3A_152 = arith.constant 0 : index
      %parallel_loop3A_153 = tpu.vector_load %arg14[%parallel_loop3A_151, %parallel_loop3A_152] {strides = array<i32>} : memref<128x128xf32, #tpu.memory_space<vmem>>, vector<16xf32>,
      %parallel_loop3A_154 = arith.mulf %parallel_loop3A_150, %parallel_loop3A_153 : vector<16xf32>
      %parallel_loop3A_155 = arith.mulf %parallel_loop3A_154, %get3A_9 : vector<16xf32>
      %parallel_loop3A_156 = arith.mulf %parallel_loop3A_150, %parallel_loop3A_150 : vector<16xf32>
      %parallel_loop3A_157 = arith.addf %parallel_loop3A_140, %parallel_loop3A_156 : vector<16xf32>
      %parallel_loop3A_158 = arith.mulf %parallel_loop3A_153, %parallel_loop3A_153 : vector<16xf32>
      %parallel_loop3A_159 = arith.addf %parallel_loop3A_142, %parallel_loop3A_158 : vector<16xf32>
      %parallel_loop3A_160 = arith.index_cast %parallel_loop3A_147 : i32 to index
      %parallel_loop3A_161 = arith.constant 16 : index
      %parallel_loop3A_162 = tpu.vector_load %arg12[%parallel_loop3A_160, %parallel_loop3A_161] {strides = array<i32>} : memref<128x128xf32, #tpu.memory_space<vmem>>, vector<16xf32>,
      %parallel_loop3A_163 = arith.index_cast %parallel_loop3A_147 : i32 to index
      %parallel_loop3A_164 = arith.constant 16 : index
      %parallel_loop3A_165 = tpu.vector_load %arg14[%parallel_loop3A_163, %parallel_loop3A_164] {strides = array<i32>} : memref<128x128xf32, #tpu.memory_space<vmem>>, vector<16xf32>,
      %parallel_loop3A_166 = arith.mulf %parallel_loop3A_162, %parallel_loop3A_165 : vector<16xf32>
      %parallel_loop3A_167 = arith.mulf %parallel_loop3A_166, %get3A_11 : vector<16xf32>
      %parallel_loop3A_168 = arith.addf %parallel_loop3A_155, %parallel_loop3A_167 : vector<16xf32>
      %parallel_loop3A_169 = arith.mulf %parallel_loop3A_162, %parallel_loop3A_162 : vector<16xf32>
      %parallel_loop3A_170 = arith.addf %parallel_loop3A_157, %parallel_loop3A_169 : vector<16xf32>
      %parallel_loop3A_171 = arith.mulf %parallel_loop3A_165, %parallel_loop3A_165 : vector<16xf32>
      %parallel_loop3A_172 = arith.addf %parallel_loop3A_159, %parallel_loop3A_171 : vector<16xf32>
      %parallel_loop3A_173 = arith.index_cast %parallel_loop3A_147 : i32 to index
      %parallel_loop3A_174 = arith.constant 32 : index
      %parallel_loop3A_175 = tpu.vector_load %arg12[%parallel_loop3A_173, %parallel_loop3A_174] {strides = array<i32>} : memref<128x128xf32, #tpu.memory_space<vmem>>, vector<16xf32>,
      %parallel_loop3A_176 = arith.index_cast %parallel_loop3A_147 : i32 to index
      %parallel_loop3A_177 = arith.constant 32 : index
      %parallel_loop3A_178 = tpu.vector_load %arg14[%parallel_loop3A_176, %parallel_loop3A_177] {strides = array<i32>} : memref<128x128xf32, #tpu.memory_space<vmem>>, vector<16xf32>,
      %parallel_loop3A_179 = arith.mulf %parallel_loop3A_175, %parallel_loop3A_178 : vector<16xf32>
      %parallel_loop3A_180 = arith.mulf %parallel_loop3A_179, %get3A_13 : vector<16xf32>
      %parallel_loop3A_181 = arith.addf %parallel_loop3A_168, %parallel_loop3A_180 : vector<16xf32>
      %parallel_loop3A_182 = arith.mulf %parallel_loop3A_175, %parallel_loop3A_175 : vector<16xf32>
      %parallel_loop3A_183 = arith.addf %parallel_loop3A_170, %parallel_loop3A_182 : vector<16xf32>
      %parallel_loop3A_184 = arith.mulf %parallel_loop3A_178, %parallel_loop3A_178 : vector<16xf32>
      %parallel_loop3A_185 = arith.addf %parallel_loop3A_172, %parallel_loop3A_184 : vector<16xf32>
      %parallel_loop3A_186 = arith.index_cast %parallel_loop3A_147 : i32 to index
      %parallel_loop3A_187 = arith.constant 48 : index
      %parallel_loop3A_188 = tpu.vector_load %arg12[%parallel_loop3A_186, %parallel_loop3A_187] {strides = array<i32>} : memref<128x128xf32, #tpu.memory_space<vmem>>, vector<16xf32>,
      %parallel_loop3A_189 = arith.index_cast %parallel_loop3A_147 : i32 to index
      %parallel_loop3A_190 = arith.constant 48 : index
      %parallel_loop3A_191 = tpu.vector_load %arg14[%parallel_loop3A_189, %parallel_loop3A_190] {strides = array<i32>} : memref<128x128xf32, #tpu.memory_space<vmem>>, vector<16xf32>,
      %parallel_loop3A_192 = arith.mulf %parallel_loop3A_188, %parallel_loop3A_191 : vector<16xf32>
      %parallel_loop3A_193 = arith.mulf %parallel_loop3A_192, %get3A_15 : vector<16xf32>
      %parallel_loop3A_194 = arith.addf %parallel_loop3A_181, %parallel_loop3A_193 : vector<16xf32>
      %parallel_loop3A_195 = arith.mulf %parallel_loop3A_188, %parallel_loop3A_188 : vector<16xf32>
      %parallel_loop3A_196 = arith.addf %parallel_loop3A_183, %parallel_loop3A_195 : vector<16xf32>
      %parallel_loop3A_197 = arith.mulf %parallel_loop3A_191, %parallel_loop3A_191 : vector<16xf32>
      %parallel_loop3A_198 = arith.addf %parallel_loop3A_185, %parallel_loop3A_197 : vector<16xf32>
      %parallel_loop3A_199 = arith.index_cast %parallel_loop3A_147 : i32 to index
      %parallel_loop3A_200 = arith.constant 64 : index
      %parallel_loop3A_201 = tpu.vector_load %arg12[%parallel_loop3A_199, %parallel_loop3A_200] {strides = array<i32>} : memref<128x128xf32, #tpu.memory_space<vmem>>, vector<16xf32>,
      %parallel_loop3A_202 = arith.index_cast %parallel_loop3A_147 : i32 to index
      %parallel_loop3A_203 = arith.constant 64 : index
      %parallel_loop3A_204 = tpu.vector_load %arg14[%parallel_loop3A_202, %parallel_loop3A_203] {strides = array<i32>} : memref<128x128xf32, #tpu.memory_space<vmem>>, vector<16xf32>,
      %parallel_loop3A_205 = arith.mulf %parallel_loop3A_201, %parallel_loop3A_204 : vector<16xf32>
      %parallel_loop3A_206 = arith.mulf %parallel_loop3A_205, %get3A_17 : vector<16xf32>
      %parallel_loop3A_207 = arith.addf %parallel_loop3A_194, %parallel_loop3A_206 : vector<16xf32>
      %parallel_loop3A_208 = arith.mulf %parallel_loop3A_201, %parallel_loop3A_201 : vector<16xf32>
      %parallel_loop3A_209 = arith.addf %parallel_loop3A_196, %parallel_loop3A_208 : vector<16xf32>
      %parallel_loop3A_210 = arith.mulf %parallel_loop3A_204, %parallel_loop3A_204 : vector<16xf32>
      %parallel_loop3A_211 = arith.addf %parallel_loop3A_198, %parallel_loop3A_210 : vector<16xf32>
      %parallel_loop3A_212 = arith.index_cast %parallel_loop3A_147 : i32 to index
      %parallel_loop3A_213 = arith.constant 80 : index
      %parallel_loop3A_214 = tpu.vector_load %arg12[%parallel_loop3A_212, %parallel_loop3A_213] {strides = array<i32>} : memref<128x128xf32, #tpu.memory_space<vmem>>, vector<16xf32>,
      %parallel_loop3A_215 = arith.index_cast %parallel_loop3A_147 : i32 to index
      %parallel_loop3A_216 = arith.constant 80 : index
      %parallel_loop3A_217 = tpu.vector_load %arg14[%parallel_loop3A_215, %parallel_loop3A_216] {strides = array<i32>} : memref<128x128xf32, #tpu.memory_space<vmem>>, vector<16xf32>,
      %parallel_loop3A_218 = arith.mulf %parallel_loop3A_214, %parallel_loop3A_217 : vector<16xf32>
      %parallel_loop3A_219 = arith.mulf %parallel_loop3A_218, %get3A_19 : vector<16xf32>
      %parallel_loop3A_220 = arith.addf %parallel_loop3A_207, %parallel_loop3A_219 : vector<16xf32>
      %parallel_loop3A_221 = arith.mulf %parallel_loop3A_214, %parallel_loop3A_214 : vector<16xf32>
      %parallel_loop3A_222 = arith.addf %parallel_loop3A_209, %parallel_loop3A_221 : vector<16xf32>
      %parallel_loop3A_223 = arith.mulf %parallel_loop3A_217, %parallel_loop3A_217 : vector<16xf32>
      %parallel_loop3A_224 = arith.addf %parallel_loop3A_211, %parallel_loop3A_223 : vector<16xf32>
      %parallel_loop3A_225 = arith.index_cast %parallel_loop3A_147 : i32 to index
      %parallel_loop3A_226 = arith.constant 96 : index
      %parallel_loop3A_227 = tpu.vector_load %arg12[%parallel_loop3A_225, %parallel_loop3A_226] {strides = array<i32>} : memref<128x128xf32, #tpu.memory_space<vmem>>, vector<16xf32>,
      %parallel_loop3A_228 = arith.index_cast %parallel_loop3A_147 : i32 to index
      %parallel_loop3A_229 = arith.constant 96 : index
      %parallel_loop3A_230 = tpu.vector_load %arg14[%parallel_loop3A_228, %parallel_loop3A_229] {strides = array<i32>} : memref<128x128xf32, #tpu.memory_space<vmem>>, vector<16xf32>,
      %parallel_loop3A_231 = arith.mulf %parallel_loop3A_227, %parallel_loop3A_230 : vector<16xf32>
      %parallel_loop3A_232 = arith.mulf %parallel_loop3A_231, %get3A_21 : vector<16xf32>
      %parallel_loop3A_233 = arith.addf %parallel_loop3A_220, %parallel_loop3A_232 : vector<16xf32>
      %parallel_loop3A_234 = arith.mulf %parallel_loop3A_227, %parallel_loop3A_227 : vector<16xf32>
      %parallel_loop3A_235 = arith.addf %parallel_loop3A_222, %parallel_loop3A_234 : vector<16xf32>
      %parallel_loop3A_236 = arith.mulf %parallel_loop3A_230, %parallel_loop3A_230 : vector<16xf32>
      %parallel_loop3A_237 = arith.addf %parallel_loop3A_224, %parallel_loop3A_236 : vector<16xf32>
      %parallel_loop3A_238 = arith.index_cast %parallel_loop3A_147 : i32 to index
      %parallel_loop3A_239 = arith.constant 112 : index
      %parallel_loop3A_240 = tpu.vector_load %arg12[%parallel_loop3A_238, %parallel_loop3A_239] {strides = array<i32>} : memref<128x128xf32, #tpu.memory_space<vmem>>, vector<16xf32>,
      %parallel_loop3A_241 = arith.index_cast %parallel_loop3A_147 : i32 to index
      %parallel_loop3A_242 = arith.constant 112 : index
      %parallel_loop3A_243 = tpu.vector_load %arg14[%parallel_loop3A_241, %parallel_loop3A_242] {strides = array<i32>} : memref<128x128xf32, #tpu.memory_space<vmem>>, vector<16xf32>,
      %parallel_loop3A_244 = arith.mulf %parallel_loop3A_240, %parallel_loop3A_243 : vector<16xf32>
      %parallel_loop3A_245 = arith.mulf %parallel_loop3A_244, %get3A_23 : vector<16xf32>
      %parallel_loop3A_246 = arith.addf %parallel_loop3A_233, %parallel_loop3A_245 : vector<16xf32>
      %parallel_loop3A_247 = arith.mulf %parallel_loop3A_240, %parallel_loop3A_240 : vector<16xf32>
      %parallel_loop3A_248 = arith.addf %parallel_loop3A_235, %parallel_loop3A_247 : vector<16xf32>
      %parallel_loop3A_249 = arith.mulf %parallel_loop3A_243, %parallel_loop3A_243 : vector<16xf32>
      %parallel_loop3A_250 = arith.addf %parallel_loop3A_237, %parallel_loop3A_249 : vector<16xf32>
      %parallel_loop3A_251 = arith.constant 16 : i32
      %parallel_loop3A_252 = arith.muli %parallel_loop3A_147, %parallel_loop3A_251 : i32
      %parallel_loop3A_253 = arith.index_cast %parallel_loop3A_252 : i32 to index
      %parallel_loop3A_254 = tpu.vector_load %arg18[%parallel_loop3A_253] {strides = array<i32>} : memref<2048xf32, #tpu.memory_space<vmem>>, vector<16xf32>,
      tpu.vector_store %arg18[%parallel_loop3A_253], %parallel_loop3A_246 {strides = array<i32>} : memref<2048xf32, #tpu.memory_space<vmem>>, vector<16xf32>,
      %parallel_loop3A_255 = arith.constant 1 : i32
      %parallel_loop3A_256 = arith.addi %parallel_loop3A_145, %parallel_loop3A_255 : i32
      %parallel_loop3A_257 = arith.index_cast %parallel_loop3A_256 : i32 to index
      %parallel_loop3A_258 = arith.constant 0 : index
      %parallel_loop3A_259 = tpu.vector_load %arg12[%parallel_loop3A_257, %parallel_loop3A_258] {strides = array<i32>} : memref<128x128xf32, #tpu.memory_space<vmem>>, vector<16xf32>,
      %parallel_loop3A_260 = arith.index_cast %parallel_loop3A_256 : i32 to index
      %parallel_loop3A_261 = arith.constant 0 : index
      %parallel_loop3A_262 = tpu.vector_load %arg14[%parallel_loop3A_260, %parallel_loop3A_261] {strides = array<i32>} : memref<128x128xf32, #tpu.memory_space<vmem>>, vector<16xf32>,
      %parallel_loop3A_263 = arith.mulf %parallel_loop3A_259, %parallel_loop3A_262 : vector<16xf32>
      %parallel_loop3A_264 = arith.mulf %parallel_loop3A_263, %get3A_9 : vector<16xf32>
      %parallel_loop3A_265 = arith.mulf %parallel_loop3A_259, %parallel_loop3A_259 : vector<16xf32>
      %parallel_loop3A_266 = arith.addf %parallel_loop3A_141, %parallel_loop3A_265 : vector<16xf32>
      %parallel_loop3A_267 = arith.mulf %parallel_loop3A_262, %parallel_loop3A_262 : vector<16xf32>
      %parallel_loop3A_268 = arith.addf %parallel_loop3A_143, %parallel_loop3A_267 : vector<16xf32>
      %parallel_loop3A_269 = arith.index_cast %parallel_loop3A_256 : i32 to index
      %parallel_loop3A_270 = arith.constant 16 : index
      %parallel_loop3A_271 = tpu.vector_load %arg12[%parallel_loop3A_269, %parallel_loop3A_270] {strides = array<i32>} : memref<128x128xf32, #tpu.memory_space<vmem>>, vector<16xf32>,
      %parallel_loop3A_272 = arith.index_cast %parallel_loop3A_256 : i32 to index
      %parallel_loop3A_273 = arith.constant 16 : index
      %parallel_loop3A_274 = tpu.vector_load %arg14[%parallel_loop3A_272, %parallel_loop3A_273] {strides = array<i32>} : memref<128x128xf32, #tpu.memory_space<vmem>>, vector<16xf32>,
      %parallel_loop3A_275 = arith.mulf %parallel_loop3A_271, %parallel_loop3A_274 : vector<16xf32>
      %parallel_loop3A_276 = arith.mulf %parallel_loop3A_275, %get3A_11 : vector<16xf32>
      %parallel_loop3A_277 = arith.addf %parallel_loop3A_264, %parallel_loop3A_276 : vector<16xf32>
      %parallel_loop3A_278 = arith.mulf %parallel_loop3A_271, %parallel_loop3A_271 : vector<16xf32>
      %parallel_loop3A_279 = arith.addf %parallel_loop3A_266, %parallel_loop3A_278 : vector<16xf32>
      %parallel_loop3A_280 = arith.mulf %parallel_loop3A_274, %parallel_loop3A_274 : vector<16xf32>
      %parallel_loop3A_281 = arith.addf %parallel_loop3A_268, %parallel_loop3A_280 : vector<16xf32>
      %parallel_loop3A_282 = arith.index_cast %parallel_loop3A_256 : i32 to index
      %parallel_loop3A_283 = arith.constant 32 : index
      %parallel_loop3A_284 = tpu.vector_load %arg12[%parallel_loop3A_282, %parallel_loop3A_283] {strides = array<i32>} : memref<128x128xf32, #tpu.memory_space<vmem>>, vector<16xf32>,
      %parallel_loop3A_285 = arith.index_cast %parallel_loop3A_256 : i32 to index
      %parallel_loop3A_286 = arith.constant 32 : index
      %parallel_loop3A_287 = tpu.vector_load %arg14[%parallel_loop3A_285, %parallel_loop3A_286] {strides = array<i32>} : memref<128x128xf32, #tpu.memory_space<vmem>>, vector<16xf32>,
      %parallel_loop3A_288 = arith.mulf %parallel_loop3A_284, %parallel_loop3A_287 : vector<16xf32>
      %parallel_loop3A_289 = arith.mulf %parallel_loop3A_288, %get3A_13 : vector<16xf32>
      %parallel_loop3A_290 = arith.addf %parallel_loop3A_277, %parallel_loop3A_289 : vector<16xf32>
      %parallel_loop3A_291 = arith.mulf %parallel_loop3A_284, %parallel_loop3A_284 : vector<16xf32>
      %parallel_loop3A_292 = arith.addf %parallel_loop3A_279, %parallel_loop3A_291 : vector<16xf32>
      %parallel_loop3A_293 = arith.mulf %parallel_loop3A_287, %parallel_loop3A_287 : vector<16xf32>
      %parallel_loop3A_294 = arith.addf %parallel_loop3A_281, %parallel_loop3A_293 : vector<16xf32>
      %parallel_loop3A_295 = arith.index_cast %parallel_loop3A_256 : i32 to index
      %parallel_loop3A_296 = arith.constant 48 : index
      %parallel_loop3A_297 = tpu.vector_load %arg12[%parallel_loop3A_295, %parallel_loop3A_296] {strides = array<i32>} : memref<128x128xf32, #tpu.memory_space<vmem>>, vector<16xf32>,
      %parallel_loop3A_298 = arith.index_cast %parallel_loop3A_256 : i32 to index
      %parallel_loop3A_299 = arith.constant 48 : index
      %parallel_loop3A_300 = tpu.vector_load %arg14[%parallel_loop3A_298, %parallel_loop3A_299] {strides = array<i32>} : memref<128x128xf32, #tpu.memory_space<vmem>>, vector<16xf32>,
      %parallel_loop3A_301 = arith.mulf %parallel_loop3A_297, %parallel_loop3A_300 : vector<16xf32>
      %parallel_loop3A_302 = arith.mulf %parallel_loop3A_301, %get3A_15 : vector<16xf32>
      %parallel_loop3A_303 = arith.addf %parallel_loop3A_290, %parallel_loop3A_302 : vector<16xf32>
      %parallel_loop3A_304 = arith.mulf %parallel_loop3A_297, %parallel_loop3A_297 : vector<16xf32>
      %parallel_loop3A_305 = arith.addf %parallel_loop3A_292, %parallel_loop3A_304 : vector<16xf32>
      %parallel_loop3A_306 = arith.mulf %parallel_loop3A_300, %parallel_loop3A_300 : vector<16xf32>
      %parallel_loop3A_307 = arith.addf %parallel_loop3A_294, %parallel_loop3A_306 : vector<16xf32>
      %parallel_loop3A_308 = arith.index_cast %parallel_loop3A_256 : i32 to index
      %parallel_loop3A_309 = arith.constant 64 : index
      %parallel_loop3A_310 = tpu.vector_load %arg12[%parallel_loop3A_308, %parallel_loop3A_309] {strides = array<i32>} : memref<128x128xf32, #tpu.memory_space<vmem>>, vector<16xf32>,
      %parallel_loop3A_311 = arith.index_cast %parallel_loop3A_256 : i32 to index
      %parallel_loop3A_312 = arith.constant 64 : index
      %parallel_loop3A_313 = tpu.vector_load %arg14[%parallel_loop3A_311, %parallel_loop3A_312] {strides = array<i32>} : memref<128x128xf32, #tpu.memory_space<vmem>>, vector<16xf32>,
      %parallel_loop3A_314 = arith.mulf %parallel_loop3A_310, %parallel_loop3A_313 : vector<16xf32>
      %parallel_loop3A_315 = arith.mulf %parallel_loop3A_314, %get3A_17 : vector<16xf32>
      %parallel_loop3A_316 = arith.addf %parallel_loop3A_303, %parallel_loop3A_315 : vector<16xf32>
      %parallel_loop3A_317 = arith.mulf %parallel_loop3A_310, %parallel_loop3A_310 : vector<16xf32>
      %parallel_loop3A_318 = arith.addf %parallel_loop3A_305, %parallel_loop3A_317 : vector<16xf32>
      %parallel_loop3A_319 = arith.mulf %parallel_loop3A_313, %parallel_loop3A_313 : vector<16xf32>
      %parallel_loop3A_320 = arith.addf %parallel_loop3A_307, %parallel_loop3A_319 : vector<16xf32>
      %parallel_loop3A_321 = arith.index_cast %parallel_loop3A_256 : i32 to index
      %parallel_loop3A_322 = arith.constant 80 : index
      %parallel_loop3A_323 = tpu.vector_load %arg12[%parallel_loop3A_321, %parallel_loop3A_322] {strides = array<i32>} : memref<128x128xf32, #tpu.memory_space<vmem>>, vector<16xf32>,
      %parallel_loop3A_324 = arith.index_cast %parallel_loop3A_256 : i32 to index
      %parallel_loop3A_325 = arith.constant 80 : index
      %parallel_loop3A_326 = tpu.vector_load %arg14[%parallel_loop3A_324, %parallel_loop3A_325] {strides = array<i32>} : memref<128x128xf32, #tpu.memory_space<vmem>>, vector<16xf32>,
      %parallel_loop3A_327 = arith.mulf %parallel_loop3A_323, %parallel_loop3A_326 : vector<16xf32>
      %parallel_loop3A_328 = arith.mulf %parallel_loop3A_327, %get3A_19 : vector<16xf32>
      %parallel_loop3A_329 = arith.addf %parallel_loop3A_316, %parallel_loop3A_328 : vector<16xf32>
      %parallel_loop3A_330 = arith.mulf %parallel_loop3A_323, %parallel_loop3A_323 : vector<16xf32>
      %parallel_loop3A_331 = arith.addf %parallel_loop3A_318, %parallel_loop3A_330 : vector<16xf32>
      %parallel_loop3A_332 = arith.mulf %parallel_loop3A_326, %parallel_loop3A_326 : vector<16xf32>
      %parallel_loop3A_333 = arith.addf %parallel_loop3A_320, %parallel_loop3A_332 : vector<16xf32>
      %parallel_loop3A_334 = arith.index_cast %parallel_loop3A_256 : i32 to index
      %parallel_loop3A_335 = arith.constant 96 : index
      %parallel_loop3A_336 = tpu.vector_load %arg12[%parallel_loop3A_334, %parallel_loop3A_335] {strides = array<i32>} : memref<128x128xf32, #tpu.memory_space<vmem>>, vector<16xf32>,
      %parallel_loop3A_337 = arith.index_cast %parallel_loop3A_256 : i32 to index
      %parallel_loop3A_338 = arith.constant 96 : index
      %parallel_loop3A_339 = tpu.vector_load %arg14[%parallel_loop3A_337, %parallel_loop3A_338] {strides = array<i32>} : memref<128x128xf32, #tpu.memory_space<vmem>>, vector<16xf32>,
      %parallel_loop3A_340 = arith.mulf %parallel_loop3A_336, %parallel_loop3A_339 : vector<16xf32>
      %parallel_loop3A_341 = arith.mulf %parallel_loop3A_340, %get3A_21 : vector<16xf32>
      %parallel_loop3A_342 = arith.addf %parallel_loop3A_329, %parallel_loop3A_341 : vector<16xf32>
      %parallel_loop3A_343 = arith.mulf %parallel_loop3A_336, %parallel_loop3A_336 : vector<16xf32>
      %parallel_loop3A_344 = arith.addf %parallel_loop3A_331, %parallel_loop3A_343 : vector<16xf32>
      %parallel_loop3A_345 = arith.mulf %parallel_loop3A_339, %parallel_loop3A_339 : vector<16xf32>
      %parallel_loop3A_346 = arith.addf %parallel_loop3A_333, %parallel_loop3A_345 : vector<16xf32>
      %parallel_loop3A_347 = arith.index_cast %parallel_loop3A_256 : i32 to index
      %parallel_loop3A_348 = arith.constant 112 : index
      %parallel_loop3A_349 = tpu.vector_load %arg12[%parallel_loop3A_347, %parallel_loop3A_348] {strides = array<i32>} : memref<128x128xf32, #tpu.memory_space<vmem>>, vector<16xf32>,
      %parallel_loop3A_350 = arith.index_cast %parallel_loop3A_256 : i32 to index
      %parallel_loop3A_351 = arith.constant 112 : index
      %parallel_loop3A_352 = tpu.vector_load %arg14[%parallel_loop3A_350, %parallel_loop3A_351] {strides = array<i32>} : memref<128x128xf32, #tpu.memory_space<vmem>>, vector<16xf32>,
      %parallel_loop3A_353 = arith.mulf %parallel_loop3A_349, %parallel_loop3A_352 : vector<16xf32>
      %parallel_loop3A_354 = arith.mulf %parallel_loop3A_353, %get3A_23 : vector<16xf32>
      %parallel_loop3A_355 = arith.addf %parallel_loop3A_342, %parallel_loop3A_354 : vector<16xf32>
      %parallel_loop3A_356 = arith.mulf %parallel_loop3A_349, %parallel_loop3A_349 : vector<16xf32>
      %parallel_loop3A_357 = arith.addf %parallel_loop3A_344, %parallel_loop3A_356 : vector<16xf32>
      %parallel_loop3A_358 = arith.mulf %parallel_loop3A_352, %parallel_loop3A_352 : vector<16xf32>
      %parallel_loop3A_359 = arith.addf %parallel_loop3A_346, %parallel_loop3A_358 : vector<16xf32>
      %parallel_loop3A_360 = arith.constant 16 : i32
      %parallel_loop3A_361 = arith.muli %parallel_loop3A_256, %parallel_loop3A_360 : i32
      %parallel_loop3A_362 = arith.index_cast %parallel_loop3A_361 : i32 to index
      %parallel_loop3A_363 = tpu.vector_load %arg18[%parallel_loop3A_362] {strides = array<i32>} : memref<2048xf32, #tpu.memory_space<vmem>>, vector<16xf32>,
      tpu.vector_store %arg18[%parallel_loop3A_362], %parallel_loop3A_355 {strides = array<i32>} : memref<2048xf32, #tpu.memory_space<vmem>>, vector<16xf32>,
      scf.yield %parallel_loop3A_248, %parallel_loop3A_357, %parallel_loop3A_250, %parallel_loop3A_359 : vector<16xf32>, vector<16xf32>, vector<16xf32>, vector<16xf32>
    } {sc.loop_unroll_factor = 1 : i64, sc.parallel_access}
    %parallel_loop3A_132 = arith.constant 0 : i32
    %parallel_loop3A_133 = arith.constant 8 : i32
    %parallel_loop3A_134 = arith.constant 1 : i32
    scf.for %parallel_loop3A_139 = %parallel_loop3A_132 to %parallel_loop3A_133 step %parallel_loop3A_134  : i32 {
      %parallel_loop3A_140 = arith.constant 256 : i32
      %parallel_loop3A_141 = arith.muli %parallel_loop3A_139, %parallel_loop3A_140 : i32
      %parallel_loop3A_142 = vector.broadcast %parallel_loop3A_141 : i32 to vector<16xi32>
      %parallel_loop3A_143 = arith.addi %mul3A_26, %parallel_loop3A_142 : vector<16xi32>
      %parallel_loop3A_144 = arith.constant 0 : i32
      %parallel_loop3A_145 = vector.broadcast %parallel_loop3A_144 : i32 to vector<16xi32>
      %parallel_loop3A_146 = arith.addi %parallel_loop3A_143, %parallel_loop3A_145 : vector<16xi32>
      %parallel_loop3A_147 = tpu.vector_load_idx %arg18[%parallel_loop3A_146] : memref<2048xf32, #tpu.memory_space<vmem>>[vector<16xi32>], vector<16xf32>,
      %parallel_loop3A_148 = arith.constant 1 : i32
      %parallel_loop3A_149 = vector.broadcast %parallel_loop3A_148 : i32 to vector<16xi32>
      %parallel_loop3A_150 = arith.addi %parallel_loop3A_143, %parallel_loop3A_149 : vector<16xi32>
      %parallel_loop3A_151 = tpu.vector_load_idx %arg18[%parallel_loop3A_150] : memref<2048xf32, #tpu.memory_space<vmem>>[vector<16xi32>], vector<16xf32>,
      %parallel_loop3A_152 = arith.addf %parallel_loop3A_147, %parallel_loop3A_151 : vector<16xf32>
      %parallel_loop3A_153 = arith.constant 2 : i32
      %parallel_loop3A_154 = vector.broadcast %parallel_loop3A_153 : i32 to vector<16xi32>
      %parallel_loop3A_155 = arith.addi %parallel_loop3A_143, %parallel_loop3A_154 : vector<16xi32>
      %parallel_loop3A_156 = tpu.vector_load_idx %arg18[%parallel_loop3A_155] : memref<2048xf32, #tpu.memory_space<vmem>>[vector<16xi32>], vector<16xf32>,
      %parallel_loop3A_157 = arith.addf %parallel_loop3A_152, %parallel_loop3A_156 : vector<16xf32>
      %parallel_loop3A_158 = arith.constant 3 : i32
      %parallel_loop3A_159 = vector.broadcast %parallel_loop3A_158 : i32 to vector<16xi32>
      %parallel_loop3A_160 = arith.addi %parallel_loop3A_143, %parallel_loop3A_159 : vector<16xi32>
      %parallel_loop3A_161 = tpu.vector_load_idx %arg18[%parallel_loop3A_160] : memref<2048xf32, #tpu.memory_space<vmem>>[vector<16xi32>], vector<16xf32>,
      %parallel_loop3A_162 = arith.addf %parallel_loop3A_157, %parallel_loop3A_161 : vector<16xf32>
      %parallel_loop3A_163 = arith.constant 4 : i32
      %parallel_loop3A_164 = vector.broadcast %parallel_loop3A_163 : i32 to vector<16xi32>
      %parallel_loop3A_165 = arith.addi %parallel_loop3A_143, %parallel_loop3A_164 : vector<16xi32>
      %parallel_loop3A_166 = tpu.vector_load_idx %arg18[%parallel_loop3A_165] : memref<2048xf32, #tpu.memory_space<vmem>>[vector<16xi32>], vector<16xf32>,
      %parallel_loop3A_167 = arith.addf %parallel_loop3A_162, %parallel_loop3A_166 : vector<16xf32>
      %parallel_loop3A_168 = arith.constant 5 : i32
      %parallel_loop3A_169 = vector.broadcast %parallel_loop3A_168 : i32 to vector<16xi32>
      %parallel_loop3A_170 = arith.addi %parallel_loop3A_143, %parallel_loop3A_169 : vector<16xi32>
      %parallel_loop3A_171 = tpu.vector_load_idx %arg18[%parallel_loop3A_170] : memref<2048xf32, #tpu.memory_space<vmem>>[vector<16xi32>], vector<16xf32>,
      %parallel_loop3A_172 = arith.addf %parallel_loop3A_167, %parallel_loop3A_171 : vector<16xf32>
      %parallel_loop3A_173 = arith.constant 6 : i32
      %parallel_loop3A_174 = vector.broadcast %parallel_loop3A_173 : i32 to vector<16xi32>
      %parallel_loop3A_175 = arith.addi %parallel_loop3A_143, %parallel_loop3A_174 : vector<16xi32>
      %parallel_loop3A_176 = tpu.vector_load_idx %arg18[%parallel_loop3A_175] : memref<2048xf32, #tpu.memory_space<vmem>>[vector<16xi32>], vector<16xf32>,
      %parallel_loop3A_177 = arith.addf %parallel_loop3A_172, %parallel_loop3A_176 : vector<16xf32>
      %parallel_loop3A_178 = arith.constant 7 : i32
      %parallel_loop3A_179 = vector.broadcast %parallel_loop3A_178 : i32 to vector<16xi32>
      %parallel_loop3A_180 = arith.addi %parallel_loop3A_143, %parallel_loop3A_179 : vector<16xi32>
      %parallel_loop3A_181 = tpu.vector_load_idx %arg18[%parallel_loop3A_180] : memref<2048xf32, #tpu.memory_space<vmem>>[vector<16xi32>], vector<16xf32>,
      %parallel_loop3A_182 = arith.addf %parallel_loop3A_177, %parallel_loop3A_181 : vector<16xf32>
      %parallel_loop3A_183 = arith.constant 8 : i32
      %parallel_loop3A_184 = vector.broadcast %parallel_loop3A_183 : i32 to vector<16xi32>
      %parallel_loop3A_185 = arith.addi %parallel_loop3A_143, %parallel_loop3A_184 : vector<16xi32>
      %parallel_loop3A_186 = tpu.vector_load_idx %arg18[%parallel_loop3A_185] : memref<2048xf32, #tpu.memory_space<vmem>>[vector<16xi32>], vector<16xf32>,
      %parallel_loop3A_187 = arith.addf %parallel_loop3A_182, %parallel_loop3A_186 : vector<16xf32>
      %parallel_loop3A_188 = arith.constant 9 : i32
      %parallel_loop3A_189 = vector.broadcast %parallel_loop3A_188 : i32 to vector<16xi32>
      %parallel_loop3A_190 = arith.addi %parallel_loop3A_143, %parallel_loop3A_189 : vector<16xi32>
      %parallel_loop3A_191 = tpu.vector_load_idx %arg18[%parallel_loop3A_190] : memref<2048xf32, #tpu.memory_space<vmem>>[vector<16xi32>], vector<16xf32>,
      %parallel_loop3A_192 = arith.addf %parallel_loop3A_187, %parallel_loop3A_191 : vector<16xf32>
      %parallel_loop3A_193 = arith.constant 10 : i32
      %parallel_loop3A_194 = vector.broadcast %parallel_loop3A_193 : i32 to vector<16xi32>
      %parallel_loop3A_195 = arith.addi %parallel_loop3A_143, %parallel_loop3A_194 : vector<16xi32>
      %parallel_loop3A_196 = tpu.vector_load_idx %arg18[%parallel_loop3A_195] : memref<2048xf32, #tpu.memory_space<vmem>>[vector<16xi32>], vector<16xf32>,
      %parallel_loop3A_197 = arith.addf %parallel_loop3A_192, %parallel_loop3A_196 : vector<16xf32>
      %parallel_loop3A_198 = arith.constant 11 : i32
      %parallel_loop3A_199 = vector.broadcast %parallel_loop3A_198 : i32 to vector<16xi32>
      %parallel_loop3A_200 = arith.addi %parallel_loop3A_143, %parallel_loop3A_199 : vector<16xi32>
      %parallel_loop3A_201 = tpu.vector_load_idx %arg18[%parallel_loop3A_200] : memref<2048xf32, #tpu.memory_space<vmem>>[vector<16xi32>], vector<16xf32>,
      %parallel_loop3A_202 = arith.addf %parallel_loop3A_197, %parallel_loop3A_201 : vector<16xf32>
      %parallel_loop3A_203 = arith.constant 12 : i32
      %parallel_loop3A_204 = vector.broadcast %parallel_loop3A_203 : i32 to vector<16xi32>
      %parallel_loop3A_205 = arith.addi %parallel_loop3A_143, %parallel_loop3A_204 : vector<16xi32>
      %parallel_loop3A_206 = tpu.vector_load_idx %arg18[%parallel_loop3A_205] : memref<2048xf32, #tpu.memory_space<vmem>>[vector<16xi32>], vector<16xf32>,
      %parallel_loop3A_207 = arith.addf %parallel_loop3A_202, %parallel_loop3A_206 : vector<16xf32>
      %parallel_loop3A_208 = arith.constant 13 : i32
      %parallel_loop3A_209 = vector.broadcast %parallel_loop3A_208 : i32 to vector<16xi32>
      %parallel_loop3A_210 = arith.addi %parallel_loop3A_143, %parallel_loop3A_209 : vector<16xi32>
      %parallel_loop3A_211 = tpu.vector_load_idx %arg18[%parallel_loop3A_210] : memref<2048xf32, #tpu.memory_space<vmem>>[vector<16xi32>], vector<16xf32>,
      %parallel_loop3A_212 = arith.addf %parallel_loop3A_207, %parallel_loop3A_211 : vector<16xf32>
      %parallel_loop3A_213 = arith.constant 14 : i32
      %parallel_loop3A_214 = vector.broadcast %parallel_loop3A_213 : i32 to vector<16xi32>
      %parallel_loop3A_215 = arith.addi %parallel_loop3A_143, %parallel_loop3A_214 : vector<16xi32>
      %parallel_loop3A_216 = tpu.vector_load_idx %arg18[%parallel_loop3A_215] : memref<2048xf32, #tpu.memory_space<vmem>>[vector<16xi32>], vector<16xf32>,
      %parallel_loop3A_217 = arith.addf %parallel_loop3A_212, %parallel_loop3A_216 : vector<16xf32>
      %parallel_loop3A_218 = arith.constant 15 : i32
      %parallel_loop3A_219 = vector.broadcast %parallel_loop3A_218 : i32 to vector<16xi32>
      %parallel_loop3A_220 = arith.addi %parallel_loop3A_143, %parallel_loop3A_219 : vector<16xi32>
      %parallel_loop3A_221 = tpu.vector_load_idx %arg18[%parallel_loop3A_220] : memref<2048xf32, #tpu.memory_space<vmem>>[vector<16xi32>], vector<16xf32>,
      %parallel_loop3A_222 = arith.addf %parallel_loop3A_217, %parallel_loop3A_221 : vector<16xf32>
      %parallel_loop3A_223 = arith.constant 16 : i32
      %parallel_loop3A_224 = arith.muli %parallel_loop3A_139, %parallel_loop3A_223 : i32
      %parallel_loop3A_225 = arith.constant 384 : i32
      %parallel_loop3A_226 = arith.addi %parallel_loop3A_225, %parallel_loop3A_224 : i32
      %parallel_loop3A_227 = arith.index_cast %parallel_loop3A_226 : i32 to index
      %parallel_loop3A_228 = tpu.vector_load %arg16[%parallel_loop3A_227] {strides = array<i32>} : memref<512xf32, #tpu.memory_space<vmem>>, vector<16xf32>,
      tpu.vector_store %arg16[%parallel_loop3A_227], %parallel_loop3A_222 {strides = array<i32>} : memref<512xf32, #tpu.memory_space<vmem>>, vector<16xf32>,
    } {sc.loop_unroll_factor = 1 : i64, sc.parallel_access}
    %add3A_135 = arith.addf %parallel_loop3A_131#0, %parallel_loop3A_131#1 : vector<16xf32>
    %add3A_136 = arith.addf %parallel_loop3A_131#2, %parallel_loop3A_131#3 : vector<16xf32>
    %add3A_137 = arith.addf %add3A_135, %add3A_136 : vector<16xf32>
    %swap3A = arith.constant 0 : index
    %swap3A_138 = tpu.vector_load %arg17[%swap3A] {strides = array<i32>} : memref<16xf32, #tpu.memory_space<vmem>>, vector<16xf32>,
    tpu.vector_store %arg17[%swap3A], %add3A_137 {strides = array<i32>} : memref<16xf32, #tpu.memory_space<vmem>>, vector<16xf32>,
    "tpu.region"() ({
      %run_scoped3A = tpu.sem_alloc : memref<!tpu.dma_semaphore, #tpu.memory_space<semaphore_mem>>
      %dma_start3A_139 = tpu.memref_slice %arg7[%mul3A_2] : memref<16384xf32, #tpu.memory_space<hbm>> -> memref<512xf32, #tpu.memory_space<hbm>>
      %dma_start3A_140 = tpu.memref_slice %arg7[%mul3A_2] : memref<16384xf32, #tpu.memory_space<hbm>> -> memref<512xf32, #tpu.memory_space<hbm>>
      tpu.enqueue_dma source(%arg16 : memref<512xf32, #tpu.memory_space<vmem>>) target(%dma_start3A_140 : memref<512xf32, #tpu.memory_space<hbm>>) target_semaphore(%run_scoped3A : memref<!tpu.dma_semaphore, #tpu.memory_space<semaphore_mem>>)
      %dma_wait3A_141 = tpu.memref_slice %arg7[%mul3A_2] : memref<16384xf32, #tpu.memory_space<hbm>> -> memref<512xf32, #tpu.memory_space<hbm>>
      %dma_wait3A_142 = tpu.memref_slice %arg7[%mul3A_2] : memref<16384xf32, #tpu.memory_space<hbm>> -> memref<512xf32, #tpu.memory_space<hbm>>
      tpu.wait_dma2 semaphore(%run_scoped3A : memref<!tpu.dma_semaphore, #tpu.memory_space<semaphore_mem>>) src(%arg16 : memref<512xf32, #tpu.memory_space<vmem>>) dst(%dma_wait3A_142 : memref<512xf32, #tpu.memory_space<hbm>>)
      tpu.yield
    }) : () -> ()
    "tpu.region"() ({
      %run_scoped3A = tpu.sem_alloc : memref<!tpu.dma_semaphore, #tpu.memory_space<semaphore_mem>>
      %dma_start3A_139 = arith.constant 0 : i32
      %dma_start3A_140 = tpu.memref_slice %arg8[%add3A, %dma_start3A_139] : memref<32x16xf32, #tpu.memory_space<hbm>> -> memref<1x16xf32, #tpu.memory_space<hbm>>
      %dma_start3A_141 = tpu.memref_squeeze %dma_start3A_140 : memref<1x16xf32, #tpu.memory_space<hbm>> -> memref<16xf32, #tpu.memory_space<hbm>>
      %dma_start3A_142 = arith.constant 0 : i32
      %dma_start3A_143 = tpu.memref_slice %arg8[%add3A, %dma_start3A_142] : memref<32x16xf32, #tpu.memory_space<hbm>> -> memref<1x16xf32, #tpu.memory_space<hbm>>
      %dma_start3A_144 = tpu.memref_squeeze %dma_start3A_143 : memref<1x16xf32, #tpu.memory_space<hbm>> -> memref<16xf32, #tpu.memory_space<hbm>>
      tpu.enqueue_dma source(%arg17 : memref<16xf32, #tpu.memory_space<vmem>>) target(%dma_start3A_144 : memref<16xf32, #tpu.memory_space<hbm>>) target_semaphore(%run_scoped3A : memref<!tpu.dma_semaphore, #tpu.memory_space<semaphore_mem>>)
      %dma_wait3A_145 = arith.constant 0 : i32
      %dma_wait3A_146 = tpu.memref_slice %arg8[%add3A, %dma_wait3A_145] : memref<32x16xf32, #tpu.memory_space<hbm>> -> memref<1x16xf32, #tpu.memory_space<hbm>>
      %dma_wait3A_147 = tpu.memref_squeeze %dma_wait3A_146 : memref<1x16xf32, #tpu.memory_space<hbm>> -> memref<16xf32, #tpu.memory_space<hbm>>
      %dma_wait3A_148 = arith.constant 0 : i32
      %dma_wait3A_149 = tpu.memref_slice %arg8[%add3A, %dma_wait3A_148] : memref<32x16xf32, #tpu.memory_space<hbm>> -> memref<1x16xf32, #tpu.memory_space<hbm>>
      %dma_wait3A_150 = tpu.memref_squeeze %dma_wait3A_149 : memref<1x16xf32, #tpu.memory_space<hbm>> -> memref<16xf32, #tpu.memory_space<hbm>>
      tpu.wait_dma2 semaphore(%run_scoped3A : memref<!tpu.dma_semaphore, #tpu.memory_space<semaphore_mem>>) src(%arg17 : memref<16xf32, #tpu.memory_space<vmem>>) dst(%dma_wait3A_150 : memref<16xf32, #tpu.memory_space<hbm>>)
      tpu.yield
    }) : () -> ()
    return
  }
}

</mosaic_0001>

<sc_bundles>
// kernel: _gmf.3.cloned.1.call-start
scs
__scs_entry_jumppad:
0x0: {  	(pc) =	sbr.rel $0x88, $3  }
0x1: {  	(tag) =	ssettag $0x0;
	lr =	simm.s32 $0x1  }
0x2: {  	[smem:$0x3F9C] =	sst lr;
	_ =	strace $0xD0000000  }
0x3: {  	_ = 	snop  }
0x4: {  	_ = 	snop  }
0x5: {  	_ = 	snop  }
0x6: {  	_ = 	snop  }
0x7: {  	_ = 	snop  }
__scs_overlays_trampoline_lowered:
0x8: {  	[smem:$0x3FAB] =	sst s0  }
0x9: {  	[smem:$0x3FAC] =	sst s1  }
0xa: {  	[smem:$0x3FAD] =	sst s2  }
0xb: {  	[smem:$0x3FAE] =	sst s3  }
0xc: {  	[smem:$0x3FAF] =	sst s4  }
0xd: {  	[smem:$0x3FB0] =	sst s5  }
0xe: {  	[smem:$0x3FB1] =	sst s6  }
0xf: {  	[smem:$0x3FB2] =	sst s7  }
0x10: {  	[smem:$0x3FB3] =	sst s8  }
0x11: {  	[smem:$0x3FB4] =	sst s9;
	s0 =	simm.s32 @!p0 $0x0  }
0x12: {  	s1 =	sld [smem:$0x3F9A];
	s0 =	simm.s32 @p0 $0x1  }
0x13: {  	[smem:$0x3FB5] =	sst s0;
	s0 =	simm.s32 @!p1 $0x0  }
0x14: {  	s2 =	sld [smem:$0x3F99];
	s0 =	simm.s32 @p1 $0x1  }
0x15: {  	[smem:$0x3FB6] =	sst s0;
	s0 =	simm.s32 @!p2 $0x0  }
0x16: {  	s3 =	sld [smem:$0x3FDB];
	s0 =	simm.s32 @p2 $0x1  }
0x17: {  	s4 =	simm.s32 $0x1BF5;
	[smem:$0x3FB8] =	sst s0  }
0x18: {  	s0 =	sld [smem:$0x3F9B];
	_ =	swait.ge [sflag:s4], $0x0  }
0x19: {  	s7 =	sld [smem:$0x3F9C]  }
0x1a: {  	s8 =	sadd.s32 $0xFFFFE003, lr  }
0x1b: {  	s9 =	sadd.s32 $0xFFFFFEF7, lr;
	s5 =	simm.s32 $0xFFFFFFFF;
	p2 =	slt.u32 s8, $0xFFFFF086  }
0x1c: {  	p1 =	slt.u32 s9, $0xF7A;
	s5 =	simm.s32 @!p2 $0x0  }
0x1d: {  	s5 =	simm.s32 @p1 $0x1;
	p0 =	seq.s32 s7, s2  }
0x1e: {  	s7 =	smul.u32 @!p0 $0xF7A, s2;
	p2 =	seq.s32 @!p0 s5, $0x0  }
0x1f: {  	s9 =	smul.u32 $0xF7A, s1;
	s8 =	simm.s32 @!p0 $0x1BF5;
	p2 =	por !p2, p0  }
0x20: {  	[sflag:s8] =	ssyncset.s32 @!p0 $0xFFFFF086;
	s6 =	sadd.s32 @!p0 s3, s7;
	s7 =	simm.s32 @!p0 $0x108  }
0x21: {  	s3 =	sadd.s32 s3, s9;
	s6 =	sadd.s32 @!p0 $0x88, s6;
	s7 =	simm.s32 @p2 $0x1082  }
0x22: {  	[simem:s7], [sflag:s8] =	dma.local @!p0 [hbm:s6], $0xF7A  }
0x23: {  	s9 =	sor.u32 $0xD0000000, s2;
	s6 =	simm.s32 $0x108;
	_ =	swait.ge @!p0 [sflag:s8], $0x0  }
0x24: {  	s3 =	sadd.s32 $0x88, s3;
	s6 =	simm.s32 @!p1 $0x1082;
	[sflag:s4] =	ssyncset.s32 $0xFFFFF086  }
0x25: {  	[simem:s6], [sflag:s4] =	dma.local [hbm:s3], $0xF7A  }
0x26: {  	[smem:$0x3F9C] =	sst s1;
	(tag) =	ssettag s2;
	_ =	strace s9  }
0x27: {  	s1 =	sld [smem:$0x3FAC]  }
0x28: {  	s2 =	sld [smem:$0x3FAD]  }
0x29: {  	s4 =	sld [smem:$0x3FAF]  }
0x2a: {  	p0 =	seq.s32 s5, $0x0;
	s5 =	sld [smem:$0x3FB0]  }
0x2b: {  	s6 =	sld [smem:$0x3FB1]  }
0x2c: {  	s7 =	sld [smem:$0x3FB2]  }
0x2d: {  	s3 =	simm.s32 $0x108;
	s8 =	sld [smem:$0x3FB3]  }
0x2e: {  	s3 =	simm.s32 @!p0 $0x1082;
	s9 =	sld [smem:$0x3FB4]  }
0x2f: {  	lr =	sadd.s32 s0, s3;
	s0 =	sld [smem:$0x3FAB]  }
0x30: {  	s3 =	sld [smem:$0x3FAE]  }
0x31: {  	[smem:$0x3FB7] =	sst s10  }
0x32: {  	s10 =	sld [smem:$0x3FB5];
	_ =	sdelay $0x3  }
0x33: {  	p0 =	seq.s32 s10, $0x1;
	s10 =	sld [smem:$0x3FB7];
	_ =	sdelay $0x3  }
0x34: {  	[smem:$0x3FB7] =	sst s10  }
0x35: {  	s10 =	sld [smem:$0x3FB6];
	_ =	sdelay $0x3  }
0x36: {  	p1 =	seq.s32 s10, $0x1;
	s10 =	sld [smem:$0x3FB7];
	_ =	sdelay $0x3  }
0x37: {  	[smem:$0x3FB7] =	sst s10  }
0x38: {  	s10 =	sld [smem:$0x3FB8]  }
0x39: {  	_ = 	snop;
	(pc) =	sbr.ind lr, $3  }
0x3a: {  	_ = 	snop  }
0x3b: {  	_ = 	snop  }
0x3c: {  	p2 =	seq.s32 s10, $0x1;
	s10 =	sld [smem:$0x3FB7]  }
0x3d: {  	_ =	shalt  }
0x3e: {  	_ =	shalt  }
0x3f: {  	_ =	shalt  }
0x40: {  	_ =	shalt  }
0x41: {  	_ =	shalt  }
0x42: {  	_ =	shalt  }
0x43: {  	_ =	shalt  }
0x44: {  	_ =	shalt  }
0x45: {  	_ =	shalt  }
0x46: {  	_ =	shalt  }
0x47: {  	_ =	shalt  }
0x48: {  	_ =	shalt  }
0x49: {  	_ =	shalt  }
0x4a: {  	_ =	shalt  }
0x4b: {  	_ =	shalt  }
0x4c: {  	_ =	shalt  }
0x4d: {  	_ =	shalt  }
0x4e: {  	_ =	shalt  }
0x4f: {  	_ =	shalt  }
0x50: {  	_ =	shalt  }
0x51: {  	_ =	shalt  }
0x52: {  	_ =	shalt  }
0x53: {  	_ =	shalt  }
0x54: {  	_ =	shalt  }
0x55: {  	_ =	shalt  }
0x56: {  	_ =	shalt  }
0x57: {  	_ =	shalt  }
0x58: {  	_ =	shalt  }
0x59: {  	_ =	shalt  }
0x5a: {  	_ =	shalt  }
0x5b: {  	_ =	shalt  }
0x5c: {  	_ =	shalt  }
0x5d: {  	_ =	shalt  }
0x5e: {  	_ =	shalt  }
0x5f: {  	_ =	shalt  }
0x60: {  	_ =	shalt  }
0x61: {  	_ =	shalt  }
0x62: {  	_ =	shalt  }
0x63: {  	_ =	shalt  }
0x64: {  	_ =	shalt  }
0x65: {  	_ =	shalt  }
0x66: {  	_ =	shalt  }
0x67: {  	_ =	shalt  }
0x68: {  	_ =	shalt  }
0x69: {  	_ =	shalt  }
0x6a: {  	_ =	shalt  }
0x6b: {  	_ =	shalt  }
0x6c: {  	_ =	shalt  }
0x6d: {  	_ =	shalt  }
0x6e: {  	_ =	shalt  }
0x6f: {  	_ =	shalt  }
0x70: {  	_ =	shalt  }
0x71: {  	_ =	shalt  }
0x72: {  	_ =	shalt  }
0x73: {  	_ =	shalt  }
0x74: {  	_ =	shalt  }
0x75: {  	_ =	shalt  }
0x76: {  	_ =	shalt  }
0x77: {  	_ =	shalt  }
0x78: {  	_ =	shalt  }
0x79: {  	_ =	shalt  }
0x7a: {  	_ =	shalt  }
0x7b: {  	_ =	shalt  }
0x7c: {  	_ =	shalt  }
0x7d: {  	_ =	shalt  }
0x7e: {  	_ =	shalt  }
0x7f: {  	_ =	shalt  }
0x80: {  	_ =	shalt  }
0x81: {  	_ =	shalt  }
0x82: {  	_ =	shalt  }
0x83: {  	_ =	shalt  }
0x84: {  	_ =	shalt  }
0x85: {  	_ =	shalt  }
0x86: {  	_ =	shalt  }
0x87: {  	_ =	shalt  }
.Lfunc_end0:
.L_simem_size_0:
called_computation_lowered:
.L_overlay_start_0:
0x88: {  	s2 =	sld [smem:$0x3FD9]  }
0x89: {  	s3 =	sld [smem:$0x3FFE];
	_ =	sdelay $0x1  }
0x8a: {  	s1 =	srdreg.scid  }
0x8b: {  	s0 =	sand.u32 $0x1, s1  }
0x8c: {  	s14 =	sshll.u32 s0, $0xA;
	s2 =	sadd.s32 s3, s2  }
0x8d: {  	s2 =	sadd.s32 s2, s14  }
0x8e: {  	[smem:$0x3FC3] =	sst s2  }
0x8f: {  	_ = 	snop  }
0x90: {  	s2 =	sld [smem:$0x3FC9]  }
0x91: {  	s15 =	sld [smem:$0x3FC8]  }
0x92: {  	s4 =	sld [smem:$0x3FD0]  }
0x93: {  	s5 =	sld [smem:$0x3FC7]  }
0x94: {  	s6 =	sld [smem:$0x3FC6]  }
0x95: {  	s8 =	simm.s32 $0xA;
	s9 =	simm.s32 $0x10;
	s7 =	sld [smem:$0x3FC5]  }
0x96: {  	[smem:s9], [sflag:s8] =	dma.local [hbm:s4], $0x1  }
0x97: {  	_ =	swait.eq [sflag:s8], $0x1  }
0x98: {  	[sflag:s8] =	ssyncset.done $0x0  }
0x99: {  	[sflag:s8] =	ssyncadd.s32 $0xFFFFFFFF  }
0x9a: {  	s16 =	sld [smem:$0x10];
	(tm) =	ssettm $0x1  }
0x9b: {  	s17 =	sld [smem:$0x3FFB];
	_ =	sdelay $0x3  }
0x9c: {  	_ =	strace s17  }
0x9d: {  	s8 =	sld [smem:$0x3FFC];
	_ =	sdelay $0x3  }
0x9e: {  	_ =	strace s8  }
0x9f: {  	s8 =	sld [smem:$0x3FFD];
	_ =	sdelay $0x3  }
0xa0: {  	_ =	strace s8  }
0xa1: {  	_ =	strace $0x8FFFFFFF  }
0xa2: {  	s18 =	sld [smem:$0x3FDB];
	_ =	sdelay $0x1  }
0xa3: {  	s19 =	simm.s32 $_scs_section_size  }
0xa4: {  	s10 =	simm.s32 $_size__tile_overlayer_lowered;
	s11 =	simm.s32 $_tile_overlayer_lowered  }
0xa5: {  	s22 =	simm.s32 $0x1BFF;
	s21 =	sshll.u32 s11, $0x1;
	s8 =	sadd.s32 s19, s18  }
0xa6: {  	s12 =	simm.s32 $0x0;
	s20 =	sshll.u32 s10, $0x1;
	s10 =	sadd.s32 s21, s8  }
0xa7: {  	[timem:s12], [sflag:s22] =	dma.local [hbm:s10], s20  }
0xa8: {  	_ =	swait.ge [sflag:s22], s20  }
0xa9: {  	s9 =	ssub.s32 $0x0, s20;
	[sflag:s22] =	ssyncset.done $0x0  }
0xaa: {  	[sflag:s22] =	ssyncadd.s32 s9;
	_ =	sdelay $0x1  }
0xab: {  	s23 =	simm.s32 $0x1B8B  }
0xac: {  	_ =	swait.ge [sflag:s23], $0x1  }
0xad: {  	[sflag:s23] =	ssyncset.done $0x0  }
0xae: {  	s25 =	simm.s32 $0x1B8E;
	s24 =	sld [smem:$0x3FFE];
	[sflag:s23] =	ssyncadd.s32 $0xFFFFFFFF  }
0xaf: {  	s26 =	simm.s32 $execute0_lowered;
	[smem:$0x3FD2] =	sst s25  }
0xb0: {  	s10 =	sshll.u32 s26, $0x1;
	_ =	strace $0x80000046;
	[dreg:$0x1] =	wrdreg $0xFFFFFFFF  }
0xb1: {  	s28 =	simm.s32 $_size_execute0_lowered;
	s8 =	sadd.s32 s8, s10;
	[dreg:$0x0] =	wrdreg $0x0  }
0xb2: {  	s10 =	sshll.u32 s28, $0x1;
	[dreg:$0x2] =	wrdreg s8  }
0xb3: {  	[dreg:$0x3] =	wrdreg s10  }
0xb4: {  	[dreg:$0x4] =	wrdreg $0xC0  }
0xb5: {  	_ =	task [dreg:s12], $0x5FFFF  }
0xb6: {  	[dreg:$0x1] =	wrdreg $0xFFFFFFFF  }
0xb7: {  	[dreg:$0x0] =	wrdreg $0x60  }
0xb8: {  	[dreg:$0x2] =	wrdreg s2  }
0xb9: {  	[dreg:$0x3] =	wrdreg s15  }
0xba: {  	[dreg:$0x4] =	wrdreg s5  }
0xbb: {  	[dreg:$0x5] =	wrdreg s6  }
0xbc: {  	[dreg:$0x6] =	wrdreg s7  }
0xbd: {  	[dreg:$0x7] =	wrdreg s16  }
0xbe: {  	[dreg:$0x8] =	wrdreg s24  }
0xbf: {  	[dreg:$0x9] =	wrdreg $0x9  }
0xc0: {  	_ =	task.clear_ibuf [dreg:s12], $0xAFFFF;
	_ =	strace $0x90000046  }
0xc1: {  	s29 =	simm.s32 $0x9;
	_ =	strace $0x80000048  }
0xc2: {  	_ =	swait.ge [sflag:s29], $0x1  }
0xc3: {  	[sflag:s29] =	ssyncadd.s32 $0xFFFFFFFF  }
0xc4: {  	_ =	strace $0x90000048  }
0xc5: {  	_ =	sfence  }
0xc6: {  	s30 =	sld [smem:$0x0];
	_ =	sdelay $0x2  }
0xc7: {  	s31 =	sshll.u32 s1, $0xD;
	s1 =	sshrl.u32 s1, $0x2  }
0xc8: {  	s3 =	sand.u32 $0x4000, s31;
	s1 =	sadd.s32 s1, s30  }
0xc9: {  	s0 =	sor.u32 s3, s0;
	s1 =	sshll.u32 s1, $0x11  }
0xca: {  	s0 =	sor.u32 s1, s0  }
0xcb: {  	s0 =	sadd.s32 $0x8F2B, s0  }
0xcc: {  	[sflag:s0] =	ssyncadd.remote.s32 $0x1  }
0xcd: {  	_ =	sfence.sel $0xFFFF  }
0xce: {  	[dreg:$0x0] =	wrdreg $0xFFFFFFFF;
	(pc) =	sbr.abs _section_cstart, $3  }
0xcf: {  	[dreg:$0x1] =	wrdreg $0xFFFFFFFF  }
0xd0: {  	_ =	task.clear_ibuf [dreg:s12], $0x2FFFF;
	_ =	strace $0x9FFFFFFF  }
0xd1: {  	(tm) =	ssettm $0x7FFFFFFF  }
tec
execute0_lowered:
.L_overlay_start_1:
0x0: {  	(tag) =	ssettag $0x1  }
0x1: {  	s0 =	rddreg [dreg:$0x0]  }
0x2: {  	s3 =	rddreg [dreg:$0x1]  }
0x3: {  	s1 =	rddreg [dreg:$0x2]  }
0x4: {  	s2 =	rddreg [dreg:$0x3];
	v0 =	vlaneseq.u32  }
0x5: {  	s4 =	rddreg [dreg:$0x5];
	s5 =	simm.s32 $0x0;
	v15 =	vmul.u32 $0x10, v0  }
0x6: {  	[smem:$0x7FF] =	sst s5  }
0x7: {  	s6 =	rddreg [dreg:$0x6];
	_ =	strace $0x80000047;
	v35 =	vor.u32 $0x1, v15;
	[tilespmem:$0x1FF00] =	vst v15  }
0x8: {  	v36 =	vor.u32 $0x2, v15;
	[tilespmem:$0x1FF20] =	vst v35  }
0x9: {  	v37 =	vor.u32 $0x3, v15;
	[tilespmem:$0x1FF30] =	vst v36  }
0xa: {  	v38 =	vor.u32 $0x4, v15;
	[tilespmem:$0x1FF40] =	vst v37  }
0xb: {  	v41 =	vor.u32 $0x5, v15;
	[tilespmem:$0x1FF50] =	vst v38  }
0xc: {  	s7 =	srdreg.scid;
	v43 =	vor.u32 $0x6, v15;
	[tilespmem:$0x1FF60] =	vst v41  }
0xd: {  	s8 =	stileid.u32;
	s11 =	simm.s32 $0x200;
	s13 =	simm.s32 $0x1;
	v44 =	vor.u32 $0x7, v15;
	[tilespmem:$0x1FF70] =	vst v43  }
0xe: {  	s14 =	simm.s32 $0x80;
	s15 =	simm.s32 $0x400;
	s16 =	simm.s32 $0x8400;
	v42 =	vor.u32 $0x8, v15;
	[tilespmem:$0x1FF80] =	vst v44  }
0xf: {  	s17 =	simm.s32 $0x4400;
	s19 =	simm.s32 $0xC400;
	s20 =	simm.s32 $0x10700;
	v46 =	vor.u32 $0x9, v15;
	[tilespmem:$0x1FF90] =	vst v42  }
0x10: {  	s23 =	simm.s32 $0x2;
	s24 =	simm.s32 $0x180;
	s25 =	simm.s32 $0x380;
	v47 =	vor.u32 $0xA, v15;
	[tilespmem:$0x1FFA0] =	vst v46  }
0x11: {  	s26 =	simm.s32 $0x10480;
	s7 =	sand.u32 $0x1, s7;
	s8 =	sshll.u32 s8, $0x1;
	v48 =	vor.u32 $0xB, v15;
	[tilespmem:$0x1FFB0] =	vst v47  }
0x12: {  	s28 =	simm.s32 $0x3;
	s29 =	simm.s32 $0x10680;
	v1 =	vand.u32 $0x7, v0;
	s8 =	sor.u32 s7, s8;
	v45 =	vor.u32 $0xC, v15;
	[tilespmem:$0x1FFC0] =	vst v48  }
0x13: {  	s30 =	simm.s32 $0x0;
	s7 =	ssub.s32 $0x2, s7;
	v1 =	vmul.u32 $0x10, v1;
	s9 =	sshll.u32 s8, $0x4;
	v39 =	vor.u32 $0xD, v15;
	[tilespmem:$0x1FFD0] =	vst v45  }
0x14: {  	s10 =	sshrl.u32 s7, $0x1;
	s8 =	sshll.u32 s8, $0x6;
	v40 =	vor.u32 $0xE, v15;
	s9 =	sadd.s32 s9, s6;
	[tilespmem:$0x1FFE0] =	vst v39  }
0x15: {  	s10 =	ssub.s32 s7, s10;
	s6 =	sadd.s32 s0, s8;
	s7 =	sadd.s32 s3, s8;
	v32 =	vor.u32 $0xFFFFFF80, v1;
	[tilespmem:$0x1FFF0] =	vst v40  }
0x16: {  	v16 =	vor.u32 $0xF, v15;
	s8 =	sadd.s32 s4, s8;
	s9 =	sadd.s32 $0x800, s9;
	s10 =	smax.u32 s10, $0x1;
	[tilespmem:$0x1FF10] =	vst v32  }
.LBB2_1:
0x17: {  	[tilespmem:s5], [sflag:$0x1] =	stream.linear.gather [hbm4b:s6+s5], $0x200, $0x38;
	[tilespmem:$0x10F00] =	vst v63  }
0x18: {  	_ = 	snop  }
0x19: {  	[tilespmem:s11], [sflag:$0x1] =	stream.linear.gather [hbm4b:s7+s5], $0x200, $0x38;
	[tilespmem:$0x10F00] =	vst v63  }
0x1a: {  	s0 =	rddreg [dreg:$0x4];
	s3 =	simm.s32 $0x10400  }
0x1b: {  	[tilespmem:s3], [sflag:$0x1] =	stream.linear.gather [hbm4b:s0+s5], $0x80, $0x38;
	[tilespmem:$0x10F00] =	vst v63  }
0x1c: {  	_ =	swait.ge [sflag:s13], $0x200  }
0x1d: {  	[sflag:s13] =	ssyncset.done $0x0  }
0x1e: {  	[sflag:s13] =	ssyncadd.s32 $0xFFFFFE00  }
0x1f: {  	_ =	swait.ge [sflag:s13], $0x200  }
0x20: {  	[sflag:s13] =	ssyncset.done $0x0  }
0x21: {  	[sflag:s13] =	ssyncadd.s32 $0xFFFFFE00  }
0x22: {  	_ =	swait.ge [sflag:s13], $0x80  }
0x23: {  	[sflag:s13] =	ssyncset.done $0x0  }
0x24: {  	[sflag:s13] =	ssyncadd.s32 $0xFFFFFF80  }
0x25: {  	v24 =	vld [tilespmem:$0x10400]  }
0x26: {  	v23 =	vld [tilespmem:$0x10410]  }
0x27: {  	v22 =	vld [tilespmem:$0x10420]  }
0x28: {  	v21 =	vld [tilespmem:$0x10430]  }
0x29: {  	v20 =	vld [tilespmem:$0x10440]  }
0x2a: {  	v19 =	vld [tilespmem:$0x10450]  }
0x2b: {  	v18 =	vld [tilespmem:$0x10460]  }
0x2c: {  	v17 =	vld [tilespmem:$0x10470];
	[tilespmem:s15], [sflag:$0x1] =	stream.indirect.gather [hbm4b:s1+s14], $0x80, s5, s14, $0xb8  }
0x2d: {  	_ = 	snop  }
0x2e: {  	[tilespmem:s16], [sflag:$0x1] =	stream.indirect.gather [hbm4b:s2+s14], $0x80, s11, s14, $0xb8;
	[tilespmem:$0x10F00] =	vst v63  }
0x2f: {  	_ = 	snop  }
0x30: {  	[tilespmem:s17], [sflag:$0x2] =	stream.indirect.gather [hbm4b:s1+s14], $0x80, s14, s14, $0xb8;
	[tilespmem:$0x10F00] =	vst v63  }
0x31: {  	s22 =	simm.s32 $0x280  }
0x32: {  	[tilespmem:s19], [sflag:$0x2] =	stream.indirect.gather [hbm4b:s2+s14], $0x80, s22, s14, $0xb8;
	[tilespmem:$0x10F00] =	vst v63  }
0x33: {  	_ =	swait.ge [sflag:s13], $0x4000  }
0x34: {  	[sflag:s13] =	ssyncset.done $0x0  }
0x35: {  	[sflag:s13] =	ssyncadd.s32 $0xFFFFC000  }
0x36: {  	_ =	swait.ge [sflag:s13], $0x4000  }
0x37: {  	[sflag:s13] =	ssyncset.done $0x0  }
0x38: {  	s4 =	simm.s32 $0x0;
	[sflag:s13] =	ssyncadd.s32 $0xFFFFC000  }
0x39: {  	v0 =	vld [tilespmem:s4+$0x410]  }
0x3a: {  	v1 =	vld [tilespmem:s4+$0x8410]  }
0x3b: {  	v2 =	vld [tilespmem:s4+$0x8400]  }
0x3c: {  	v27 =	vld [tilespmem:s4+$0x400]  }
0x3d: {  	v28 =	vld [tilespmem:s4+$0x8420]  }
0x3e: {  	v29 =	vld [tilespmem:s4+$0x420]  }
0x3f: {  	v30 =	vld [tilespmem:s4+$0x8430]  }
0x40: {  	v31 =	vld [tilespmem:s4+$0x430]  }
0x41: {  	v32 =	vld [tilespmem:s4+$0x440]  }
0x42: {  	v33 =	vld [tilespmem:s4+$0x8440]  }
0x43: {  	v34 =	vld [tilespmem:s4+$0x8450]  }
0x44: {  	v36 =	vld [tilespmem:s4+$0x450]  }
0x45: {  	v37 =	vld [tilespmem:s4+$0x8460]  }
0x46: {  	v11 =	vld [tilespmem:s4+$0x460]  }
0x47: {  	v39 =	vld [tilespmem:s4+$0x8470]  }
0x48: {  	v42 =	vld [tilespmem:s4+$0x470];
	v25 =	vmul.f32 v1, v0  }
0x49: {  	v26 =	vmul.f32 v2, v27;
	v35 =	vmul.f32 v28, v29  }
0x4a: {  	v38 =	vmul.f32 v30, v31;
	v40 =	vmul.f32 v33, v32  }
0x4b: {  	v25 =	vmul.f32 v25, v23;
	v26 =	vmul.f32 v26, v24  }
0x4c: {  	s0 =	simm.s32 $0x100;
	v41 =	vmul.f32 v34, v36;
	v6 =	vmul.f32 v37, v11  }
0x4d: {  	v61 =	vld [tilespmem:s0+$0x450];
	v43 =	vmul.f32 v39, v42;
	v25 =	vadd.f32 v25, v26;
	v26 =	vmul.f32 v35, v22  }
0x4e: {  	v7 =	vld [tilespmem:s0+$0x410];
	v27 =	vmul.f32 v27, v27;
	v0 =	vmul.f32 v0, v0  }
0x4f: {  	v45 =	vld [tilespmem:s0+$0x8430];
	v28 =	vmul.f32 v28, v28;
	v38 =	vmul.f32 v38, v21;
	v25 =	vadd.f32 v26, v25  }
0x50: {  	v56 =	vld [tilespmem:s0+$0x440];
	v33 =	vmul.f32 v33, v33;
	v1 =	vmul.f32 v1, v1  }
0x51: {  	v49 =	vld [tilespmem:s0+$0x8420];
	v29 =	vmul.f32 v29, v29;
	v40 =	vmul.f32 v40, v20;
	v25 =	vadd.f32 v38, v25  }
0x52: {  	v48 =	vld [tilespmem:s0+$0x8410];
	v2 =	vmul.f32 v2, v2;
	v31 =	vmul.f32 v31, v31  }
0x53: {  	v47 =	vld [tilespmem:s0+$0x8440];
	v32 =	vmul.f32 v32, v32;
	v41 =	vmul.f32 v41, v19;
	v25 =	vadd.f32 v40, v25  }
0x54: {  	v10 =	vld [tilespmem:s0+$0x8400];
	v36 =	vmul.f32 v36, v36;
	v9 =	vmul.f32 v42, v42  }
0x55: {  	v62 =	vld [tilespmem:s0+$0x460];
	v42 =	vmul.f32 v39, v39;
	v38 =	vmul.f32 v6, v18;
	v41 =	vadd.f32 v41, v25  }
0x56: {  	v59 =	vmul.f32 v49, v49;
	v35 =	vmul.f32 v11, v11;
	v11 =	vld [tilespmem:s0+$0x400]  }
0x57: {  	v4 =	vld [tilespmem:s0+$0x470];
	v50 =	vmul.f32 v48, v7;
	v38 =	vadd.f32 v38, v41;
	v41 =	vimm.f32 $0.0e+00  }
0x58: {  	v34 =	vmul.f32 v34, v34;
	v43 =	vmul.f32 v43, v17;
	v26 =	vld [tilespmem:s0+$0x8450];
	v8 =	vadd.f32 v27, v41  }
0x59: {  	v53 =	vmul.f32 v48, v48;
	v46 =	vmul.f32 v56, v56;
	v6 =	vld [tilespmem:s0+$0x420]  }
0x5a: {  	v55 =	vmul.f32 v50, v23;
	v25 =	vld [tilespmem:s0+$0x8470];
	v38 =	vadd.f32 v43, v38;
	v0 =	vadd.f32 v0, v8  }
0x5b: {  	s31 =	simm.s32 $0x10710;
	v57 =	vmul.f32 v10, v11;
	v58 =	vmul.f32 v11, v11;
	v27 =	vld [tilespmem:s0+$0x8460]  }
0x5c: {  	v40 =	vmul.f32 v7, v7;
	v2 =	vadd.f32 v2, v41;
	v43 =	vld [tilespmem:s0+$0x430];
	[tilespmem:s31+$0xFFFFFFF0] =	vst v38;
	v0 =	vadd.f32 v29, v0  }
0x5d: {  	v7 =	vmul.f32 v47, v56;
	v63 =	vmul.f32 v26, v61;
	v3 =	vld [tilespmem:s4+$0x84F0]  }
0x5e: {  	v61 =	vmul.f32 v61, v61;
	v1 =	vadd.f32 v1, v2;
	v54 =	vld [tilespmem:s4+$0x84E0];
	v0 =	vadd.f32 v31, v0  }
0x5f: {  	v49 =	vmul.f32 v49, v6;
	v29 =	vmul.f32 v30, v30;
	v30 =	vld [tilespmem:s4+$0x4D0]  }
0x60: {  	v2 =	vmul.f32 v37, v37;
	v1 =	vadd.f32 v28, v1;
	v37 =	vld [tilespmem:s4+$0x4C0];
	v0 =	vadd.f32 v32, v0  }
0x61: {  	v50 =	vmul.f32 v7, v20;
	v11 =	vmul.f32 v49, v22;
	v51 =	vld [tilespmem:s4+$0x4A0]  }
0x62: {  	v60 =	vmul.f32 v25, v4;
	v56 =	vld [tilespmem:s4+$0x84B0];
	v1 =	vadd.f32 v29, v1;
	v0 =	vadd.f32 v36, v0  }
0x63: {  	v8 =	vmul.f32 v10, v10;
	v31 =	vmul.f32 v47, v47;
	v47 =	vld [tilespmem:s4+$0x490]  }
0x64: {  	v60 =	vmul.f32 v60, v17;
	v32 =	vld [tilespmem:s4+$0x8490];
	v1 =	vadd.f32 v33, v1;
	v0 =	vadd.f32 v35, v0  }
0x65: {  	v10 =	vmul.f32 v27, v62;
	v62 =	vmul.f32 v62, v62;
	v33 =	vld [tilespmem:s4+$0x84C0]  }
0x66: {  	v29 =	vmul.f32 v45, v43;
	v1 =	vadd.f32 v34, v1;
	v34 =	vld [tilespmem:s4+$0x84A0];
	v0 =	vadd.f32 v9, v0  }
0x67: {  	v44 =	vmul.f32 v43, v43;
	v45 =	vmul.f32 v45, v45;
	v36 =	vld [tilespmem:s4+$0x84D0]  }
0x68: {  	v52 =	vmul.f32 v29, v21;
	v1 =	vadd.f32 v2, v1;
	v35 =	vld [tilespmem:s4+$0x4E0];
	v0 =	vadd.f32 v58, v0  }
0x69: {  	v28 =	vmul.f32 v54, v54;
	v9 =	vmul.f32 v57, v24;
	v57 =	vld [tilespmem:s4+$0x4B0]  }
0x6a: {  	v2 =	vmul.f32 v6, v6;
	v1 =	vadd.f32 v42, v1;
	v0 =	vadd.f32 v40, v0  }
0x6b: {  	v49 =	vimm.f32 $0.0e+00;
	v29 =	vmul.f32 v3, v3;
	v38 =	vmul.f32 v32, v47;
	v42 =	vld [tilespmem:s4+$0x4F0]  }
0x6c: {  	v39 =	vmul.f32 v33, v37;
	v58 =	vld [tilespmem:s4+$0x480];
	v2 =	vadd.f32 v2, v0;
	v0 =	vadd.f32 v8, v1  }
0x6d: {  	v43 =	vmul.f32 v34, v51;
	v54 =	vmul.f32 v54, v35;
	v40 =	vadd.f32 v55, v9  }
0x6e: {  	v55 =	vmul.f32 v36, v30;
	v48 =	vmul.f32 v56, v57;
	v53 =	vadd.f32 v53, v0  }
0x6f: {  	v1 =	vmul.f32 v63, v19;
	v2 =	vadd.f32 v44, v2;
	v0 =	vmul.f32 v10, v18  }
0x70: {  	v44 =	vadd.f32 v11, v40;
	v59 =	vadd.f32 v59, v53;
	v53 =	vmul.f32 v3, v42  }
0x71: {  	s18 =	simm.s32 $0x800;
	s12 =	simm.s32 $0x10730;
	s3 =	simm.s32 $0x10730;
	v40 =	vmul.f32 v4, v4;
	v63 =	vadd.f32 v46, v2;
	v2 =	vmul.f32 v58, v58  }
.LBB2_2:
0x72: {  	s21 =	sshra.s32 s18, $0x2;
	p0 =	sne.s32 s18, $0xFC00;
	s18 =	sadd.s32 $0x400, s18;
	v46 =	vmul.f32 v25, v25;
	v53 =	vmul.f32 v53, v17  }
0x73: {  	v47 =	vmul.f32 v47, v47;
	v3 =	vld [tilespmem:s21+$0x8450];
	v25 =	vadd.f32 v52, v44;
	v2 =	vadd.f32 v2, v41  }
0x74: {  	v36 =	vmul.f32 v36, v36;
	v41 =	vmul.f32 v42, v42;
	v44 =	vld [tilespmem:s21+$0x450]  }
0x75: {  	v52 =	vld [tilespmem:s21+$0x410];
	v25 =	vadd.f32 v50, v25;
	v2 =	vadd.f32 v47, v2;
	v47 =	vmul.f32 v51, v51  }
0x76: {  	v54 =	vmul.f32 v54, v18;
	v51 =	vmul.f32 v55, v19;
	v50 =	vld [tilespmem:s4+$0x8480];
	s4 =	smov.u32 s0;
	s0 =	smov.u32 s21  }
0x77: {  	v33 =	vmul.f32 v33, v33;
	v42 =	vld [tilespmem:s0+$0x8430];
	v1 =	vadd.f32 v1, v25;
	v2 =	vadd.f32 v47, v2  }
0x78: {  	v35 =	vmul.f32 v35, v35;
	v47 =	vmul.f32 v57, v57;
	v25 =	vld [tilespmem:s0+$0x8470]  }
0x79: {  	v57 =	vadd.f32 v61, v63;
	v55 =	vld [tilespmem:s0+$0x440];
	v0 =	vadd.f32 v0, v1;
	v1 =	vmul.f32 v30, v30  }
0x7a: {  	v2 =	vadd.f32 v47, v2;
	v47 =	vmul.f32 v56, v56;
	v30 =	vmul.f32 v37, v37;
	v61 =	vld [tilespmem:s0+$0x8440]  }
0x7b: {  	v56 =	vadd.f32 v62, v57;
	v37 =	vld [tilespmem:s0+$0x8410];
	v0 =	vadd.f32 v60, v0;
	v57 =	vmul.f32 v50, v58  }
0x7c: {  	v39 =	vmul.f32 v39, v20;
	v50 =	vmul.f32 v50, v50;
	v2 =	vadd.f32 v30, v2;
	v58 =	vld [tilespmem:s0+$0x8460]  }
0x7d: {  	v40 =	vadd.f32 v40, v56;
	v30 =	vmul.f32 v38, v23;
	v60 =	vld [tilespmem:s0+$0x8420];
	[tilespmem:s12+$0xFFFFFFF0] =	vst v0;
	v0 =	vmul.f32 v57, v24  }
0x7e: {  	v32 =	vmul.f32 v32, v32;
	v38 =	vadd.f32 v45, v59;
	v45 =	vadd.f32 v50, v49;
	v4 =	vld [tilespmem:s4+$0x84F0]  }
0x7f: {  	v43 =	vmul.f32 v43, v22;
	v1 =	vadd.f32 v1, v2;
	v59 =	vld [tilespmem:s4+$0x84E0];
	v0 =	vadd.f32 v30, v0  }
0x80: {  	v34 =	vmul.f32 v34, v34;
	v2 =	vadd.f32 v31, v38;
	v32 =	vadd.f32 v32, v45;
	v30 =	vld [tilespmem:s4+$0x4D0]  }
0x81: {  	v38 =	vmul.f32 v27, v27;
	v45 =	vld [tilespmem:s0+$0x430];
	v0 =	vadd.f32 v43, v0;
	v43 =	vmul.f32 v48, v21;
	v27 =	vmovc v58  }
0x82: {  	v31 =	vmul.f32 v61, v61;
	v32 =	vadd.f32 v34, v32;
	v48 =	vld [tilespmem:s0+$0x8400];
	v63 =	vmul.f32 v60, v60  }
0x83: {  	v50 =	vmul.f32 v26, v26;
	v26 =	vmovc v3;
	v49 =	vmul.f32 v37, v52;
	v34 =	vld [tilespmem:s0+$0x400];
	v0 =	vadd.f32 v43, v0  }
0x84: {  	v3 =	vmul.f32 v52, v52;
	v47 =	vadd.f32 v47, v32;
	v62 =	vld [tilespmem:s0+$0x460];
	v43 =	vmul.f32 v59, v59  }
0x85: {  	v2 =	vadd.f32 v50, v2;
	v58 =	vmul.f32 v49, v23;
	v32 =	vld [tilespmem:s4+$0x8490];
	v0 =	vadd.f32 v39, v0  }
0x86: {  	v6 =	vmul.f32 v26, v44;
	v5 =	vmul.f32 v37, v37;
	v33 =	vadd.f32 v33, v47;
	v7 =	vld [tilespmem:s0+$0x470]  }
0x87: {  	v8 =	vadd.f32 v35, v1;
	v37 =	vmul.f32 v42, v45;
	v39 =	vld [tilespmem:s0+$0x420];
	v0 =	vadd.f32 v51, v0  }
0x88: {  	v35 =	vmul.f32 v61, v55;
	v36 =	vadd.f32 v36, v33;
	v1 =	vmul.f32 v48, v34;
	v47 =	vld [tilespmem:s4+$0x490]  }
0x89: {  	s12 =	sadd.s32 $0x20, s12;
	v34 =	vmul.f32 v34, v34;
	v52 =	vmul.f32 v37, v21;
	v33 =	vld [tilespmem:s4+$0x84C0];
	v0 =	vadd.f32 v54, v0  }
0x8a: {  	v50 =	vmul.f32 v35, v20;
	v2 =	vadd.f32 v38, v2;
	v49 =	vadd.f32 v28, v36;
	v28 =	vmovc v43;
	v37 =	vld [tilespmem:s4+$0x4C0]  }
0x8b: {  	v43 =	vmul.f32 v4, v4;
	v35 =	vadd.f32 v34, v40;
	v40 =	vmul.f32 v25, v7;
	v51 =	vld [tilespmem:s4+$0x4A0]  }
0x8c: {  	v48 =	vmul.f32 v48, v48;
	v0 =	vadd.f32 v53, v0;
	v9 =	vmul.f32 v60, v39;
	v34 =	vld [tilespmem:s4+$0x84A0]  }
0x8d: {  	v3 =	vadd.f32 v3, v35;
	v39 =	vmul.f32 v39, v39;
	v38 =	vmul.f32 v32, v47;
	v36 =	vld [tilespmem:s4+$0x84D0]  }
0x8e: {  	v1 =	vmul.f32 v1, v24;
	v53 =	vmul.f32 v27, v62;
	v49 =	vadd.f32 v29, v49;
	v35 =	vld [tilespmem:s4+$0x4E0];
	[tilespmem:s31+$0x0] =	vst v0;
	s31 =	smov.u32 s3;
	s3 =	smov.u32 s12  }
0x8f: {  	v29 =	vmovc v43;
	v0 =	vadd.f32 v39, v3;
	v3 =	vmul.f32 v45, v45;
	v57 =	vld [tilespmem:s4+$0x4B0];
	v39 =	vmul.f32 v33, v37  }
0x90: {  	v10 =	vmul.f32 v55, v55;
	v2 =	vadd.f32 v46, v2;
	v45 =	vmul.f32 v42, v42;
	v56 =	vld [tilespmem:s4+$0x84B0]  }
0x91: {  	v46 =	vadd.f32 v58, v1;
	v60 =	vmul.f32 v40, v17;
	v43 =	vmul.f32 v34, v51;
	v42 =	vld [tilespmem:s4+$0x4F0]  }
0x92: {  	v61 =	vmul.f32 v44, v44;
	v2 =	vadd.f32 v48, v2;
	v58 =	vld [tilespmem:s4+$0x480];
	v55 =	vmul.f32 v36, v30  }
.Ltmp0:
0x93: {  	v1 =	vmul.f32 v6, v19;
	v3 =	vadd.f32 v3, v0;
	v54 =	vmul.f32 v59, v35;
	(pc) =	sbr.rel @p0 .LBB2_2-.Ltmp0, $4  }
0x94: {  	v2 =	vadd.f32 v5, v2;
	v5 =	vmul.f32 v9, v22;
	v0 =	vmul.f32 v53, v18  }
0x95: {  	v41 =	vadd.f32 v41, v8;
	v62 =	vmul.f32 v62, v62;
	v48 =	vmul.f32 v56, v57  }
0x96: {  	v59 =	vadd.f32 v63, v2;
	v63 =	vadd.f32 v10, v3;
	v53 =	vmul.f32 v4, v42  }
0x97: {  	v40 =	vmul.f32 v7, v7;
	v44 =	vadd.f32 v5, v46;
	v2 =	vmul.f32 v58, v58  }
0x98: {  	_ = 	snop  }
0x99: {  	v3 =	vadd.f32 v52, v44;
	_ =	sdelay $0x1  }
0x9a: {  	v3 =	vadd.f32 v50, v3;
	_ =	sdelay $0x1  }
0x9b: {  	v1 =	vadd.f32 v1, v3;
	_ =	sdelay $0x1  }
0x9c: {  	v0 =	vadd.f32 v0, v1;
	_ =	sdelay $0x1  }
0x9d: {  	v0 =	vadd.f32 v60, v0;
	_ =	sdelay $0x1  }
0x9e: {  	v3 =	vld [tilespmem:s4+$0x8480];
	v1 =	vadd.f32 v2, v41;
	v2 =	vmul.f32 v47, v47;
	[tilespmem:s12+$0xFFFFFFF0] =	vst v0  }
0x9f: {  	v46 =	vld [tilespmem:s0+$0x8490]  }
0xa0: {  	v0 =	vadd.f32 v2, v1;
	v2 =	vld [tilespmem:s0+$0x490]  }
0xa1: {  	v1 =	vmul.f32 v51, v51;
	v4 =	vld [tilespmem:s0+$0x4A0]  }
0xa2: {  	v5 =	vld [tilespmem:s0+$0x480]  }
0xa3: {  	v7 =	vld [tilespmem:s0+$0x8480];
	v0 =	vadd.f32 v1, v0;
	v1 =	vmul.f32 v57, v57  }
0xa4: {  	v6 =	vadd.f32 v61, v63;
	v8 =	vmul.f32 v3, v58;
	v3 =	vmul.f32 v3, v3;
	v47 =	vld [tilespmem:s0+$0x84A0]  }
0xa5: {  	v50 =	vadd.f32 v45, v59;
	v45 =	vld [tilespmem:s0+$0x84B0];
	v0 =	vadd.f32 v1, v0;
	v1 =	vmul.f32 v37, v37  }
0xa6: {  	v10 =	vmul.f32 v38, v23;
	v32 =	vmul.f32 v32, v32;
	v3 =	vadd.f32 v3, v49;
	v44 =	vld [tilespmem:s0+$0x84C0]  }
0xa7: {  	v34 =	vmul.f32 v34, v34;
	v0 =	vadd.f32 v1, v0;
	v1 =	vmul.f32 v8, v24;
	v8 =	vld [tilespmem:s0+$0x4B0]  }
0xa8: {  	v51 =	vld [tilespmem:s0+$0x4C0];
	v3 =	vadd.f32 v32, v3;
	v58 =	vmul.f32 v46, v2;
	v59 =	vmul.f32 v7, v5  }
0xa9: {  	v38 =	vld [tilespmem:s0+$0x4D0];
	v60 =	vmul.f32 v47, v4;
	v1 =	vadd.f32 v10, v1;
	v10 =	vmul.f32 v43, v22  }
0xaa: {  	v6 =	vadd.f32 v62, v6;
	v61 =	vmul.f32 v59, v24;
	v62 =	vmul.f32 v58, v23;
	v43 =	vld [tilespmem:s0+$0x84D0]  }
0xab: {  	v41 =	vld [tilespmem:s0+$0x84E0];
	v3 =	vadd.f32 v34, v3;
	v1 =	vadd.f32 v10, v1;
	v10 =	vmul.f32 v48, v21  }
0xac: {  	v34 =	vld [tilespmem:s0+$0x4E0];
	v52 =	vmul.f32 v60, v22;
	v32 =	vadd.f32 v62, v61;
	v63 =	vmul.f32 v45, v8  }
0xad: {  	v9 =	vmul.f32 v56, v56;
	v39 =	vmul.f32 v39, v20;
	v1 =	vadd.f32 v10, v1  }
0xae: {  	v37 =	vld [tilespmem:s0+$0x84F0];
	v10 =	vmul.f32 v44, v51;
	v49 =	vadd.f32 v52, v32;
	v48 =	vmul.f32 v63, v21  }
0xaf: {  	v3 =	vadd.f32 v9, v3;
	v9 =	vmul.f32 v55, v19;
	v32 =	vld [tilespmem:s0+$0x4F0];
	v57 =	vmul.f32 v43, v38  }
0xb0: {  	v1 =	vadd.f32 v39, v1;
	v10 =	vmul.f32 v10, v20;
	v56 =	vadd.f32 v48, v49  }
0xb1: {  	v58 =	vmul.f32 v54, v18;
	v59 =	vmul.f32 v41, v34  }
0xb2: {  	v12 =	vld [tilespmem:$0x1FF20];
	v48 =	vmul.f32 v57, v19;
	v1 =	vadd.f32 v9, v1;
	v10 =	vadd.f32 v10, v56  }
0xb3: {  	v39 =	vmul.f32 v59, v18;
	v9 =	vmul.f32 v53, v17  }
0xb4: {  	v11 =	vld [tilespmem:$0x1FF10];
	v60 =	vmul.f32 v37, v32;
	v1 =	vadd.f32 v58, v1;
	v10 =	vadd.f32 v48, v10  }
0xb5: {  	v30 =	vmul.f32 v30, v30;
	v26 =	vmul.f32 v26, v26  }
0xb6: {  	s22 =	simm.s32 $0x0;
	v1 =	vadd.f32 v9, v1;
	v9 =	vmul.f32 v60, v17;
	v10 =	vadd.f32 v39, v10  }
0xb7: {  	v31 =	vadd.f32 v31, v50;
	v0 =	vadd.f32 v30, v0;
	v61 =	vor.u32 s22, v12  }
0xb8: {  	v30 =	vmul.f32 v35, v35;
	v62 =	vor.u32 s22, v15;
	v9 =	vadd.f32 v9, v10  }
0xb9: {  	v33 =	vmul.f32 v33, v33;
	v13 =	vld [tilespmem:$0x1FF30];
	v39 =	vand.u32 v11, v62;
	[tilespmem:s31+$0x0] =	vst v1  }
0xba: {  	v26 =	vadd.f32 v26, v31;
	v31 =	vmul.f32 v42, v42;
	v0 =	vadd.f32 v30, v0;
	v14 =	vld [tilespmem:$0x1FF40];
	[tilespmem:s3+$0x0] =	vst v9  }
0xbb: {  	v36 =	vmul.f32 v36, v36;
	v3 =	vadd.f32 v33, v3;
	v48 =	vld [tilespmem:$0x1FF50]  }
0xbc: {  	v5 =	vmul.f32 v5, v5;
	v0 =	vadd.f32 v31, v0;
	v30 =	vld.idx.msk [tilespmem:v61+s20+$0x0], $0xffff  }
0xbd: {  	v3 =	vadd.f32 v36, v3;
	v42 =	vld [tilespmem:$0x1FF60]  }
0xbe: {  	v2 =	vmul.f32 v2, v2;
	v0 =	vadd.f32 v5, v0;
	v56 =	vld.idx.msk [tilespmem:v39+s20+$0x0], $0xffff  }
0xbf: {  	v3 =	vadd.f32 v28, v3;
	v49 =	vld [tilespmem:$0x1FF70]  }
0xc0: {  	v0 =	vadd.f32 v2, v0;
	v2 =	vmul.f32 v4, v4;
	v50 =	vld [tilespmem:$0x1FF80]  }
0xc1: {  	v28 =	vadd.f32 v40, v6;
	v3 =	vadd.f32 v29, v3;
	v52 =	vld [tilespmem:$0x1FFA0]  }
0xc2: {  	v0 =	vadd.f32 v2, v0;
	v2 =	vmul.f32 v7, v7;
	v10 =	vor.u32 s22, v13;
	v40 =	vld [tilespmem:$0x1FF90]  }
0xc3: {  	v27 =	vmul.f32 v27, v27;
	v53 =	vld [tilespmem:$0x1FFB0]  }
0xc4: {  	v2 =	vadd.f32 v2, v3;
	v3 =	vmul.f32 v46, v46;
	v54 =	vld [tilespmem:$0x1FFC0];
	v1 =	vor.u32 s22, v14  }
0xc5: {  	v25 =	vmul.f32 v25, v25;
	v58 =	vadd.f32 v27, v26;
	v46 =	vld [tilespmem:$0x1FFD0];
	v9 =	vor.u32 s22, v48  }
0xc6: {  	v2 =	vadd.f32 v3, v2;
	v3 =	vmul.f32 v47, v47;
	v47 =	vld [tilespmem:$0x1FFE0];
	v63 =	vor.u32 s22, v42  }
0xc7: {  	v10 =	vld.idx.msk [tilespmem:v10+s20+$0x0], $0xffff;
	v57 =	vor.u32 s22, v49;
	v31 =	vor.u32 s22, v50  }
0xc8: {  	v35 =	vadd.f32 v30, v56;
	v30 =	vadd.f32 v25, v58;
	v58 =	vmul.f32 v45, v45;
	v45 =	vld [tilespmem:$0x1FFF0]  }
0xc9: {  	s31 =	simm.s32 $0x100;
	v26 =	vor.u32 s22, v52;
	v1 =	vld.idx.msk [tilespmem:v1+s20+$0x0], $0xffff  }
0xca: {  	v29 =	vor.u32 s31, v12;
	v60 =	vor.u32 s31, v15;
	v59 =	vld.idx.msk [tilespmem:v9+s20+$0x0], $0xffff  }
0xcb: {  	v33 =	vand.u32 v11, v60;
	v27 =	vld.idx.msk [tilespmem:v63+s20+$0x0], $0xffff  }
0xcc: {  	v62 =	vadd.f32 v10, v35;
	v10 =	vor.u32 s31, v13;
	v36 =	vld.idx.msk [tilespmem:v57+s20+$0x0], $0xffff  }
0xcd: {  	v9 =	vor.u32 s22, v40;
	v61 =	vld.idx.msk [tilespmem:v31+s20+$0x0], $0xffff  }
0xce: {  	v31 =	vor.u32 s22, v53;
	v25 =	vld.idx.msk [tilespmem:v26+s20+$0x0], $0xffff  }
0xcf: {  	v55 =	vor.u32 s22, v46;
	v63 =	vld.idx.msk [tilespmem:v29+s20+$0x0], $0xffff  }
0xd0: {  	v8 =	vmul.f32 v8, v8;
	v26 =	vor.u32 s31, v14;
	v29 =	vld.idx.msk [tilespmem:v33+s20+$0x0], $0xffff;
	v1 =	vadd.f32 v1, v62  }
0xd1: {  	v56 =	vor.u32 s31, v48;
	v10 =	vld.idx.msk [tilespmem:v10+s20+$0x0], $0xffff  }
0xd2: {  	v0 =	vadd.f32 v8, v0;
	v7 =	vld.idx.msk [tilespmem:v9+s20+$0x0], $0xffff;
	v9 =	vor.u32 s22, v54;
	v1 =	vadd.f32 v59, v1  }
0xd3: {  	s0 =	simm.s32 $0x200;
	v2 =	vadd.f32 v3, v2;
	v60 =	vmul.f32 v44, v44;
	v8 =	vld.idx.msk [tilespmem:v31+s20+$0x0], $0xffff;
	v31 =	vor.u32 s22, v47  }
0xd4: {  	v44 =	vor.u32 s0, v15;
	v33 =	vld.idx.msk [tilespmem:v55+s20+$0x0], $0xffff;
	v1 =	vadd.f32 v27, v1;
	v27 =	vor.u32 s31, v42  }
0xd5: {  	v2 =	vadd.f32 v58, v2;
	v57 =	vmul.f32 v51, v51;
	v3 =	vld.idx.msk [tilespmem:v26+s20+$0x0], $0xffff;
	v59 =	vor.u32 s31, v49  }
0xd6: {  	v5 =	vld.idx.msk [tilespmem:v56+s20+$0x0], $0xffff;
	v6 =	vadd.f32 v63, v29;
	v29 =	vor.u32 s22, v16;
	v1 =	vadd.f32 v36, v1  }
0xd7: {  	v2 =	vadd.f32 v60, v2;
	v0 =	vadd.f32 v57, v0;
	v26 =	vor.u32 s22, v45;
	v9 =	vld.idx.msk [tilespmem:v9+s20+$0x0], $0xffff  }
0xd8: {  	v55 =	vor.u32 s31, v53;
	v6 =	vadd.f32 v10, v6;
	v31 =	vld.idx.msk [tilespmem:v31+s20+$0x0], $0xffff;
	v1 =	vadd.f32 v61, v1  }
0xd9: {  	v62 =	vmul.f32 v43, v43;
	v43 =	vor.u32 s0, v12;
	v61 =	vor.u32 s31, v50;
	v10 =	vld.idx.msk [tilespmem:v27+s20+$0x0], $0xffff  }
0xda: {  	v63 =	vor.u32 s31, v40;
	v3 =	vadd.f32 v3, v6;
	v35 =	vld.idx.msk [tilespmem:v59+s20+$0x0], $0xffff;
	v1 =	vadd.f32 v7, v1  }
0xdb: {  	v2 =	vadd.f32 v62, v2;
	v6 =	vand.u32 v11, v44;
	v51 =	vld.idx.msk [tilespmem:v29+s20+$0x0], $0xffff;
	v29 =	vmul.f32 v41, v41  }
0xdc: {  	v57 =	vmul.f32 v37, v37;
	v26 =	vld.idx.msk [tilespmem:v26+s20+$0x0], $0xffff;
	v3 =	vadd.f32 v5, v3;
	v1 =	vadd.f32 v25, v1  }
0xdd: {  	v27 =	vor.u32 s31, v52;
	v2 =	vadd.f32 v29, v2;
	v5 =	vld.idx.msk [tilespmem:v55+s20+$0x0], $0xffff;
	v25 =	vmul.f32 v38, v38  }
0xde: {  	v29 =	vor.u32 s0, v14;
	v4 =	vld.idx.msk [tilespmem:v61+s20+$0x0], $0xffff;
	v1 =	vadd.f32 v8, v1;
	v3 =	vadd.f32 v10, v3  }
0xdf: {  	v7 =	vld.idx.msk [tilespmem:v63+s20+$0x0], $0xffff;
	v8 =	vor.u32 s0, v13;
	v0 =	vadd.f32 v25, v0;
	v25 =	vmul.f32 v34, v34  }
0xe0: {  	v6 =	vld.idx.msk [tilespmem:v6+s20+$0x0], $0xffff;
	v10 =	vor.u32 s31, v54;
	v1 =	vadd.f32 v9, v1;
	v3 =	vadd.f32 v35, v3  }
0xe1: {  	v9 =	vld.idx.msk [tilespmem:v43+s20+$0x0], $0xffff;
	v0 =	vadd.f32 v25, v0;
	v25 =	vadd.f32 v57, v2;
	v2 =	vor.u32 s0, v42  }
0xe2: {  	v56 =	vor.u32 s31, v46;
	v27 =	vld.idx.msk [tilespmem:v27+s20+$0x0], $0xffff;
	v1 =	vadd.f32 v33, v1  }
0xe3: {  	v58 =	vor.u32 s0, v48;
	v60 =	vld.idx.msk [tilespmem:v29+s20+$0x0], $0xffff;
	v3 =	vadd.f32 v4, v3  }
0xe4: {  	v59 =	vor.u32 s31, v47;
	v8 =	vld.idx.msk [tilespmem:v8+s20+$0x0], $0xffff;
	v1 =	vadd.f32 v31, v1  }
0xe5: {  	v61 =	vor.u32 s31, v45;
	v10 =	vld.idx.msk [tilespmem:v10+s20+$0x0], $0xffff;
	v31 =	vmul.f32 v32, v32;
	v3 =	vadd.f32 v7, v3  }
0xe6: {  	v6 =	vadd.f32 v9, v6;
	v9 =	vor.u32 s0, v49;
	v33 =	vld.idx.msk [tilespmem:v2+s20+$0x0], $0xffff;
	v1 =	vadd.f32 v26, v1  }
0xe7: {  	v36 =	vor.u32 s31, v16;
	v26 =	vld.idx.msk [tilespmem:v56+s20+$0x0], $0xffff;
	v3 =	vadd.f32 v27, v3  }
0xe8: {  	v34 =	vor.u32 s0, v50;
	v29 =	vadd.f32 v31, v0;
	v0 =	vld.idx.msk [tilespmem:v58+s20+$0x0], $0xffff;
	v62 =	vadd.f32 v51, v1  }
0xe9: {  	s4 =	simm.s32 $0x300;
	v27 =	vld.idx.msk [tilespmem:v59+s20+$0x0], $0xffff;
	v63 =	vadd.f32 v8, v6;
	v2 =	vadd.f32 v5, v3;
	v1 =	vor.u32 s0, v52  }
0xea: {  	s3 =	simm.s32 $0x10480;
	v37 =	vor.u32 s0, v40;
	v38 =	vor.u32 s4, v12;
	v31 =	vld.idx.msk [tilespmem:v61+s20+$0x0], $0xffff  }
0xeb: {  	s12 =	simm.s32 $0x400;
	v39 =	vadd.f32 v60, v63;
	[tilespmem:s3+$0x0] =	vst v62;
	v32 =	vadd.f32 v10, v2;
	v2 =	vor.u32 s4, v15;
	v35 =	vld.idx.msk [tilespmem:v9+s20+$0x0], $0xffff  }
.LBB2_4:
0xec: {  	p0 =	sne.s32 s12, $0x700;
	v2 =	vand.u32 v11, v2;
	v3 =	vld.idx.msk [tilespmem:v36+s20+$0x0], $0xffff  }
0xed: {  	v5 =	vor.u32 s0, v53;
	v0 =	vadd.f32 v0, v39;
	v4 =	vld.idx.msk [tilespmem:v34+s20+$0x0], $0xffff;
	v6 =	vadd.f32 v26, v32  }
0xee: {  	v7 =	vor.u32 s4, v13;
	v1 =	vld.idx.msk [tilespmem:v1+s20+$0x0], $0xffff  }
0xef: {  	v9 =	vor.u32 s0, v54;
	v0 =	vadd.f32 v33, v0;
	v8 =	vld.idx.msk [tilespmem:v37+s20+$0x0], $0xffff;
	v6 =	vadd.f32 v27, v6  }
0xf0: {  	v26 =	vor.u32 s4, v14;
	v10 =	vld.idx.msk [tilespmem:v38+s20+$0x0], $0xffff  }
0xf1: {  	v27 =	vor.u32 s0, v46;
	v2 =	vld.idx.msk [tilespmem:v2+s20+$0x0], $0xffff;
	v0 =	vadd.f32 v35, v0;
	v6 =	vadd.f32 v31, v6  }
0xf2: {  	v31 =	vor.u32 s4, v48;
	v5 =	vld.idx.msk [tilespmem:v5+s20+$0x0], $0xffff  }
0xf3: {  	v7 =	vld.idx.msk [tilespmem:v7+s20+$0x0], $0xffff;
	v0 =	vadd.f32 v4, v0;
	v4 =	vor.u32 s0, v47;
	v3 =	vadd.f32 v3, v6  }
0xf4: {  	s3 =	sadd.s32 $0x10, s3;
	v6 =	vor.u32 s4, v42;
	v9 =	vld.idx.msk [tilespmem:v9+s20+$0x0], $0xffff  }
0xf5: {  	v35 =	vor.u32 s0, v45;
	v32 =	vld.idx.msk [tilespmem:v26+s20+$0x0], $0xffff;
	v8 =	vadd.f32 v8, v0;
	[tilespmem:s3+$0x0] =	vst v3  }
0xf6: {  	v3 =	vor.u32 s4, v49;
	v26 =	vld.idx.msk [tilespmem:v27+s20+$0x0], $0xffff  }
.Ltmp1:
0xf7: {  	v36 =	vor.u32 s0, v16;
	s0 =	smov.u32 s4;
	s4 =	smov.u32 s12;
	v2 =	vadd.f32 v10, v2;
	v0 =	vld.idx.msk [tilespmem:v31+s20+$0x0], $0xffff;
	v8 =	vadd.f32 v1, v8;
	(pc) =	sbr.rel @p0 .LBB2_4-.Ltmp1, $4  }
0xf8: {  	v34 =	vor.u32 s0, v50;
	v27 =	vld.idx.msk [tilespmem:v4+s20+$0x0], $0xffff  }
0xf9: {  	v1 =	vor.u32 s0, v52;
	v4 =	vadd.f32 v7, v2;
	v33 =	vld.idx.msk [tilespmem:v6+s20+$0x0], $0xffff;
	v5 =	vadd.f32 v5, v8  }
0xfa: {  	v38 =	vor.u32 s12, v12;
	v37 =	vor.u32 s0, v40;
	v31 =	vld.idx.msk [tilespmem:v35+s20+$0x0], $0xffff  }
0xfb: {  	s12 =	sadd.s32 $0x100, s12;
	v2 =	vor.u32 s4, v15;
	v39 =	vadd.f32 v32, v4;
	v35 =	vld.idx.msk [tilespmem:v3+s20+$0x0], $0xffff;
	v32 =	vadd.f32 v9, v5  }
0xfc: {  	v2 =	vand.u32 v11, v2;
	_ =	sdelay $0x1  }
0xfd: {  	v3 =	vor.u32 s4, v13;
	_ =	sdelay $0x1  }
0xfe: {  	v4 =	vld.idx.msk [tilespmem:v38+s20+$0x0], $0xffff;
	v5 =	vor.u32 s4, v14  }
0xff: {  	v2 =	vld.idx.msk [tilespmem:v2+s20+$0x0], $0xffff  }
0x100: {  	v6 =	vor.u32 s4, v48  }
0x101: {  	v3 =	vld.idx.msk [tilespmem:v3+s20+$0x0], $0xffff  }
0x102: {  	v7 =	vor.u32 s4, v42  }
0x103: {  	v5 =	vld.idx.msk [tilespmem:v5+s20+$0x0], $0xffff  }
0x104: {  	v8 =	vor.u32 s4, v49;
	v2 =	vadd.f32 v4, v2  }
0x105: {  	v62 =	vld.idx.msk [tilespmem:v6+s20+$0x0], $0xffff  }
0x106: {  	v63 =	vor.u32 s4, v50;
	v2 =	vadd.f32 v3, v2  }
0x107: {  	v3 =	vld.idx.msk [tilespmem:v7+s20+$0x0], $0xffff  }
0x108: {  	v36 =	vld.idx.msk [tilespmem:v36+s20+$0x0], $0xffff;
	v9 =	vor.u32 s4, v40;
	v2 =	vadd.f32 v5, v2  }
0x109: {  	v0 =	vadd.f32 v0, v39;
	v38 =	vld.idx.msk [tilespmem:v8+s20+$0x0], $0xffff  }
0x10a: {  	v10 =	vor.u32 s4, v52;
	v39 =	vld.idx.msk [tilespmem:v34+s20+$0x0], $0xffff;
	v2 =	vadd.f32 v62, v2  }
0x10b: {  	v40 =	vor.u32 s0, v53;
	v0 =	vadd.f32 v33, v0;
	v6 =	vld.idx.msk [tilespmem:v63+s20+$0x0], $0xffff  }
0x10c: {  	v41 =	vld.idx.msk [tilespmem:v37+s20+$0x0], $0xffff;
	v42 =	vor.u32 s4, v53;
	v2 =	vadd.f32 v3, v2  }
0x10d: {  	v0 =	vadd.f32 v35, v0;
	v9 =	vld.idx.msk [tilespmem:v9+s20+$0x0], $0xffff;
	v3 =	vor.u32 s0, v54  }
0x10e: {  	v1 =	vld.idx.msk [tilespmem:v1+s20+$0x0], $0xffff;
	v43 =	vor.u32 s4, v54;
	v2 =	vadd.f32 v38, v2  }
0x10f: {  	v44 =	vor.u32 s0, v46;
	v48 =	vld.idx.msk [tilespmem:v10+s20+$0x0], $0xffff;
	v0 =	vadd.f32 v39, v0  }
0x110: {  	v49 =	vor.u32 s4, v46;
	v4 =	vld.idx.msk [tilespmem:v40+s20+$0x0], $0xffff;
	v2 =	vadd.f32 v6, v2  }
0x111: {  	v50 =	vor.u32 s0, v47;
	v51 =	vld.idx.msk [tilespmem:v42+s20+$0x0], $0xffff;
	v0 =	vadd.f32 v41, v0  }
0x112: {  	v52 =	vor.u32 s4, v47;
	v3 =	vld.idx.msk [tilespmem:v3+s20+$0x0], $0xffff;
	v2 =	vadd.f32 v9, v2  }
0x113: {  	v53 =	vor.u32 s0, v45;
	v0 =	vadd.f32 v1, v0;
	v1 =	vld.idx.msk [tilespmem:v43+s20+$0x0], $0xffff  }
0x114: {  	v5 =	vld.idx.msk [tilespmem:v44+s20+$0x0], $0xffff;
	v54 =	vor.u32 s4, v45;
	v2 =	vadd.f32 v48, v2  }
0x115: {  	v55 =	vor.u32 s0, v16;
	v56 =	vld.idx.msk [tilespmem:v49+s20+$0x0], $0xffff;
	v0 =	vadd.f32 v4, v0  }
0x116: {  	v57 =	vor.u32 s4, v16;
	v6 =	vld.idx.msk [tilespmem:v50+s20+$0x0], $0xffff;
	v2 =	vadd.f32 v51, v2  }
0x117: {  	v0 =	vadd.f32 v3, v0;
	v3 =	vld.idx.msk [tilespmem:v52+s20+$0x0], $0xffff  }
0x118: {  	v26 =	vadd.f32 v26, v32;
	v9 =	vld.idx.msk [tilespmem:v53+s20+$0x0], $0xffff;
	v1 =	vadd.f32 v1, v2  }
0x119: {  	v0 =	vadd.f32 v5, v0;
	v2 =	vld.idx.msk [tilespmem:v54+s20+$0x0], $0xffff  }
0x11a: {  	v58 =	vadd.f32 v27, v26;
	v8 =	vld.idx.msk [tilespmem:v55+s20+$0x0], $0xffff;
	v1 =	vadd.f32 v56, v1  }
0x11b: {  	v59 =	vld.idx.msk [tilespmem:v57+s20+$0x0], $0xffff;
	v0 =	vadd.f32 v6, v0  }
0x11c: {  	v5 =	vadd.f32 v31, v58;
	v1 =	vadd.f32 v3, v1  }
0x11d: {  	v0 =	vadd.f32 v9, v0  }
0x11e: {  	v3 =	vadd.f32 v36, v5;
	v1 =	vadd.f32 v2, v1  }
0x11f: {  	s18 =	sadd.s32 $0x10, s3;
	v0 =	vadd.f32 v8, v0  }
0x120: {  	s0 =	sadd.s32 $0x10, s18;
	[tilespmem:s18+$0x0] =	vst v3;
	v1 =	vadd.f32 v59, v1  }
0x121: {  	[tilespmem:s0+$0x0] =	vst v0;
	s0 =	sadd.s32 $0x10, s0  }
0x122: {  	s21 =	simm.s32 $0x100;
	[tilespmem:s0+$0x0] =	vst v1  }
0x123: {  	[tilespmem:s15], [sflag:$0x1] =	stream.indirect.gather [hbm4b:s1+s14], $0x80, s21, s14, $0xb8;
	[tilespmem:$0x10F00] =	vst v63  }
0x124: {  	s22 =	simm.s32 $0x300  }
0x125: {  	[tilespmem:s16], [sflag:$0x1] =	stream.indirect.gather [hbm4b:s2+s14], $0x80, s22, s14, $0xb8;
	[tilespmem:$0x10F00] =	vst v63  }
0x126: {  	_ =	swait.ge [sflag:s23], $0x4000  }
0x127: {  	[sflag:s23] =	ssyncset.done $0x0  }
0x128: {  	[sflag:s23] =	ssyncadd.s32 $0xFFFFC000  }
0x129: {  	_ =	swait.ge [sflag:s23], $0x4000  }
0x12a: {  	[sflag:s23] =	ssyncset.done $0x0  }
0x12b: {  	s3 =	simm.s32 $0x0;
	[sflag:s23] =	ssyncadd.s32 $0xFFFFC000  }
0x12c: {  	v0 =	vld [tilespmem:s3+$0x4410]  }
0x12d: {  	v1 =	vld [tilespmem:s3+$0xC410]  }
0x12e: {  	v2 =	vld [tilespmem:s3+$0xC400]  }
0x12f: {  	v3 =	vld [tilespmem:s3+$0x4400]  }
0x130: {  	v60 =	vld [tilespmem:s3+$0xC420]  }
0x131: {  	v5 =	vld [tilespmem:s3+$0x4420]  }
0x132: {  	v6 =	vld [tilespmem:s3+$0xC430]  }
0x133: {  	v7 =	vld [tilespmem:s3+$0x4430]  }
0x134: {  	v56 =	vld [tilespmem:s3+$0x4440]  }
0x135: {  	v48 =	vld [tilespmem:s3+$0xC450]  }
0x136: {  	v49 =	vld [tilespmem:s3+$0x4450]  }
0x137: {  	v50 =	vld [tilespmem:s3+$0xC460]  }
0x138: {  	v52 =	vld [tilespmem:s3+$0x4460]  }
0x139: {  	v53 =	vld [tilespmem:s3+$0xC470]  }
0x13a: {  	v54 =	vld [tilespmem:s3+$0x4470];
	v55 =	vmul.f32 v1, v0;
	v47 =	vmul.f32 v2, v3  }
0x13b: {  	v31 =	vld [tilespmem:s3+$0xC440];
	v26 =	vmul.f32 v60, v5  }
0x13c: {  	s0 =	simm.s32 $0x100;
	v8 =	vmul.f32 v55, v23;
	v10 =	vmul.f32 v47, v24  }
0x13d: {  	v42 =	vld [tilespmem:s0+$0x4450];
	v27 =	vmul.f32 v6, v7;
	v61 =	vmul.f32 v48, v49  }
0x13e: {  	v63 =	vld [tilespmem:s0+$0x4410];
	v62 =	vmul.f32 v50, v52;
	v51 =	vmul.f32 v26, v22;
	v8 =	vadd.f32 v8, v10  }
0x13f: {  	v43 =	vld [tilespmem:s0+$0xC430];
	v57 =	vmul.f32 v53, v54;
	v3 =	vmul.f32 v3, v3  }
0x140: {  	v44 =	vld [tilespmem:s0+$0x4440];
	v26 =	vmul.f32 v31, v56;
	v27 =	vmul.f32 v27, v21;
	v8 =	vadd.f32 v51, v8  }
0x141: {  	v59 =	vld [tilespmem:s0+$0xC410];
	v0 =	vmul.f32 v0, v0;
	v4 =	vmul.f32 v60, v60  }
0x142: {  	v41 =	vld [tilespmem:s0+$0xC420];
	v60 =	vmul.f32 v31, v31;
	v26 =	vmul.f32 v26, v20;
	v8 =	vadd.f32 v27, v8  }
0x143: {  	v46 =	vld [tilespmem:s0+$0x4430];
	v1 =	vmul.f32 v1, v1;
	v2 =	vmul.f32 v2, v2  }
0x144: {  	v32 =	vmul.f32 v61, v19;
	v3 =	vadd.f32 v3, v28;
	v28 =	vld [tilespmem:s0+$0xC460];
	v8 =	vadd.f32 v26, v8  }
0x145: {  	v38 =	vmul.f32 v62, v18;
	v58 =	vmul.f32 v57, v17;
	v57 =	vld [tilespmem:s0+$0xC400]  }
0x146: {  	v31 =	vld [tilespmem:s0+$0x4400];
	v0 =	vadd.f32 v0, v3;
	v3 =	vmul.f32 v5, v5;
	v8 =	vadd.f32 v32, v8  }
0x147: {  	v9 =	vmul.f32 v63, v63;
	v2 =	vadd.f32 v2, v30;
	v47 =	vld [tilespmem:s0+$0x4460];
	v61 =	vmul.f32 v59, v63  }
0x148: {  	v63 =	vld [tilespmem:s0+$0x4420];
	v0 =	vadd.f32 v3, v0;
	v3 =	vmul.f32 v7, v7;
	v8 =	vadd.f32 v38, v8  }
0x149: {  	v6 =	vmul.f32 v6, v6;
	v55 =	vmul.f32 v56, v56;
	v1 =	vadd.f32 v1, v2;
	v7 =	vld [tilespmem:s0+$0x4470]  }
0x14a: {  	v56 =	vmul.f32 v49, v49;
	v27 =	vld [tilespmem:s0+$0xC450];
	v0 =	vadd.f32 v3, v0;
	v8 =	vadd.f32 v58, v8  }
0x14b: {  	s31 =	simm.s32 $0x10710;
	v62 =	vmul.f32 v48, v48;
	v10 =	vmul.f32 v54, v54;
	v1 =	vadd.f32 v4, v1;
	v26 =	vld [tilespmem:s0+$0xC470]  }
0x14c: {  	v2 =	vmul.f32 v53, v53;
	v53 =	vmul.f32 v41, v41;
	v0 =	vadd.f32 v55, v0;
	v38 =	vld [tilespmem:s0+$0xC440];
	[tilespmem:s31+$0xFFFFFFF0] =	vst v8  }
0x14d: {  	v4 =	vmul.f32 v61, v23;
	v3 =	vmul.f32 v52, v52;
	v1 =	vadd.f32 v6, v1;
	v5 =	vld [tilespmem:s3+$0xC4F0]  }
0x14e: {  	v6 =	vmul.f32 v59, v59;
	v59 =	vmul.f32 v43, v46;
	v0 =	vadd.f32 v56, v0;
	v45 =	vld [tilespmem:s3+$0xC4E0]  }
0x14f: {  	v61 =	vmul.f32 v31, v31;
	v1 =	vadd.f32 v60, v1;
	v60 =	vmul.f32 v57, v31;
	v32 =	vld [tilespmem:s3+$0x44D0]  }
0x150: {  	v52 =	vmul.f32 v59, v21;
	v55 =	vmul.f32 v46, v46;
	v0 =	vadd.f32 v3, v0;
	v34 =	vld [tilespmem:s3+$0xC490]  }
0x151: {  	v46 =	vmul.f32 v43, v43;
	v1 =	vadd.f32 v62, v1;
	v58 =	vmul.f32 v50, v50;
	v48 =	vld [tilespmem:s3+$0x4490]  }
0x152: {  	v3 =	vmul.f32 v27, v42;
	v62 =	vmul.f32 v26, v7;
	v0 =	vadd.f32 v10, v0;
	v35 =	vld [tilespmem:s3+$0xC4C0]  }
0x153: {  	v10 =	vmul.f32 v57, v57;
	v1 =	vadd.f32 v58, v1;
	v58 =	vmul.f32 v41, v63;
	v39 =	vld [tilespmem:s3+$0x44C0]  }
0x154: {  	v63 =	vmul.f32 v63, v63;
	v8 =	vmul.f32 v60, v24;
	v50 =	vld [tilespmem:s3+$0x44A0]  }
0x155: {  	v0 =	vadd.f32 v61, v0;
	v60 =	vmul.f32 v62, v17;
	v61 =	vmul.f32 v42, v42;
	v36 =	vld [tilespmem:s3+$0xC4A0]  }
0x156: {  	v62 =	vmul.f32 v47, v47;
	v42 =	vmul.f32 v7, v7;
	v37 =	vld [tilespmem:s3+$0x44E0]  }
0x157: {  	v33 =	vmul.f32 v38, v38;
	v38 =	vmul.f32 v38, v44;
	v57 =	vld [tilespmem:s3+$0x44B0]  }
0x158: {  	v56 =	vld [tilespmem:s3+$0xC4B0];
	v0 =	vadd.f32 v9, v0;
	v9 =	vmul.f32 v28, v47;
	v1 =	vadd.f32 v2, v1  }
0x159: {  	v43 =	vld [tilespmem:s3+$0x44F0];
	v2 =	vmul.f32 v44, v44;
	v51 =	vmul.f32 v38, v20  }
0x15a: {  	v38 =	vld [tilespmem:s3+$0xC4D0];
	v1 =	vadd.f32 v10, v1;
	v30 =	vmul.f32 v45, v45;
	v31 =	vmul.f32 v5, v5  }
0x15b: {  	v59 =	vld [tilespmem:s3+$0x4480];
	v0 =	vadd.f32 v63, v0;
	v40 =	vmul.f32 v34, v48;
	v41 =	vmul.f32 v35, v39  }
0x15c: {  	v44 =	vmul.f32 v36, v50;
	v6 =	vadd.f32 v6, v1;
	v1 =	vmul.f32 v3, v19  }
0x15d: {  	v3 =	vadd.f32 v55, v0;
	v55 =	vmul.f32 v45, v37;
	v45 =	vmul.f32 v58, v22  }
0x15e: {  	v4 =	vadd.f32 v4, v8;
	v0 =	vmul.f32 v9, v18;
	v49 =	vmul.f32 v56, v57  }
0x15f: {  	s12 =	simm.s32 $0x10730;
	v54 =	vmul.f32 v38, v32;
	v58 =	vadd.f32 v53, v6;
	v53 =	vmul.f32 v5, v43  }
0x160: {  	s4 =	simm.s32 $0x0;
	s18 =	simm.s32 $0x10730;
	s21 =	simm.s32 $0x800;
	v63 =	vadd.f32 v2, v3;
	v45 =	vadd.f32 v45, v4;
	v2 =	vmul.f32 v59, v59  }
.LBB2_6:
0x161: {  	s22 =	sshra.s32 s21, $0x2;
	p0 =	sne.s32 s21, $0xFC00;
	s21 =	sadd.s32 $0x400, s21;
	v47 =	vmul.f32 v26, v26;
	v53 =	vmul.f32 v53, v17  }
0x162: {  	v5 =	vmul.f32 v48, v48;
	v3 =	vld [tilespmem:s22+$0xC450];
	v4 =	vadd.f32 v52, v45;
	v2 =	vadd.f32 v2, v29  }
0x163: {  	v6 =	vmul.f32 v38, v38;
	v29 =	vmul.f32 v43, v43;
	v45 =	vld [tilespmem:s22+$0x4450]  }
0x164: {  	v7 =	vld [tilespmem:s22+$0x4410];
	v4 =	vadd.f32 v51, v4;
	v2 =	vadd.f32 v5, v2;
	v5 =	vmul.f32 v50, v50  }
0x165: {  	v9 =	vmul.f32 v54, v19;
	v10 =	vmul.f32 v55, v18;
	v8 =	vld [tilespmem:s3+$0xC480];
	s3 =	smov.u32 s0;
	s0 =	smov.u32 s22  }
0x166: {  	v43 =	vld [tilespmem:s0+$0xC430];
	v1 =	vadd.f32 v1, v4;
	v2 =	vadd.f32 v5, v2;
	v4 =	vmul.f32 v35, v35  }
0x167: {  	v5 =	vmul.f32 v57, v57;
	v35 =	vmul.f32 v37, v37;
	v26 =	vld [tilespmem:s0+$0xC470]  }
0x168: {  	v37 =	vadd.f32 v61, v63;
	v54 =	vld [tilespmem:s0+$0x4440];
	v0 =	vadd.f32 v0, v1;
	v1 =	vmul.f32 v32, v32  }
0x169: {  	v2 =	vadd.f32 v5, v2;
	v5 =	vmul.f32 v56, v56;
	v32 =	vmul.f32 v39, v39;
	v38 =	vld [tilespmem:s0+$0xC440]  }
0x16a: {  	v37 =	vadd.f32 v62, v37;
	v39 =	vld [tilespmem:s0+$0xC410];
	v0 =	vadd.f32 v60, v0;
	v48 =	vmul.f32 v8, v59  }
0x16b: {  	v41 =	vmul.f32 v41, v20;
	v8 =	vmul.f32 v8, v8;
	v2 =	vadd.f32 v32, v2;
	v50 =	vld [tilespmem:s0+$0xC460]  }
0x16c: {  	v37 =	vadd.f32 v42, v37;
	v32 =	vmul.f32 v40, v23;
	v55 =	vld [tilespmem:s0+$0xC420];
	[tilespmem:s18+$0xFFFFFFF0] =	vst v0;
	v0 =	vmul.f32 v48, v24  }
0x16d: {  	v40 =	vadd.f32 v46, v58;
	v8 =	vadd.f32 v8, v25;
	v25 =	vmul.f32 v34, v34;
	v42 =	vld [tilespmem:s3+$0xC4F0]  }
0x16e: {  	v34 =	vmul.f32 v44, v22;
	v1 =	vadd.f32 v1, v2;
	v58 =	vld [tilespmem:s3+$0xC4E0];
	v0 =	vadd.f32 v32, v0  }
0x16f: {  	v2 =	vadd.f32 v33, v40;
	v8 =	vadd.f32 v25, v8;
	v25 =	vmul.f32 v36, v36;
	v32 =	vld [tilespmem:s3+$0x44D0]  }
0x170: {  	v36 =	vmul.f32 v28, v28;
	v44 =	vld [tilespmem:s0+$0x4430];
	v0 =	vadd.f32 v34, v0;
	v34 =	vmul.f32 v49, v21;
	v28 =	vmovc v50  }
0x171: {  	v33 =	vmul.f32 v38, v38;
	v8 =	vadd.f32 v25, v8;
	v40 =	vld [tilespmem:s0+$0xC400];
	v63 =	vmul.f32 v55, v55  }
0x172: {  	v48 =	vmul.f32 v27, v27;
	v27 =	vmovc v3;
	v46 =	vmul.f32 v39, v7;
	v25 =	vld [tilespmem:s0+$0x4400];
	v0 =	vadd.f32 v34, v0  }
0x173: {  	v3 =	vmul.f32 v7, v7;
	v5 =	vadd.f32 v5, v8;
	v7 =	vld [tilespmem:s0+$0x4460];
	v49 =	vmul.f32 v58, v58  }
0x174: {  	v2 =	vadd.f32 v48, v2;
	v8 =	vmul.f32 v46, v23;
	v34 =	vld [tilespmem:s3+$0xC490];
	v0 =	vadd.f32 v41, v0  }
0x175: {  	v11 =	vmul.f32 v27, v45;
	v62 =	vmul.f32 v39, v39;
	v4 =	vadd.f32 v4, v5;
	v12 =	vld [tilespmem:s0+$0x4470]  }
0x176: {  	v39 =	vmul.f32 v43, v44;
	v5 =	vld [tilespmem:s0+$0x4420];
	v0 =	vadd.f32 v9, v0;
	v9 =	vadd.f32 v35, v1  }
0x177: {  	v38 =	vmul.f32 v38, v54;
	v4 =	vadd.f32 v6, v4;
	v1 =	vmul.f32 v40, v25;
	v48 =	vld [tilespmem:s3+$0x4490]  }
0x178: {  	s18 =	sadd.s32 $0x20, s18;
	v6 =	vmul.f32 v25, v25;
	v52 =	vmul.f32 v39, v21;
	v35 =	vld [tilespmem:s3+$0xC4C0];
	v0 =	vadd.f32 v10, v0  }
0x179: {  	v51 =	vmul.f32 v38, v20;
	v2 =	vadd.f32 v36, v2;
	v4 =	vadd.f32 v30, v4;
	v30 =	vmovc v49;
	v39 =	vld [tilespmem:s3+$0x44C0]  }
0x17a: {  	v46 =	vmul.f32 v42, v42;
	v6 =	vadd.f32 v6, v37;
	v10 =	vmul.f32 v26, v12;
	v50 =	vld [tilespmem:s3+$0x44A0]  }
0x17b: {  	v49 =	vmul.f32 v40, v40;
	v0 =	vadd.f32 v53, v0;
	v13 =	vmul.f32 v55, v5;
	v36 =	vld [tilespmem:s3+$0xC4A0]  }
0x17c: {  	v3 =	vadd.f32 v3, v6;
	v5 =	vmul.f32 v5, v5;
	v40 =	vmul.f32 v34, v48;
	v38 =	vld [tilespmem:s3+$0xC4D0]  }
0x17d: {  	v1 =	vmul.f32 v1, v24;
	v25 =	vadd.f32 v31, v4;
	v6 =	vmul.f32 v28, v7;
	v37 =	vld [tilespmem:s3+$0x44E0];
	[tilespmem:s31+$0x0] =	vst v0;
	s31 =	smov.u32 s12;
	s12 =	smov.u32 s18  }
0x17e: {  	v31 =	vmovc v46;
	v0 =	vadd.f32 v5, v3;
	v3 =	vmul.f32 v44, v44;
	v57 =	vld [tilespmem:s3+$0x44B0];
	v41 =	vmul.f32 v35, v39  }
0x17f: {  	v2 =	vadd.f32 v47, v2;
	v46 =	vmul.f32 v43, v43;
	v4 =	vmul.f32 v54, v54;
	v56 =	vld [tilespmem:s3+$0xC4B0]  }
0x180: {  	v60 =	vmul.f32 v10, v17;
	v5 =	vadd.f32 v8, v1;
	v44 =	vmul.f32 v36, v50;
	v43 =	vld [tilespmem:s3+$0x44F0]  }
0x181: {  	v61 =	vmul.f32 v45, v45;
	v2 =	vadd.f32 v49, v2;
	v59 =	vld [tilespmem:s3+$0x4480];
	v54 =	vmul.f32 v38, v32  }
.Ltmp2:
0x182: {  	v1 =	vmul.f32 v11, v19;
	v3 =	vadd.f32 v3, v0;
	v55 =	vmul.f32 v58, v37;
	(pc) =	sbr.rel @p0 .LBB2_6-.Ltmp2, $4  }
0x183: {  	v2 =	vadd.f32 v62, v2;
	v8 =	vmul.f32 v13, v22;
	v0 =	vmul.f32 v6, v18  }
0x184: {  	v29 =	vadd.f32 v29, v9;
	v62 =	vmul.f32 v7, v7;
	v49 =	vmul.f32 v56, v57  }
0x185: {  	v58 =	vadd.f32 v63, v2;
	v63 =	vadd.f32 v4, v3;
	v53 =	vmul.f32 v42, v43  }
0x186: {  	v45 =	vadd.f32 v8, v5;
	v42 =	vmul.f32 v12, v12;
	v2 =	vmul.f32 v59, v59  }
0x187: {  	_ = 	snop  }
0x188: {  	v3 =	vadd.f32 v52, v45;
	_ =	sdelay $0x1  }
0x189: {  	v3 =	vadd.f32 v51, v3;
	_ =	sdelay $0x1  }
0x18a: {  	v1 =	vadd.f32 v1, v3;
	_ =	sdelay $0x1  }
0x18b: {  	v0 =	vadd.f32 v0, v1;
	_ =	sdelay $0x1  }
0x18c: {  	v0 =	vadd.f32 v60, v0;
	_ =	sdelay $0x1  }
0x18d: {  	v3 =	vld [tilespmem:s3+$0xC480];
	v1 =	vadd.f32 v2, v29;
	v2 =	vmul.f32 v48, v48;
	[tilespmem:s18+$0xFFFFFFF0] =	vst v0  }
0x18e: {  	v45 =	vld [tilespmem:s0+$0xC490]  }
0x18f: {  	v0 =	vadd.f32 v2, v1;
	v2 =	vld [tilespmem:s0+$0x4490]  }
0x190: {  	v1 =	vmul.f32 v50, v50;
	v4 =	vld [tilespmem:s0+$0x44A0]  }
0x191: {  	v5 =	vld [tilespmem:s0+$0x4480]  }
0x192: {  	v7 =	vld [tilespmem:s0+$0xC480];
	v0 =	vadd.f32 v1, v0;
	v1 =	vmul.f32 v57, v57  }
0x193: {  	v47 =	vld [tilespmem:s0+$0xC4A0]  }
0x194: {  	v8 =	vmul.f32 v3, v59;
	v0 =	vadd.f32 v1, v0;
	v1 =	vmul.f32 v39, v39  }
0x195: {  	v6 =	vadd.f32 v61, v63;
	v10 =	vmul.f32 v40, v23;
	v3 =	vmul.f32 v3, v3;
	v13 =	vld [tilespmem:s0+$0xC4B0]  }
0x196: {  	v12 =	vmul.f32 v34, v34;
	v0 =	vadd.f32 v1, v0;
	v1 =	vmul.f32 v8, v24;
	v8 =	vld [tilespmem:s0+$0x44B0]  }
0x197: {  	v3 =	vadd.f32 v3, v25;
	v40 =	vld [tilespmem:s0+$0xC4C0];
	v25 =	vmul.f32 v45, v2;
	v57 =	vmul.f32 v7, v5  }
0x198: {  	v11 =	vadd.f32 v46, v58;
	v58 =	vmul.f32 v44, v22;
	v44 =	vld [tilespmem:s0+$0x44C0];
	v59 =	vmul.f32 v47, v4  }
0x199: {  	v48 =	vld [tilespmem:s0+$0xC4D0];
	v3 =	vadd.f32 v12, v3;
	v12 =	vmul.f32 v57, v24;
	v25 =	vmul.f32 v25, v23  }
0x19a: {  	v6 =	vadd.f32 v62, v6;
	v60 =	vmul.f32 v36, v36;
	v39 =	vld [tilespmem:s0+$0x44D0];
	v1 =	vadd.f32 v10, v1  }
0x19b: {  	v36 =	vld [tilespmem:s0+$0xC4E0];
	v46 =	vmul.f32 v59, v22;
	v12 =	vadd.f32 v25, v12;
	v62 =	vmul.f32 v13, v8  }
0x19c: {  	v9 =	vmul.f32 v56, v56;
	v61 =	vmul.f32 v49, v21;
	v1 =	vadd.f32 v58, v1;
	v25 =	vld [tilespmem:s0+$0x44E0]  }
0x19d: {  	v29 =	vld [tilespmem:s0+$0xC4F0];
	v63 =	vmul.f32 v40, v44;
	v12 =	vadd.f32 v46, v12;
	v49 =	vmul.f32 v62, v21  }
0x19e: {  	v41 =	vmul.f32 v41, v20;
	v35 =	vmul.f32 v35, v35;
	v34 =	vld [tilespmem:s0+$0x44F0];
	v1 =	vadd.f32 v61, v1  }
0x19f: {  	v10 =	vmul.f32 v63, v20;
	v51 =	vmul.f32 v48, v39;
	v12 =	vadd.f32 v49, v12  }
0x1a0: {  	v56 =	vor.u32 s4, v15;
	v50 =	vmul.f32 v54, v19;
	v1 =	vadd.f32 v41, v1  }
0x1a1: {  	v41 =	vmul.f32 v51, v19;
	v10 =	vadd.f32 v10, v12;
	v12 =	vmul.f32 v36, v25  }
0x1a2: {  	v52 =	vmul.f32 v53, v17;
	v53 =	vmul.f32 v55, v18;
	v14 =	vld [tilespmem:$0x1FF10];
	v1 =	vadd.f32 v50, v1  }
0x1a3: {  	v54 =	vmul.f32 v29, v34;
	v10 =	vadd.f32 v41, v10;
	v12 =	vmul.f32 v12, v18  }
0x1a4: {  	v32 =	vmul.f32 v32, v32;
	v3 =	vadd.f32 v60, v3;
	v46 =	vld [tilespmem:$0x1FF30];
	v1 =	vadd.f32 v53, v1  }
0x1a5: {  	v11 =	vadd.f32 v33, v11;
	v55 =	vmul.f32 v54, v17;
	v10 =	vadd.f32 v12, v10  }
0x1a6: {  	v27 =	vmul.f32 v27, v27;
	v3 =	vadd.f32 v9, v3;
	v1 =	vadd.f32 v52, v1  }
0x1a7: {  	v33 =	vand.u32 v14, v56;
	v57 =	vmul.f32 v38, v38;
	v9 =	vadd.f32 v55, v10  }
0x1a8: {  	v0 =	vadd.f32 v32, v0;
	v59 =	vmul.f32 v37, v37;
	v3 =	vadd.f32 v35, v3;
	v41 =	vld [tilespmem:$0x1FF20];
	[tilespmem:s31+$0x0] =	vst v1  }
0x1a9: {  	v11 =	vadd.f32 v27, v11;
	v58 =	vor.u32 s4, v46;
	v49 =	vld [tilespmem:$0x1FF40];
	[tilespmem:s12+$0x0] =	vst v9  }
0x1aa: {  	v27 =	vmul.f32 v43, v43;
	v0 =	vadd.f32 v59, v0;
	v3 =	vadd.f32 v57, v3;
	v50 =	vld [tilespmem:$0x1FF50]  }
0x1ab: {  	v43 =	vld [tilespmem:$0x1FF60]  }
0x1ac: {  	v5 =	vmul.f32 v5, v5;
	v0 =	vadd.f32 v27, v0;
	v3 =	vadd.f32 v30, v3;
	v30 =	vld.idx.msk [tilespmem:v33+s20+$0x0], $0xffff  }
0x1ad: {  	v51 =	vld [tilespmem:$0x1FF70]  }
0x1ae: {  	v2 =	vmul.f32 v2, v2;
	v0 =	vadd.f32 v5, v0;
	v12 =	vor.u32 s4, v41;
	v10 =	vld.idx.msk [tilespmem:v58+s20+$0x0], $0xffff  }
0x1af: {  	v52 =	vld [tilespmem:$0x1FF80]  }
0x1b0: {  	v0 =	vadd.f32 v2, v0;
	v2 =	vmul.f32 v4, v4;
	v53 =	vld [tilespmem:$0x1FFA0]  }
0x1b1: {  	v62 =	vmul.f32 v28, v28;
	v28 =	vadd.f32 v42, v6;
	v3 =	vadd.f32 v31, v3;
	v42 =	vld [tilespmem:$0x1FF90]  }
0x1b2: {  	v0 =	vadd.f32 v2, v0;
	v2 =	vmul.f32 v7, v7;
	s31 =	simm.s32 $0x100;
	v54 =	vld [tilespmem:$0x1FFB0];
	v1 =	vor.u32 s4, v49  }
0x1b3: {  	v59 =	vor.u32 s31, v15;
	v58 =	vor.u32 s31, v41;
	v12 =	vld.idx.msk [tilespmem:v12+s20+$0x0], $0xffff  }
0x1b4: {  	v2 =	vadd.f32 v2, v3;
	v3 =	vmul.f32 v45, v45;
	v35 =	vand.u32 v14, v59;
	v55 =	vld [tilespmem:$0x1FFC0]  }
0x1b5: {  	v26 =	vmul.f32 v26, v26;
	v37 =	vadd.f32 v62, v11;
	v45 =	vld [tilespmem:$0x1FFD0]  }
0x1b6: {  	v2 =	vadd.f32 v3, v2;
	v3 =	vmul.f32 v47, v47;
	v47 =	vld [tilespmem:$0x1FFE0];
	v60 =	vor.u32 s4, v50  }
0x1b7: {  	v61 =	vor.u32 s4, v43;
	v1 =	vld.idx.msk [tilespmem:v1+s20+$0x0], $0xffff  }
0x1b8: {  	v27 =	vor.u32 s4, v52;
	v12 =	vadd.f32 v12, v30;
	v30 =	vadd.f32 v26, v37;
	v37 =	vld.idx.msk [tilespmem:v58+s20+$0x0], $0xffff  }
0x1b9: {  	v63 =	vor.u32 s4, v51;
	v26 =	vld.idx.msk [tilespmem:v35+s20+$0x0], $0xffff  }
0x1ba: {  	v38 =	vor.u32 s4, v53;
	v58 =	vmul.f32 v44, v44;
	v44 =	vld [tilespmem:$0x1FFF0]  }
0x1bb: {  	v57 =	vor.u32 s4, v42;
	v5 =	vld.idx.msk [tilespmem:v60+s20+$0x0], $0xffff  }
0x1bc: {  	v62 =	vor.u32 s31, v46;
	v31 =	vld.idx.msk [tilespmem:v61+s20+$0x0], $0xffff  }
0x1bd: {  	v60 =	vld.idx.msk [tilespmem:v27+s20+$0x0], $0xffff;
	v27 =	vor.u32 s4, v54  }
0x1be: {  	v33 =	vld.idx.msk [tilespmem:v63+s20+$0x0], $0xffff;
	v61 =	vadd.f32 v10, v12;
	v63 =	vor.u32 s4, v55  }
0x1bf: {  	v13 =	vmul.f32 v13, v13;
	v11 =	vld.idx.msk [tilespmem:v38+s20+$0x0], $0xffff;
	v12 =	vor.u32 s31, v49  }
0x1c0: {  	v2 =	vadd.f32 v3, v2;
	v7 =	vld.idx.msk [tilespmem:v57+s20+$0x0], $0xffff;
	v38 =	vor.u32 s4, v45;
	v1 =	vadd.f32 v1, v61  }
0x1c1: {  	v8 =	vmul.f32 v8, v8;
	v56 =	vor.u32 s31, v50;
	v10 =	vld.idx.msk [tilespmem:v62+s20+$0x0], $0xffff  }
0x1c2: {  	v2 =	vadd.f32 v13, v2;
	v13 =	vor.u32 s4, v16;
	v1 =	vadd.f32 v5, v1;
	v57 =	vld.idx.msk [tilespmem:v27+s20+$0x0], $0xffff  }
0x1c3: {  	v59 =	vor.u32 s31, v51;
	v9 =	vld.idx.msk [tilespmem:v63+s20+$0x0], $0xffff  }
0x1c4: {  	v0 =	vadd.f32 v8, v0;
	v3 =	vld.idx.msk [tilespmem:v12+s20+$0x0], $0xffff;
	v1 =	vadd.f32 v31, v1;
	v31 =	vor.u32 s31, v43  }
0x1c5: {  	v6 =	vadd.f32 v37, v26;
	v26 =	vmul.f32 v40, v40;
	v27 =	vor.u32 s4, v47;
	v32 =	vld.idx.msk [tilespmem:v38+s20+$0x0], $0xffff  }
0x1c6: {  	v29 =	vmul.f32 v29, v29;
	s0 =	simm.s32 $0x200;
	v12 =	vor.u32 s4, v44;
	v5 =	vld.idx.msk [tilespmem:v56+s20+$0x0], $0xffff;
	v1 =	vadd.f32 v33, v1  }
0x1c7: {  	v0 =	vadd.f32 v58, v0;
	v2 =	vadd.f32 v26, v2;
	v26 =	vor.u32 s0, v41;
	v38 =	vld.idx.msk [tilespmem:v13+s20+$0x0], $0xffff  }
0x1c8: {  	v6 =	vadd.f32 v10, v6;
	v33 =	vld.idx.msk [tilespmem:v59+s20+$0x0], $0xffff;
	v1 =	vadd.f32 v60, v1;
	v60 =	vor.u32 s31, v52  }
0x1c9: {  	v61 =	vmul.f32 v48, v48;
	v37 =	vor.u32 s0, v15;
	v56 =	vor.u32 s0, v46;
	v62 =	vld.idx.msk [tilespmem:v31+s20+$0x0], $0xffff  }
0x1ca: {  	v63 =	vor.u32 s31, v42;
	v27 =	vld.idx.msk [tilespmem:v27+s20+$0x0], $0xffff;
	v3 =	vadd.f32 v3, v6;
	v1 =	vadd.f32 v7, v1  }
0x1cb: {  	v48 =	vmul.f32 v36, v36;
	v13 =	vmul.f32 v39, v39;
	v12 =	vld.idx.msk [tilespmem:v12+s20+$0x0], $0xffff;
	v6 =	vand.u32 v14, v37  }
0x1cc: {  	v58 =	vld.idx.msk [tilespmem:v26+s20+$0x0], $0xffff;
	v31 =	vor.u32 s31, v53;
	v3 =	vadd.f32 v5, v3;
	v1 =	vadd.f32 v11, v1  }
0x1cd: {  	v40 =	vor.u32 s31, v54;
	v2 =	vadd.f32 v61, v2;
	v0 =	vadd.f32 v13, v0;
	v4 =	vld.idx.msk [tilespmem:v60+s20+$0x0], $0xffff  }
0x1ce: {  	v13 =	vor.u32 s0, v49;
	v8 =	vld.idx.msk [tilespmem:v56+s20+$0x0], $0xffff;
	v1 =	vadd.f32 v57, v1;
	v3 =	vadd.f32 v62, v3  }
0x1cf: {  	v25 =	vmul.f32 v25, v25;
	v2 =	vadd.f32 v48, v2;
	v26 =	vor.u32 s31, v45;
	v7 =	vld.idx.msk [tilespmem:v63+s20+$0x0], $0xffff  }
0x1d0: {  	v6 =	vld.idx.msk [tilespmem:v6+s20+$0x0], $0xffff;
	v57 =	vor.u32 s31, v55;
	v1 =	vadd.f32 v9, v1;
	v3 =	vadd.f32 v33, v3  }
0x1d1: {  	v0 =	vadd.f32 v25, v0;
	v25 =	vadd.f32 v29, v2;
	v2 =	vor.u32 s0, v43;
	v31 =	vld.idx.msk [tilespmem:v31+s20+$0x0], $0xffff  }
0x1d2: {  	v59 =	vor.u32 s0, v50;
	v5 =	vld.idx.msk [tilespmem:v40+s20+$0x0], $0xffff;
	v1 =	vadd.f32 v32, v1;
	v3 =	vadd.f32 v4, v3  }
0x1d3: {  	v13 =	vld.idx.msk [tilespmem:v13+s20+$0x0], $0xffff;
	v62 =	vor.u32 s0, v51  }
0x1d4: {  	v26 =	vld.idx.msk [tilespmem:v26+s20+$0x0], $0xffff;
	v60 =	vor.u32 s31, v47;
	v1 =	vadd.f32 v27, v1;
	v3 =	vadd.f32 v7, v3  }
0x1d5: {  	v61 =	vor.u32 s31, v44;
	v6 =	vadd.f32 v58, v6;
	v10 =	vld.idx.msk [tilespmem:v57+s20+$0x0], $0xffff;
	v27 =	vmul.f32 v34, v34  }
0x1d6: {  	v36 =	vor.u32 s31, v16;
	v33 =	vld.idx.msk [tilespmem:v2+s20+$0x0], $0xffff;
	v1 =	vadd.f32 v12, v1;
	v3 =	vadd.f32 v31, v3  }
0x1d7: {  	v63 =	vadd.f32 v8, v6;
	v34 =	vor.u32 s0, v52;
	v29 =	vadd.f32 v27, v0;
	v0 =	vld.idx.msk [tilespmem:v59+s20+$0x0], $0xffff  }
0x1d8: {  	v35 =	vld.idx.msk [tilespmem:v62+s20+$0x0], $0xffff;
	v11 =	vadd.f32 v38, v1;
	v2 =	vadd.f32 v5, v3;
	v1 =	vor.u32 s0, v53  }
0x1d9: {  	s3 =	simm.s32 $0x10500;
	s4 =	simm.s32 $0x300;
	v37 =	vor.u32 s0, v42;
	v39 =	vadd.f32 v13, v63;
	v27 =	vld.idx.msk [tilespmem:v60+s20+$0x0], $0xffff  }
0x1da: {  	s12 =	simm.s32 $0x400;
	v31 =	vld.idx.msk [tilespmem:v61+s20+$0x0], $0xffff;
	v38 =	vor.u32 s4, v41;
	[tilespmem:s3+$0x0] =	vst v11;
	v32 =	vadd.f32 v10, v2;
	v2 =	vor.u32 s4, v15  }
.LBB2_8:
0x1db: {  	p0 =	sne.s32 s12, $0x700;
	v2 =	vand.u32 v14, v2;
	v3 =	vld.idx.msk [tilespmem:v36+s20+$0x0], $0xffff  }
0x1dc: {  	v5 =	vor.u32 s0, v54;
	v0 =	vadd.f32 v0, v39;
	v4 =	vld.idx.msk [tilespmem:v34+s20+$0x0], $0xffff;
	v6 =	vadd.f32 v26, v32  }
0x1dd: {  	v7 =	vor.u32 s4, v46;
	v1 =	vld.idx.msk [tilespmem:v1+s20+$0x0], $0xffff  }
0x1de: {  	v9 =	vor.u32 s0, v55;
	v0 =	vadd.f32 v33, v0;
	v8 =	vld.idx.msk [tilespmem:v37+s20+$0x0], $0xffff;
	v6 =	vadd.f32 v27, v6  }
0x1df: {  	v11 =	vor.u32 s4, v49;
	v10 =	vld.idx.msk [tilespmem:v38+s20+$0x0], $0xffff  }
0x1e0: {  	v12 =	vor.u32 s0, v45;
	v2 =	vld.idx.msk [tilespmem:v2+s20+$0x0], $0xffff;
	v0 =	vadd.f32 v35, v0;
	v6 =	vadd.f32 v31, v6  }
0x1e1: {  	v13 =	vor.u32 s4, v50;
	v5 =	vld.idx.msk [tilespmem:v5+s20+$0x0], $0xffff  }
0x1e2: {  	v7 =	vld.idx.msk [tilespmem:v7+s20+$0x0], $0xffff;
	v0 =	vadd.f32 v4, v0;
	v4 =	vor.u32 s0, v47;
	v3 =	vadd.f32 v3, v6  }
0x1e3: {  	s3 =	sadd.s32 $0x10, s3;
	v6 =	vor.u32 s4, v43;
	v9 =	vld.idx.msk [tilespmem:v9+s20+$0x0], $0xffff  }
0x1e4: {  	v31 =	vor.u32 s0, v44;
	v11 =	vld.idx.msk [tilespmem:v11+s20+$0x0], $0xffff;
	v8 =	vadd.f32 v8, v0;
	[tilespmem:s3+$0x0] =	vst v3  }
0x1e5: {  	v3 =	vor.u32 s4, v51;
	v26 =	vld.idx.msk [tilespmem:v12+s20+$0x0], $0xffff  }
.Ltmp3:
0x1e6: {  	v36 =	vor.u32 s0, v16;
	s0 =	smov.u32 s4;
	s4 =	smov.u32 s12;
	v2 =	vadd.f32 v10, v2;
	v0 =	vld.idx.msk [tilespmem:v13+s20+$0x0], $0xffff;
	v8 =	vadd.f32 v1, v8;
	(pc) =	sbr.rel @p0 .LBB2_8-.Ltmp3, $4  }
0x1e7: {  	v34 =	vor.u32 s0, v52;
	v27 =	vld.idx.msk [tilespmem:v4+s20+$0x0], $0xffff  }
0x1e8: {  	v1 =	vor.u32 s0, v53;
	v4 =	vadd.f32 v7, v2;
	v33 =	vld.idx.msk [tilespmem:v6+s20+$0x0], $0xffff;
	v5 =	vadd.f32 v5, v8  }
0x1e9: {  	v38 =	vor.u32 s12, v41;
	v37 =	vor.u32 s0, v42;
	v31 =	vld.idx.msk [tilespmem:v31+s20+$0x0], $0xffff  }
0x1ea: {  	s12 =	sadd.s32 $0x100, s12;
	v2 =	vor.u32 s4, v15;
	v39 =	vadd.f32 v11, v4;
	v35 =	vld.idx.msk [tilespmem:v3+s20+$0x0], $0xffff;
	v32 =	vadd.f32 v9, v5  }
0x1eb: {  	v2 =	vand.u32 v14, v2;
	_ =	sdelay $0x1  }
0x1ec: {  	v3 =	vor.u32 s4, v46;
	_ =	sdelay $0x1  }
0x1ed: {  	v4 =	vld.idx.msk [tilespmem:v38+s20+$0x0], $0xffff;
	v5 =	vor.u32 s4, v49  }
0x1ee: {  	v2 =	vld.idx.msk [tilespmem:v2+s20+$0x0], $0xffff  }
0x1ef: {  	v6 =	vor.u32 s4, v50  }
0x1f0: {  	v3 =	vld.idx.msk [tilespmem:v3+s20+$0x0], $0xffff  }
0x1f1: {  	v7 =	vor.u32 s4, v43  }
0x1f2: {  	v5 =	vld.idx.msk [tilespmem:v5+s20+$0x0], $0xffff  }
0x1f3: {  	v8 =	vor.u32 s4, v51;
	v2 =	vadd.f32 v4, v2  }
0x1f4: {  	v41 =	vld.idx.msk [tilespmem:v6+s20+$0x0], $0xffff  }
0x1f5: {  	v43 =	vor.u32 s4, v52;
	v2 =	vadd.f32 v3, v2  }
0x1f6: {  	v3 =	vld.idx.msk [tilespmem:v7+s20+$0x0], $0xffff  }
0x1f7: {  	v46 =	vld.idx.msk [tilespmem:v36+s20+$0x0], $0xffff;
	v9 =	vor.u32 s4, v42;
	v2 =	vadd.f32 v5, v2  }
0x1f8: {  	v0 =	vadd.f32 v0, v39;
	v48 =	vld.idx.msk [tilespmem:v8+s20+$0x0], $0xffff  }
0x1f9: {  	v49 =	vld.idx.msk [tilespmem:v34+s20+$0x0], $0xffff;
	v10 =	vor.u32 s4, v53;
	v2 =	vadd.f32 v41, v2  }
0x1fa: {  	v50 =	vor.u32 s0, v54;
	v0 =	vadd.f32 v33, v0;
	v6 =	vld.idx.msk [tilespmem:v43+s20+$0x0], $0xffff  }
0x1fb: {  	v11 =	vld.idx.msk [tilespmem:v37+s20+$0x0], $0xffff;
	v12 =	vor.u32 s4, v54;
	v2 =	vadd.f32 v3, v2  }
0x1fc: {  	v0 =	vadd.f32 v35, v0;
	v9 =	vld.idx.msk [tilespmem:v9+s20+$0x0], $0xffff;
	v3 =	vor.u32 s0, v55  }
0x1fd: {  	v1 =	vld.idx.msk [tilespmem:v1+s20+$0x0], $0xffff;
	v13 =	vor.u32 s4, v55;
	v2 =	vadd.f32 v48, v2  }
0x1fe: {  	v51 =	vor.u32 s0, v45;
	v52 =	vld.idx.msk [tilespmem:v10+s20+$0x0], $0xffff;
	v0 =	vadd.f32 v49, v0  }
0x1ff: {  	v53 =	vor.u32 s4, v45;
	v4 =	vld.idx.msk [tilespmem:v50+s20+$0x0], $0xffff;
	v2 =	vadd.f32 v6, v2  }
0x200: {  	v54 =	vor.u32 s0, v47;
	v0 =	vadd.f32 v11, v0;
	v55 =	vld.idx.msk [tilespmem:v12+s20+$0x0], $0xffff  }
0x201: {  	v12 =	vor.u32 s4, v47;
	v3 =	vld.idx.msk [tilespmem:v3+s20+$0x0], $0xffff;
	v2 =	vadd.f32 v9, v2  }
0x202: {  	v56 =	vor.u32 s0, v44;
	v0 =	vadd.f32 v1, v0;
	v1 =	vld.idx.msk [tilespmem:v13+s20+$0x0], $0xffff  }
0x203: {  	v13 =	vor.u32 s4, v44;
	v5 =	vld.idx.msk [tilespmem:v51+s20+$0x0], $0xffff;
	v2 =	vadd.f32 v52, v2  }
0x204: {  	v57 =	vor.u32 s0, v16;
	v58 =	vld.idx.msk [tilespmem:v53+s20+$0x0], $0xffff;
	v0 =	vadd.f32 v4, v0  }
0x205: {  	v59 =	vor.u32 s4, v16;
	v6 =	vld.idx.msk [tilespmem:v54+s20+$0x0], $0xffff;
	v2 =	vadd.f32 v55, v2  }
0x206: {  	v0 =	vadd.f32 v3, v0;
	v3 =	vld.idx.msk [tilespmem:v12+s20+$0x0], $0xffff  }
0x207: {  	v60 =	vadd.f32 v26, v32;
	v9 =	vld.idx.msk [tilespmem:v56+s20+$0x0], $0xffff;
	v1 =	vadd.f32 v1, v2  }
0x208: {  	v0 =	vadd.f32 v5, v0;
	v2 =	vld.idx.msk [tilespmem:v13+s20+$0x0], $0xffff  }
0x209: {  	v61 =	vadd.f32 v27, v60;
	v8 =	vld.idx.msk [tilespmem:v57+s20+$0x0], $0xffff;
	v1 =	vadd.f32 v58, v1  }
0x20a: {  	v62 =	vld.idx.msk [tilespmem:v59+s20+$0x0], $0xffff;
	v0 =	vadd.f32 v6, v0  }
0x20b: {  	v5 =	vadd.f32 v31, v61;
	v1 =	vadd.f32 v3, v1  }
0x20c: {  	v0 =	vadd.f32 v9, v0  }
0x20d: {  	v3 =	vadd.f32 v46, v5;
	v1 =	vadd.f32 v2, v1  }
0x20e: {  	s22 =	sadd.s32 $0x10, s3;
	v0 =	vadd.f32 v8, v0  }
0x20f: {  	s0 =	sadd.s32 $0x10, s22;
	[tilespmem:s22+$0x0] =	vst v3;
	v1 =	vadd.f32 v62, v1  }
0x210: {  	[tilespmem:s0+$0x0] =	vst v0;
	s0 =	sadd.s32 $0x10, s0  }
0x211: {  	[tilespmem:s0+$0x0] =	vst v1  }
0x212: {  	[tilespmem:s17], [sflag:$0x2] =	stream.indirect.gather [hbm4b:s1+s14], $0x80, s24, s14, $0xb8;
	[tilespmem:$0x10F00] =	vst v63  }
0x213: {  	_ = 	snop  }
0x214: {  	[tilespmem:s19], [sflag:$0x2] =	stream.indirect.gather [hbm4b:s2+s14], $0x80, s25, s14, $0xb8;
	[tilespmem:$0x10F00] =	vst v63  }
0x215: {  	_ =	swait.ge [sflag:s13], $0x4000  }
0x216: {  	[sflag:s13] =	ssyncset.done $0x0  }
0x217: {  	[sflag:s13] =	ssyncadd.s32 $0xFFFFC000  }
0x218: {  	_ =	swait.ge [sflag:s13], $0x4000  }
0x219: {  	[sflag:s13] =	ssyncset.done $0x0  }
0x21a: {  	s3 =	simm.s32 $0x0;
	[sflag:s13] =	ssyncadd.s32 $0xFFFFC000  }
0x21b: {  	v0 =	vld [tilespmem:s3+$0x410]  }
0x21c: {  	v1 =	vld [tilespmem:s3+$0x8410]  }
0x21d: {  	v2 =	vld [tilespmem:s3+$0x8400]  }
0x21e: {  	v3 =	vld [tilespmem:s3+$0x400]  }
0x21f: {  	v63 =	vld [tilespmem:s3+$0x8420]  }
0x220: {  	v5 =	vld [tilespmem:s3+$0x420]  }
0x221: {  	v6 =	vld [tilespmem:s3+$0x8430]  }
0x222: {  	v7 =	vld [tilespmem:s3+$0x430]  }
0x223: {  	v9 =	vld [tilespmem:s3+$0x440]  }
0x224: {  	v57 =	vld [tilespmem:s3+$0x8440]  }
0x225: {  	v12 =	vld [tilespmem:s3+$0x8450]  }
0x226: {  	v31 =	vld [tilespmem:s3+$0x450]  }
0x227: {  	v58 =	vld [tilespmem:s3+$0x8460]  }
0x228: {  	v60 =	vld [tilespmem:s3+$0x8470];
	v55 =	vmul.f32 v1, v0;
	v56 =	vmul.f32 v2, v3  }
0x229: {  	s0 =	simm.s32 $0x100;
	v61 =	vld [tilespmem:s3+$0x470];
	v13 =	vmul.f32 v63, v5  }
0x22a: {  	v42 =	vld [tilespmem:s0+$0x450];
	v8 =	vmul.f32 v55, v23;
	v10 =	vmul.f32 v56, v24  }
0x22b: {  	v50 =	vld [tilespmem:s0+$0x410]  }
0x22c: {  	v43 =	vld [tilespmem:s0+$0x8430];
	v26 =	vmul.f32 v6, v7;
	v59 =	vmul.f32 v13, v22;
	v8 =	vadd.f32 v8, v10  }
0x22d: {  	v27 =	vmul.f32 v57, v9;
	v48 =	vmul.f32 v12, v31;
	v13 =	vld [tilespmem:s3+$0x460]  }
0x22e: {  	v44 =	vld [tilespmem:s0+$0x440];
	v51 =	vmul.f32 v60, v61;
	v26 =	vmul.f32 v26, v21;
	v8 =	vadd.f32 v59, v8  }
0x22f: {  	v54 =	vld [tilespmem:s0+$0x8440];
	v3 =	vmul.f32 v3, v3;
	v0 =	vmul.f32 v0, v0  }
0x230: {  	v62 =	vld [tilespmem:s0+$0x8410];
	v4 =	vmul.f32 v63, v63;
	v49 =	vmul.f32 v27, v20;
	v8 =	vadd.f32 v26, v8  }
0x231: {  	v41 =	vld [tilespmem:s0+$0x430];
	v1 =	vmul.f32 v1, v1;
	v2 =	vmul.f32 v2, v2  }
0x232: {  	v45 =	vld [tilespmem:s0+$0x460];
	v32 =	vmul.f32 v48, v19;
	v26 =	vmul.f32 v58, v13;
	v8 =	vadd.f32 v49, v8  }
0x233: {  	v47 =	vld [tilespmem:s0+$0x470];
	v6 =	vmul.f32 v6, v6;
	v40 =	vmul.f32 v58, v58;
	v3 =	vadd.f32 v3, v28  }
0x234: {  	v63 =	vld [tilespmem:s0+$0x8420];
	v33 =	vmul.f32 v54, v54;
	v52 =	vmul.f32 v26, v18;
	v8 =	vadd.f32 v32, v8  }
0x235: {  	v27 =	vld [tilespmem:s0+$0x8450];
	v53 =	vmul.f32 v51, v17;
	v0 =	vadd.f32 v0, v3;
	v3 =	vmul.f32 v5, v5  }
0x236: {  	v28 =	vld [tilespmem:s0+$0x8460];
	v55 =	vmul.f32 v57, v57;
	v2 =	vadd.f32 v2, v30;
	v8 =	vadd.f32 v52, v8  }
0x237: {  	v57 =	vmul.f32 v31, v31;
	v31 =	vld [tilespmem:s0+$0x400];
	v0 =	vadd.f32 v3, v0;
	v3 =	vmul.f32 v7, v7  }
0x238: {  	v1 =	vadd.f32 v1, v2;
	v2 =	vmul.f32 v60, v60;
	v60 =	vld [tilespmem:s0+$0x420];
	v8 =	vadd.f32 v53, v8  }
0x239: {  	s31 =	simm.s32 $0x10710;
	v36 =	vmul.f32 v54, v44;
	v0 =	vadd.f32 v3, v0;
	v3 =	vmul.f32 v13, v13;
	v13 =	vld [tilespmem:s0+$0x8400]  }
0x23a: {  	v12 =	vmul.f32 v12, v12;
	v56 =	vmul.f32 v9, v9;
	v1 =	vadd.f32 v4, v1;
	v26 =	vld [tilespmem:s0+$0x8470];
	[tilespmem:s31+$0xFFFFFFF0] =	vst v8  }
0x23b: {  	v51 =	vmul.f32 v36, v20;
	v10 =	vmul.f32 v61, v61;
	v5 =	vld [tilespmem:s3+$0x84F0]  }
0x23c: {  	v61 =	vmul.f32 v43, v41;
	v7 =	vmul.f32 v63, v63;
	v1 =	vadd.f32 v6, v1;
	v11 =	vld [tilespmem:s3+$0x84E0]  }
0x23d: {  	v59 =	vmul.f32 v50, v50;
	v58 =	vmul.f32 v62, v50;
	v0 =	vadd.f32 v56, v0;
	v32 =	vld [tilespmem:s3+$0x4D0]  }
0x23e: {  	v46 =	vmul.f32 v31, v31;
	v9 =	vmul.f32 v28, v45;
	v1 =	vadd.f32 v55, v1;
	v34 =	vld [tilespmem:s3+$0x8490]  }
0x23f: {  	v6 =	vmul.f32 v62, v62;
	v4 =	vmul.f32 v58, v23;
	v0 =	vadd.f32 v57, v0;
	v48 =	vld [tilespmem:s3+$0x490]  }
0x240: {  	v49 =	vmul.f32 v41, v41;
	v1 =	vadd.f32 v12, v1;
	v62 =	vmul.f32 v13, v31;
	v35 =	vld [tilespmem:s3+$0x84C0]  }
0x241: {  	v0 =	vadd.f32 v3, v0;
	v3 =	vmul.f32 v27, v42;
	v52 =	vmul.f32 v61, v21;
	v39 =	vld [tilespmem:s3+$0x4C0]  }
0x242: {  	v1 =	vadd.f32 v40, v1;
	v61 =	vmul.f32 v42, v42;
	v12 =	vmul.f32 v26, v47;
	v50 =	vld [tilespmem:s3+$0x4A0]  }
0x243: {  	v0 =	vadd.f32 v10, v0;
	v53 =	vmul.f32 v13, v13;
	v13 =	vmul.f32 v63, v60;
	v36 =	vld [tilespmem:s3+$0x84A0]  }
0x244: {  	v63 =	vmul.f32 v60, v60;
	v1 =	vadd.f32 v2, v1;
	v2 =	vmul.f32 v44, v44;
	v38 =	vld [tilespmem:s3+$0x84D0]  }
0x245: {  	v60 =	vmul.f32 v12, v17;
	v8 =	vmul.f32 v62, v24;
	v37 =	vld [tilespmem:s3+$0x4E0]  }
0x246: {  	v0 =	vadd.f32 v46, v0;
	v46 =	vmul.f32 v43, v43;
	v1 =	vadd.f32 v53, v1;
	v57 =	vld [tilespmem:s3+$0x4B0]  }
0x247: {  	v42 =	vmul.f32 v13, v22;
	v62 =	vmul.f32 v45, v45;
	v56 =	vld [tilespmem:s3+$0x84B0];
	v4 =	vadd.f32 v4, v8  }
0x248: {  	v43 =	vld [tilespmem:s3+$0x4F0];
	v0 =	vadd.f32 v59, v0;
	v6 =	vadd.f32 v6, v1;
	v1 =	vmul.f32 v3, v19  }
0x249: {  	v59 =	vld [tilespmem:s3+$0x480];
	v45 =	vadd.f32 v42, v4;
	v42 =	vmul.f32 v47, v47;
	v30 =	vmul.f32 v11, v11  }
0x24a: {  	v0 =	vadd.f32 v63, v0;
	v31 =	vmul.f32 v5, v5;
	v40 =	vmul.f32 v34, v48  }
0x24b: {  	v41 =	vmul.f32 v35, v39;
	v44 =	vmul.f32 v36, v50  }
0x24c: {  	v54 =	vmul.f32 v38, v32;
	v3 =	vadd.f32 v49, v0;
	v55 =	vmul.f32 v11, v37  }
0x24d: {  	s21 =	simm.s32 $0x800;
	v58 =	vadd.f32 v7, v6;
	v0 =	vmul.f32 v9, v18;
	v53 =	vmul.f32 v5, v43  }
0x24e: {  	s18 =	simm.s32 $0x10730;
	s12 =	simm.s32 $0x10730;
	s4 =	simm.s32 $0x0;
	v49 =	vmul.f32 v56, v57;
	v63 =	vadd.f32 v2, v3;
	v2 =	vmul.f32 v59, v59  }
.LBB2_10:
0x24f: {  	s22 =	sshra.s32 s21, $0x2;
	p0 =	sne.s32 s21, $0xFC00;
	s21 =	sadd.s32 $0x400, s21;
	v47 =	vmul.f32 v26, v26;
	v53 =	vmul.f32 v53, v17  }
0x250: {  	v5 =	vmul.f32 v48, v48;
	v3 =	vld [tilespmem:s22+$0x8450];
	v4 =	vadd.f32 v52, v45;
	v2 =	vadd.f32 v2, v29  }
0x251: {  	v6 =	vmul.f32 v38, v38;
	v29 =	vmul.f32 v43, v43;
	v45 =	vld [tilespmem:s22+$0x450]  }
0x252: {  	v7 =	vld [tilespmem:s22+$0x410];
	v4 =	vadd.f32 v51, v4;
	v2 =	vadd.f32 v5, v2;
	v5 =	vmul.f32 v50, v50  }
0x253: {  	v9 =	vmul.f32 v54, v19;
	v10 =	vmul.f32 v55, v18;
	v8 =	vld [tilespmem:s3+$0x8480];
	s3 =	smov.u32 s0;
	s0 =	smov.u32 s22  }
0x254: {  	v43 =	vld [tilespmem:s0+$0x8430];
	v1 =	vadd.f32 v1, v4;
	v2 =	vadd.f32 v5, v2;
	v4 =	vmul.f32 v35, v35  }
0x255: {  	v11 =	vmul.f32 v37, v37;
	v5 =	vmul.f32 v57, v57;
	v26 =	vld [tilespmem:s0+$0x8470]  }
0x256: {  	v13 =	vadd.f32 v61, v63;
	v12 =	vld [tilespmem:s0+$0x440];
	v0 =	vadd.f32 v0, v1;
	v1 =	vmul.f32 v32, v32  }
0x257: {  	v2 =	vadd.f32 v5, v2;
	v5 =	vmul.f32 v56, v56;
	v32 =	vmul.f32 v39, v39;
	v35 =	vld [tilespmem:s0+$0x8440]  }
0x258: {  	v13 =	vadd.f32 v62, v13;
	v37 =	vld [tilespmem:s0+$0x8410];
	v0 =	vadd.f32 v60, v0;
	v38 =	vmul.f32 v8, v59  }
0x259: {  	v41 =	vmul.f32 v41, v20;
	v8 =	vmul.f32 v8, v8;
	v2 =	vadd.f32 v32, v2;
	v39 =	vld [tilespmem:s0+$0x8460]  }
0x25a: {  	v13 =	vadd.f32 v42, v13;
	v32 =	vmul.f32 v40, v23;
	v54 =	vld [tilespmem:s0+$0x8420];
	[tilespmem:s18+$0xFFFFFFF0] =	vst v0;
	v0 =	vmul.f32 v38, v24  }
0x25b: {  	v38 =	vadd.f32 v46, v58;
	v8 =	vadd.f32 v8, v25;
	v25 =	vmul.f32 v34, v34;
	v42 =	vld [tilespmem:s3+$0x84F0]  }
0x25c: {  	v34 =	vmul.f32 v44, v22;
	v1 =	vadd.f32 v1, v2;
	v55 =	vld [tilespmem:s3+$0x84E0];
	v0 =	vadd.f32 v32, v0  }
0x25d: {  	v2 =	vadd.f32 v33, v38;
	v8 =	vadd.f32 v25, v8;
	v25 =	vmul.f32 v36, v36;
	v32 =	vld [tilespmem:s3+$0x4D0]  }
0x25e: {  	v36 =	vmul.f32 v28, v28;
	v44 =	vld [tilespmem:s0+$0x430];
	v0 =	vadd.f32 v34, v0;
	v34 =	vmul.f32 v49, v21;
	v28 =	vmovc v39  }
0x25f: {  	v33 =	vmul.f32 v35, v35;
	v8 =	vadd.f32 v25, v8;
	v38 =	vld [tilespmem:s0+$0x8400];
	v58 =	vmul.f32 v54, v54  }
0x260: {  	v40 =	vmul.f32 v27, v27;
	v27 =	vmovc v3;
	v39 =	vmul.f32 v37, v7;
	v25 =	vld [tilespmem:s0+$0x400];
	v0 =	vadd.f32 v34, v0  }
0x261: {  	v3 =	vmul.f32 v7, v7;
	v5 =	vadd.f32 v5, v8;
	v7 =	vld [tilespmem:s0+$0x460];
	v46 =	vmul.f32 v55, v55  }
0x262: {  	v2 =	vadd.f32 v40, v2;
	v8 =	vmul.f32 v39, v23;
	v34 =	vld [tilespmem:s3+$0x8490];
	v0 =	vadd.f32 v41, v0  }
0x263: {  	v62 =	vmul.f32 v27, v45;
	v49 =	vmul.f32 v37, v37;
	v4 =	vadd.f32 v4, v5;
	v14 =	vld [tilespmem:s0+$0x470]  }
0x264: {  	v37 =	vmul.f32 v43, v44;
	v5 =	vld [tilespmem:s0+$0x420];
	v0 =	vadd.f32 v9, v0;
	v9 =	vadd.f32 v11, v1  }
0x265: {  	v11 =	vmul.f32 v35, v12;
	v4 =	vadd.f32 v6, v4;
	v1 =	vmul.f32 v38, v25;
	v48 =	vld [tilespmem:s3+$0x490]  }
0x266: {  	s18 =	sadd.s32 $0x20, s18;
	v6 =	vmul.f32 v25, v25;
	v52 =	vmul.f32 v37, v21;
	v35 =	vld [tilespmem:s3+$0x84C0];
	v0 =	vadd.f32 v10, v0  }
0x267: {  	v2 =	vadd.f32 v36, v2;
	v51 =	vmul.f32 v11, v20;
	v4 =	vadd.f32 v30, v4;
	v30 =	vmovc v46;
	v39 =	vld [tilespmem:s3+$0x4C0]  }
0x268: {  	v11 =	vmul.f32 v42, v42;
	v6 =	vadd.f32 v6, v13;
	v10 =	vmul.f32 v26, v14;
	v50 =	vld [tilespmem:s3+$0x4A0]  }
0x269: {  	v13 =	vmul.f32 v38, v38;
	v0 =	vadd.f32 v53, v0;
	v63 =	vmul.f32 v54, v5;
	v36 =	vld [tilespmem:s3+$0x84A0]  }
0x26a: {  	v3 =	vadd.f32 v3, v6;
	v5 =	vmul.f32 v5, v5;
	v40 =	vmul.f32 v34, v48;
	v38 =	vld [tilespmem:s3+$0x84D0]  }
0x26b: {  	v1 =	vmul.f32 v1, v24;
	v25 =	vadd.f32 v31, v4;
	v6 =	vmul.f32 v28, v7;
	v37 =	vld [tilespmem:s3+$0x4E0];
	[tilespmem:s31+$0x0] =	vst v0;
	s31 =	smov.u32 s12;
	s12 =	smov.u32 s18  }
0x26c: {  	v31 =	vmovc v11;
	v0 =	vadd.f32 v5, v3;
	v3 =	vmul.f32 v44, v44;
	v57 =	vld [tilespmem:s3+$0x4B0];
	v41 =	vmul.f32 v35, v39  }
0x26d: {  	v2 =	vadd.f32 v47, v2;
	v46 =	vmul.f32 v43, v43;
	v4 =	vmul.f32 v12, v12;
	v56 =	vld [tilespmem:s3+$0x84B0]  }
0x26e: {  	v60 =	vmul.f32 v10, v17;
	v5 =	vadd.f32 v8, v1;
	v44 =	vmul.f32 v36, v50;
	v43 =	vld [tilespmem:s3+$0x4F0]  }
0x26f: {  	v61 =	vmul.f32 v45, v45;
	v2 =	vadd.f32 v13, v2;
	v59 =	vld [tilespmem:s3+$0x480];
	v54 =	vmul.f32 v38, v32  }
.Ltmp4:
0x270: {  	v1 =	vmul.f32 v62, v19;
	v3 =	vadd.f32 v3, v0;
	v55 =	vmul.f32 v55, v37;
	(pc) =	sbr.rel @p0 .LBB2_10-.Ltmp4, $4  }
0x271: {  	v2 =	vadd.f32 v49, v2;
	v8 =	vmul.f32 v63, v22;
	v0 =	vmul.f32 v6, v18  }
0x272: {  	v29 =	vadd.f32 v29, v9;
	v62 =	vmul.f32 v7, v7;
	v49 =	vmul.f32 v56, v57  }
0x273: {  	v58 =	vadd.f32 v58, v2;
	v63 =	vadd.f32 v4, v3;
	v53 =	vmul.f32 v42, v43  }
0x274: {  	v45 =	vadd.f32 v8, v5;
	v42 =	vmul.f32 v14, v14;
	v2 =	vmul.f32 v59, v59  }
0x275: {  	_ = 	snop  }
0x276: {  	v3 =	vadd.f32 v52, v45;
	_ =	sdelay $0x1  }
0x277: {  	v3 =	vadd.f32 v51, v3;
	_ =	sdelay $0x1  }
0x278: {  	v1 =	vadd.f32 v1, v3;
	_ =	sdelay $0x1  }
0x279: {  	v0 =	vadd.f32 v0, v1;
	_ =	sdelay $0x1  }
0x27a: {  	v0 =	vadd.f32 v60, v0;
	_ =	sdelay $0x1  }
0x27b: {  	v3 =	vld [tilespmem:s3+$0x8480];
	v1 =	vadd.f32 v2, v29;
	v2 =	vmul.f32 v48, v48;
	[tilespmem:s18+$0xFFFFFFF0] =	vst v0  }
0x27c: {  	v45 =	vld [tilespmem:s0+$0x8490]  }
0x27d: {  	v0 =	vadd.f32 v2, v1;
	v2 =	vld [tilespmem:s0+$0x490]  }
0x27e: {  	v1 =	vmul.f32 v50, v50;
	v4 =	vld [tilespmem:s0+$0x4A0]  }
0x27f: {  	v5 =	vld [tilespmem:s0+$0x480]  }
0x280: {  	v7 =	vld [tilespmem:s0+$0x8480];
	v0 =	vadd.f32 v1, v0;
	v1 =	vmul.f32 v57, v57  }
0x281: {  	v47 =	vld [tilespmem:s0+$0x84A0]  }
0x282: {  	v8 =	vmul.f32 v3, v59;
	v0 =	vadd.f32 v1, v0;
	v1 =	vmul.f32 v39, v39  }
0x283: {  	v6 =	vadd.f32 v61, v63;
	v10 =	vmul.f32 v40, v23;
	v3 =	vmul.f32 v3, v3;
	v13 =	vld [tilespmem:s0+$0x84B0]  }
0x284: {  	v12 =	vmul.f32 v34, v34;
	v0 =	vadd.f32 v1, v0;
	v1 =	vmul.f32 v8, v24;
	v8 =	vld [tilespmem:s0+$0x4B0]  }
0x285: {  	v3 =	vadd.f32 v3, v25;
	v40 =	vld [tilespmem:s0+$0x84C0];
	v14 =	vmul.f32 v45, v2;
	v25 =	vmul.f32 v7, v5  }
0x286: {  	v11 =	vadd.f32 v46, v58;
	v63 =	vmul.f32 v44, v22;
	v44 =	vld [tilespmem:s0+$0x4C0];
	v48 =	vmul.f32 v47, v4  }
0x287: {  	v46 =	vld [tilespmem:s0+$0x84D0];
	v3 =	vadd.f32 v12, v3;
	v12 =	vmul.f32 v25, v24;
	v14 =	vmul.f32 v14, v23  }
0x288: {  	v39 =	vld [tilespmem:s0+$0x4D0];
	v1 =	vadd.f32 v10, v1;
	v25 =	vmul.f32 v36, v36  }
0x289: {  	v36 =	vld [tilespmem:s0+$0x84E0];
	v34 =	vmul.f32 v48, v22;
	v12 =	vadd.f32 v14, v12;
	v14 =	vmul.f32 v13, v8  }
0x28a: {  	v49 =	vmul.f32 v49, v21;
	v1 =	vadd.f32 v63, v1;
	v3 =	vadd.f32 v25, v3;
	v25 =	vld [tilespmem:s0+$0x4E0]  }
0x28b: {  	v29 =	vld [tilespmem:s0+$0x84F0];
	v50 =	vmul.f32 v40, v44;
	v12 =	vadd.f32 v34, v12;
	v14 =	vmul.f32 v14, v21  }
0x28c: {  	v9 =	vmul.f32 v56, v56;
	v41 =	vmul.f32 v41, v20;
	v1 =	vadd.f32 v49, v1;
	v34 =	vld [tilespmem:s0+$0x4F0]  }
0x28d: {  	v10 =	vmul.f32 v50, v20;
	v12 =	vadd.f32 v14, v12;
	v14 =	vmul.f32 v46, v39  }
0x28e: {  	v32 =	vmul.f32 v32, v32;
	v51 =	vmul.f32 v54, v19;
	v1 =	vadd.f32 v41, v1  }
0x28f: {  	v48 =	vld [tilespmem:$0x1FF20];
	v10 =	vadd.f32 v10, v12;
	v12 =	vmul.f32 v36, v25;
	v14 =	vmul.f32 v14, v19  }
0x290: {  	v52 =	vmul.f32 v53, v17;
	v53 =	vmul.f32 v55, v18;
	v1 =	vadd.f32 v51, v1  }
0x291: {  	v41 =	vld [tilespmem:$0x1FF10];
	v54 =	vmul.f32 v29, v34;
	v10 =	vadd.f32 v14, v10;
	v12 =	vmul.f32 v12, v18  }
0x292: {  	v27 =	vmul.f32 v27, v27;
	v58 =	vmul.f32 v37, v37;
	v1 =	vadd.f32 v53, v1  }
0x293: {  	v11 =	vadd.f32 v33, v11;
	v49 =	vld [tilespmem:$0x1FF30];
	v55 =	vmul.f32 v54, v17;
	v10 =	vadd.f32 v12, v10  }
0x294: {  	v0 =	vadd.f32 v32, v0;
	v1 =	vadd.f32 v52, v1;
	v12 =	vor.u32 s4, v48  }
0x295: {  	v3 =	vadd.f32 v9, v3;
	v14 =	vor.u32 s4, v15;
	v9 =	vadd.f32 v55, v10  }
0x296: {  	v14 =	vand.u32 v41, v14;
	[tilespmem:s31+$0x0] =	vst v1  }
0x297: {  	v11 =	vadd.f32 v27, v11;
	v27 =	vmul.f32 v43, v43;
	v0 =	vadd.f32 v58, v0;
	v50 =	vld [tilespmem:$0x1FF40];
	[tilespmem:s12+$0x0] =	vst v9  }
0x298: {  	v35 =	vmul.f32 v35, v35;
	v57 =	vor.u32 s4, v49;
	v51 =	vld [tilespmem:$0x1FF50]  }
0x299: {  	v5 =	vmul.f32 v5, v5;
	v0 =	vadd.f32 v27, v0;
	v12 =	vld.idx.msk [tilespmem:v12+s20+$0x0], $0xffff  }
0x29a: {  	v56 =	vmul.f32 v38, v38;
	v3 =	vadd.f32 v35, v3;
	v43 =	vld [tilespmem:$0x1FF60]  }
0x29b: {  	v2 =	vmul.f32 v2, v2;
	v0 =	vadd.f32 v5, v0;
	v14 =	vld.idx.msk [tilespmem:v14+s20+$0x0], $0xffff  }
0x29c: {  	v3 =	vadd.f32 v56, v3;
	v52 =	vld [tilespmem:$0x1FF70]  }
0x29d: {  	v6 =	vadd.f32 v62, v6;
	v0 =	vadd.f32 v2, v0;
	v2 =	vmul.f32 v4, v4;
	v10 =	vld.idx.msk [tilespmem:v57+s20+$0x0], $0xffff  }
0x29e: {  	v3 =	vadd.f32 v30, v3;
	v53 =	vld [tilespmem:$0x1FF80]  }
0x29f: {  	v61 =	vmul.f32 v28, v28;
	v28 =	vadd.f32 v42, v6;
	v0 =	vadd.f32 v2, v0;
	v54 =	vld [tilespmem:$0x1FFA0]  }
0x2a0: {  	v2 =	vmul.f32 v7, v7;
	v3 =	vadd.f32 v31, v3;
	v42 =	vld [tilespmem:$0x1FF90];
	v1 =	vor.u32 s4, v50  }
0x2a1: {  	v55 =	vld [tilespmem:$0x1FFB0];
	v59 =	vor.u32 s4, v51  }
0x2a2: {  	v2 =	vadd.f32 v2, v3;
	v3 =	vmul.f32 v45, v45;
	v56 =	vld [tilespmem:$0x1FFC0];
	v60 =	vor.u32 s4, v43  }
0x2a3: {  	v45 =	vld [tilespmem:$0x1FFD0];
	v30 =	vor.u32 s4, v52  }
0x2a4: {  	v2 =	vadd.f32 v3, v2;
	v3 =	vmul.f32 v47, v47;
	v47 =	vld [tilespmem:$0x1FFE0];
	v27 =	vor.u32 s4, v53  }
0x2a5: {  	v63 =	vor.u32 s4, v54;
	v1 =	vld.idx.msk [tilespmem:v1+s20+$0x0], $0xffff  }
0x2a6: {  	s31 =	simm.s32 $0x100;
	v37 =	vor.u32 s4, v42;
	v5 =	vld.idx.msk [tilespmem:v59+s20+$0x0], $0xffff  }
0x2a7: {  	v38 =	vor.u32 s31, v48;
	v12 =	vadd.f32 v12, v14;
	v31 =	vld.idx.msk [tilespmem:v60+s20+$0x0], $0xffff  }
0x2a8: {  	v62 =	vadd.f32 v61, v11;
	v14 =	vmul.f32 v26, v26;
	v26 =	vld.idx.msk [tilespmem:v30+s20+$0x0], $0xffff  }
0x2a9: {  	v61 =	vadd.f32 v10, v12;
	v12 =	vor.u32 s31, v50;
	v59 =	vor.u32 s31, v15;
	v60 =	vld.idx.msk [tilespmem:v27+s20+$0x0], $0xffff  }
0x2aa: {  	v11 =	vld.idx.msk [tilespmem:v63+s20+$0x0], $0xffff;
	v33 =	vand.u32 v41, v59  }
0x2ab: {  	v27 =	vor.u32 s4, v55;
	v7 =	vld.idx.msk [tilespmem:v37+s20+$0x0], $0xffff  }
0x2ac: {  	v30 =	vadd.f32 v14, v62;
	v62 =	vor.u32 s31, v49;
	v37 =	vld.idx.msk [tilespmem:v38+s20+$0x0], $0xffff  }
0x2ad: {  	v63 =	vor.u32 s4, v56;
	v59 =	vmul.f32 v44, v44;
	v44 =	vld [tilespmem:$0x1FFF0];
	v1 =	vadd.f32 v1, v61  }
0x2ae: {  	v13 =	vmul.f32 v13, v13;
	v2 =	vadd.f32 v3, v2;
	v38 =	vor.u32 s4, v45;
	v3 =	vld.idx.msk [tilespmem:v12+s20+$0x0], $0xffff  }
0x2af: {  	v57 =	vor.u32 s31, v51;
	v1 =	vadd.f32 v5, v1;
	v14 =	vld.idx.msk [tilespmem:v33+s20+$0x0], $0xffff  }
0x2b0: {  	v8 =	vmul.f32 v8, v8;
	s0 =	simm.s32 $0x200;
	v2 =	vadd.f32 v13, v2;
	v13 =	vor.u32 s4, v16;
	v58 =	vld.idx.msk [tilespmem:v27+s20+$0x0], $0xffff  }
0x2b1: {  	v61 =	vmul.f32 v46, v46;
	v46 =	vor.u32 s0, v49;
	v10 =	vld.idx.msk [tilespmem:v62+s20+$0x0], $0xffff;
	v1 =	vadd.f32 v31, v1  }
0x2b2: {  	v0 =	vadd.f32 v8, v0;
	v9 =	vld.idx.msk [tilespmem:v63+s20+$0x0], $0xffff;
	v31 =	vor.u32 s31, v43  }
0x2b3: {  	v27 =	vor.u32 s4, v47;
	v32 =	vld.idx.msk [tilespmem:v38+s20+$0x0], $0xffff;
	v1 =	vadd.f32 v26, v1  }
0x2b4: {  	v0 =	vadd.f32 v59, v0;
	v5 =	vld.idx.msk [tilespmem:v57+s20+$0x0], $0xffff;
	v26 =	vor.u32 s31, v52;
	v6 =	vadd.f32 v37, v14  }
0x2b5: {  	v59 =	vor.u32 s0, v51;
	v38 =	vld.idx.msk [tilespmem:v13+s20+$0x0], $0xffff;
	v12 =	vor.u32 s4, v44;
	v1 =	vadd.f32 v60, v1  }
0x2b6: {  	v8 =	vld.idx.msk [tilespmem:v46+s20+$0x0], $0xffff;
	v14 =	vmul.f32 v40, v40;
	v60 =	vor.u32 s31, v53;
	v6 =	vadd.f32 v10, v6  }
0x2b7: {  	v63 =	vor.u32 s31, v42;
	v13 =	vmul.f32 v39, v39;
	v62 =	vld.idx.msk [tilespmem:v31+s20+$0x0], $0xffff;
	v1 =	vadd.f32 v7, v1  }
0x2b8: {  	v27 =	vld.idx.msk [tilespmem:v27+s20+$0x0], $0xffff;
	v2 =	vadd.f32 v14, v2;
	v14 =	vor.u32 s0, v48;
	v3 =	vadd.f32 v3, v6  }
0x2b9: {  	v37 =	vor.u32 s0, v15;
	v31 =	vor.u32 s31, v54;
	v26 =	vld.idx.msk [tilespmem:v26+s20+$0x0], $0xffff;
	v1 =	vadd.f32 v11, v1  }
0x2ba: {  	v39 =	vor.u32 s31, v55;
	v12 =	vld.idx.msk [tilespmem:v12+s20+$0x0], $0xffff;
	v6 =	vand.u32 v41, v37;
	v3 =	vadd.f32 v5, v3  }
0x2bb: {  	v0 =	vadd.f32 v13, v0;
	v13 =	vor.u32 s0, v50;
	v4 =	vld.idx.msk [tilespmem:v60+s20+$0x0], $0xffff;
	v1 =	vadd.f32 v58, v1  }
0x2bc: {  	v40 =	vmul.f32 v36, v36;
	v7 =	vld.idx.msk [tilespmem:v63+s20+$0x0], $0xffff;
	v2 =	vadd.f32 v61, v2;
	v3 =	vadd.f32 v62, v3  }
0x2bd: {  	v57 =	vor.u32 s31, v56;
	v58 =	vld.idx.msk [tilespmem:v14+s20+$0x0], $0xffff;
	v14 =	vmul.f32 v25, v25;
	v1 =	vadd.f32 v9, v1  }
0x2be: {  	v31 =	vld.idx.msk [tilespmem:v31+s20+$0x0], $0xffff;
	v2 =	vadd.f32 v40, v2;
	v25 =	vmul.f32 v29, v29;
	v3 =	vadd.f32 v26, v3  }
0x2bf: {  	v60 =	vor.u32 s31, v47;
	v6 =	vld.idx.msk [tilespmem:v6+s20+$0x0], $0xffff;
	v0 =	vadd.f32 v14, v0;
	v1 =	vadd.f32 v32, v1  }
0x2c0: {  	v13 =	vld.idx.msk [tilespmem:v13+s20+$0x0], $0xffff;
	v25 =	vadd.f32 v25, v2;
	v26 =	vor.u32 s31, v45;
	v3 =	vadd.f32 v4, v3  }
0x2c1: {  	v5 =	vld.idx.msk [tilespmem:v39+s20+$0x0], $0xffff;
	v2 =	vor.u32 s0, v43;
	v14 =	vmul.f32 v34, v34;
	v1 =	vadd.f32 v27, v1  }
0x2c2: {  	v10 =	vld.idx.msk [tilespmem:v57+s20+$0x0], $0xffff;
	v62 =	vor.u32 s0, v52;
	v3 =	vadd.f32 v7, v3  }
0x2c3: {  	v61 =	vor.u32 s31, v44;
	v29 =	vadd.f32 v14, v0;
	v0 =	vld.idx.msk [tilespmem:v59+s20+$0x0], $0xffff;
	v1 =	vadd.f32 v12, v1  }
0x2c4: {  	v36 =	vor.u32 s31, v16;
	v27 =	vld.idx.msk [tilespmem:v60+s20+$0x0], $0xffff;
	v6 =	vadd.f32 v58, v6;
	v3 =	vadd.f32 v31, v3  }
0x2c5: {  	v34 =	vor.u32 s0, v53;
	v26 =	vld.idx.msk [tilespmem:v26+s20+$0x0], $0xffff;
	v11 =	vadd.f32 v38, v1  }
0x2c6: {  	s4 =	simm.s32 $0x300;
	v33 =	vld.idx.msk [tilespmem:v2+s20+$0x0], $0xffff;
	v63 =	vadd.f32 v8, v6;
	v1 =	vor.u32 s0, v54;
	v2 =	vadd.f32 v5, v3  }
0x2c7: {  	s3 =	simm.s32 $0x10580;
	v37 =	vor.u32 s0, v42;
	v35 =	vld.idx.msk [tilespmem:v62+s20+$0x0], $0xffff;
	v38 =	vor.u32 s4, v48  }
0x2c8: {  	s12 =	simm.s32 $0x400;
	v31 =	vld.idx.msk [tilespmem:v61+s20+$0x0], $0xffff;
	v39 =	vadd.f32 v13, v63;
	[tilespmem:s3+$0x0] =	vst v11;
	v32 =	vadd.f32 v10, v2;
	v2 =	vor.u32 s4, v15  }
.LBB2_12:
0x2c9: {  	p0 =	sne.s32 s12, $0x700;
	v2 =	vand.u32 v41, v2;
	v3 =	vld.idx.msk [tilespmem:v36+s20+$0x0], $0xffff  }
0x2ca: {  	v5 =	vor.u32 s0, v55;
	v0 =	vadd.f32 v0, v39;
	v4 =	vld.idx.msk [tilespmem:v34+s20+$0x0], $0xffff;
	v6 =	vadd.f32 v26, v32  }
0x2cb: {  	v7 =	vor.u32 s4, v49;
	v1 =	vld.idx.msk [tilespmem:v1+s20+$0x0], $0xffff  }
0x2cc: {  	v9 =	vor.u32 s0, v56;
	v0 =	vadd.f32 v33, v0;
	v8 =	vld.idx.msk [tilespmem:v37+s20+$0x0], $0xffff;
	v6 =	vadd.f32 v27, v6  }
0x2cd: {  	v11 =	vor.u32 s4, v50;
	v10 =	vld.idx.msk [tilespmem:v38+s20+$0x0], $0xffff  }
0x2ce: {  	v12 =	vor.u32 s0, v45;
	v2 =	vld.idx.msk [tilespmem:v2+s20+$0x0], $0xffff;
	v0 =	vadd.f32 v35, v0;
	v6 =	vadd.f32 v31, v6  }
0x2cf: {  	v13 =	vor.u32 s4, v51;
	v5 =	vld.idx.msk [tilespmem:v5+s20+$0x0], $0xffff  }
0x2d0: {  	v7 =	vld.idx.msk [tilespmem:v7+s20+$0x0], $0xffff;
	v0 =	vadd.f32 v4, v0;
	v4 =	vor.u32 s0, v47;
	v3 =	vadd.f32 v3, v6  }
0x2d1: {  	s3 =	sadd.s32 $0x10, s3;
	v6 =	vor.u32 s4, v43;
	v9 =	vld.idx.msk [tilespmem:v9+s20+$0x0], $0xffff  }
0x2d2: {  	v14 =	vor.u32 s0, v44;
	v11 =	vld.idx.msk [tilespmem:v11+s20+$0x0], $0xffff;
	v8 =	vadd.f32 v8, v0;
	[tilespmem:s3+$0x0] =	vst v3  }
0x2d3: {  	v3 =	vor.u32 s4, v52;
	v26 =	vld.idx.msk [tilespmem:v12+s20+$0x0], $0xffff  }
.Ltmp5:
0x2d4: {  	v36 =	vor.u32 s0, v16;
	s0 =	smov.u32 s4;
	s4 =	smov.u32 s12;
	v2 =	vadd.f32 v10, v2;
	v0 =	vld.idx.msk [tilespmem:v13+s20+$0x0], $0xffff;
	v8 =	vadd.f32 v1, v8;
	(pc) =	sbr.rel @p0 .LBB2_12-.Ltmp5, $4  }
0x2d5: {  	v34 =	vor.u32 s0, v53;
	v27 =	vld.idx.msk [tilespmem:v4+s20+$0x0], $0xffff  }
0x2d6: {  	v1 =	vor.u32 s0, v54;
	v4 =	vadd.f32 v7, v2;
	v33 =	vld.idx.msk [tilespmem:v6+s20+$0x0], $0xffff;
	v5 =	vadd.f32 v5, v8  }
0x2d7: {  	v38 =	vor.u32 s12, v48;
	v37 =	vor.u32 s0, v42;
	v31 =	vld.idx.msk [tilespmem:v14+s20+$0x0], $0xffff  }
0x2d8: {  	s12 =	sadd.s32 $0x100, s12;
	v2 =	vor.u32 s4, v15;
	v39 =	vadd.f32 v11, v4;
	v35 =	vld.idx.msk [tilespmem:v3+s20+$0x0], $0xffff;
	v32 =	vadd.f32 v9, v5  }
0x2d9: {  	v2 =	vand.u32 v41, v2;
	_ =	sdelay $0x1  }
0x2da: {  	v3 =	vor.u32 s4, v49;
	_ =	sdelay $0x1  }
0x2db: {  	v4 =	vld.idx.msk [tilespmem:v38+s20+$0x0], $0xffff;
	v5 =	vor.u32 s4, v50  }
0x2dc: {  	v2 =	vld.idx.msk [tilespmem:v2+s20+$0x0], $0xffff  }
0x2dd: {  	v6 =	vor.u32 s4, v51  }
0x2de: {  	v3 =	vld.idx.msk [tilespmem:v3+s20+$0x0], $0xffff  }
0x2df: {  	v7 =	vor.u32 s4, v43  }
0x2e0: {  	v5 =	vld.idx.msk [tilespmem:v5+s20+$0x0], $0xffff  }
0x2e1: {  	v8 =	vor.u32 s4, v52;
	v2 =	vadd.f32 v4, v2  }
0x2e2: {  	v38 =	vld.idx.msk [tilespmem:v6+s20+$0x0], $0xffff  }
0x2e3: {  	v40 =	vor.u32 s4, v53;
	v2 =	vadd.f32 v3, v2  }
0x2e4: {  	v3 =	vld.idx.msk [tilespmem:v7+s20+$0x0], $0xffff  }
0x2e5: {  	v41 =	vld.idx.msk [tilespmem:v36+s20+$0x0], $0xffff;
	v9 =	vor.u32 s4, v42;
	v2 =	vadd.f32 v5, v2  }
0x2e6: {  	v0 =	vadd.f32 v0, v39;
	v43 =	vld.idx.msk [tilespmem:v8+s20+$0x0], $0xffff  }
0x2e7: {  	v46 =	vld.idx.msk [tilespmem:v34+s20+$0x0], $0xffff;
	v10 =	vor.u32 s4, v54;
	v2 =	vadd.f32 v38, v2  }
0x2e8: {  	v48 =	vor.u32 s0, v55;
	v0 =	vadd.f32 v33, v0;
	v6 =	vld.idx.msk [tilespmem:v40+s20+$0x0], $0xffff  }
0x2e9: {  	v11 =	vld.idx.msk [tilespmem:v37+s20+$0x0], $0xffff;
	v12 =	vor.u32 s4, v55;
	v2 =	vadd.f32 v3, v2  }
0x2ea: {  	v0 =	vadd.f32 v35, v0;
	v9 =	vld.idx.msk [tilespmem:v9+s20+$0x0], $0xffff;
	v3 =	vor.u32 s0, v56  }
0x2eb: {  	v1 =	vld.idx.msk [tilespmem:v1+s20+$0x0], $0xffff;
	v13 =	vor.u32 s4, v56;
	v2 =	vadd.f32 v43, v2  }
0x2ec: {  	v49 =	vor.u32 s0, v45;
	v50 =	vld.idx.msk [tilespmem:v10+s20+$0x0], $0xffff;
	v0 =	vadd.f32 v46, v0  }
0x2ed: {  	v51 =	vor.u32 s4, v45;
	v4 =	vld.idx.msk [tilespmem:v48+s20+$0x0], $0xffff;
	v2 =	vadd.f32 v6, v2  }
0x2ee: {  	v52 =	vor.u32 s0, v47;
	v53 =	vld.idx.msk [tilespmem:v12+s20+$0x0], $0xffff;
	v0 =	vadd.f32 v11, v0  }
0x2ef: {  	v54 =	vor.u32 s4, v47;
	v3 =	vld.idx.msk [tilespmem:v3+s20+$0x0], $0xffff;
	v2 =	vadd.f32 v9, v2  }
0x2f0: {  	v55 =	vor.u32 s0, v44;
	v0 =	vadd.f32 v1, v0;
	v1 =	vld.idx.msk [tilespmem:v13+s20+$0x0], $0xffff  }
0x2f1: {  	v5 =	vld.idx.msk [tilespmem:v49+s20+$0x0], $0xffff;
	v56 =	vor.u32 s4, v44;
	v2 =	vadd.f32 v50, v2  }
0x2f2: {  	v57 =	vor.u32 s0, v16;
	v58 =	vld.idx.msk [tilespmem:v51+s20+$0x0], $0xffff;
	v0 =	vadd.f32 v4, v0  }
0x2f3: {  	v59 =	vor.u32 s4, v16;
	v6 =	vld.idx.msk [tilespmem:v52+s20+$0x0], $0xffff;
	v2 =	vadd.f32 v53, v2  }
0x2f4: {  	v0 =	vadd.f32 v3, v0;
	v3 =	vld.idx.msk [tilespmem:v54+s20+$0x0], $0xffff  }
0x2f5: {  	v60 =	vadd.f32 v26, v32;
	v9 =	vld.idx.msk [tilespmem:v55+s20+$0x0], $0xffff;
	v1 =	vadd.f32 v1, v2  }
0x2f6: {  	v0 =	vadd.f32 v5, v0;
	v2 =	vld.idx.msk [tilespmem:v56+s20+$0x0], $0xffff  }
0x2f7: {  	v61 =	vadd.f32 v27, v60;
	v8 =	vld.idx.msk [tilespmem:v57+s20+$0x0], $0xffff;
	v1 =	vadd.f32 v58, v1  }
0x2f8: {  	v62 =	vld.idx.msk [tilespmem:v59+s20+$0x0], $0xffff;
	v0 =	vadd.f32 v6, v0  }
0x2f9: {  	v5 =	vadd.f32 v31, v61;
	v1 =	vadd.f32 v3, v1  }
0x2fa: {  	v0 =	vadd.f32 v9, v0  }
0x2fb: {  	v3 =	vadd.f32 v41, v5;
	v1 =	vadd.f32 v2, v1  }
0x2fc: {  	s22 =	sadd.s32 $0x10, s3;
	v0 =	vadd.f32 v8, v0  }
0x2fd: {  	s0 =	sadd.s32 $0x10, s22;
	[tilespmem:s22+$0x0] =	vst v3;
	v1 =	vadd.f32 v62, v1  }
0x2fe: {  	[tilespmem:s0+$0x0] =	vst v0;
	s0 =	sadd.s32 $0x10, s0  }
0x2ff: {  	[tilespmem:s0+$0x0] =	vst v1  }
0x300: {  	_ =	swait.ge [sflag:s23], $0x4000  }
0x301: {  	[sflag:s23] =	ssyncset.done $0x0  }
0x302: {  	[sflag:s23] =	ssyncadd.s32 $0xFFFFC000  }
0x303: {  	_ =	swait.ge [sflag:s23], $0x4000  }
0x304: {  	[sflag:s23] =	ssyncset.done $0x0  }
0x305: {  	s3 =	simm.s32 $0x0;
	[sflag:s23] =	ssyncadd.s32 $0xFFFFC000  }
0x306: {  	v0 =	vld [tilespmem:s3+$0x4410]  }
0x307: {  	v1 =	vld [tilespmem:s3+$0xC410]  }
0x308: {  	v2 =	vld [tilespmem:s3+$0xC400]  }
0x309: {  	v3 =	vld [tilespmem:s3+$0x4400]  }
0x30a: {  	v63 =	vld [tilespmem:s3+$0xC420]  }
0x30b: {  	v5 =	vld [tilespmem:s3+$0x4420]  }
0x30c: {  	v6 =	vld [tilespmem:s3+$0xC430]  }
0x30d: {  	v7 =	vld [tilespmem:s3+$0x4430]  }
0x30e: {  	v54 =	vld [tilespmem:s3+$0x4440]  }
0x30f: {  	v56 =	vld [tilespmem:s3+$0xC440]  }
0x310: {  	v12 =	vld [tilespmem:s3+$0xC450]  }
0x311: {  	v14 =	vld [tilespmem:s3+$0x4450]  }
0x312: {  	v60 =	vld [tilespmem:s3+$0xC470]  }
0x313: {  	v61 =	vld [tilespmem:s3+$0x4470]  }
0x314: {  	v53 =	vmul.f32 v1, v0;
	v55 =	vmul.f32 v2, v3  }
0x315: {  	v57 =	vmul.f32 v63, v5;
	v26 =	vmul.f32 v6, v7  }
0x316: {  	v31 =	vld [tilespmem:s3+$0xC460];
	v27 =	vmul.f32 v56, v54;
	v46 =	vmul.f32 v12, v14  }
0x317: {  	s0 =	simm.s32 $0x100;
	v59 =	vld [tilespmem:s3+$0x4460];
	v8 =	vmul.f32 v53, v23;
	v10 =	vmul.f32 v55, v24  }
0x318: {  	v42 =	vld [tilespmem:s0+$0x4450];
	v49 =	vmul.f32 v60, v61;
	v3 =	vmul.f32 v3, v3  }
0x319: {  	v52 =	vld [tilespmem:s0+$0xC440];
	v0 =	vmul.f32 v0, v0;
	v58 =	vmul.f32 v57, v22;
	v8 =	vadd.f32 v8, v10  }
0x31a: {  	v48 =	vld [tilespmem:s0+$0x4410];
	v4 =	vmul.f32 v63, v63;
	v1 =	vmul.f32 v1, v1  }
0x31b: {  	v44 =	vld [tilespmem:s0+$0x4440];
	v2 =	vmul.f32 v2, v2;
	v26 =	vmul.f32 v26, v21;
	v8 =	vadd.f32 v58, v8  }
0x31c: {  	v43 =	vld [tilespmem:s0+$0xC430];
	v6 =	vmul.f32 v6, v6;
	v54 =	vmul.f32 v54, v54  }
0x31d: {  	v62 =	vld [tilespmem:s0+$0xC410];
	v40 =	vmul.f32 v31, v31;
	v47 =	vmul.f32 v27, v20;
	v8 =	vadd.f32 v26, v8  }
0x31e: {  	v45 =	vld [tilespmem:s0+$0x4460];
	v33 =	vmul.f32 v52, v52;
	v12 =	vmul.f32 v12, v12  }
0x31f: {  	v63 =	vld [tilespmem:s0+$0xC420];
	v32 =	vmul.f32 v46, v19;
	v26 =	vmul.f32 v31, v59;
	v8 =	vadd.f32 v47, v8  }
0x320: {  	v36 =	vmul.f32 v52, v44;
	v27 =	vld [tilespmem:s0+$0xC450];
	v51 =	vmul.f32 v49, v17;
	v3 =	vadd.f32 v3, v28  }
0x321: {  	v28 =	vld [tilespmem:s0+$0xC460];
	v53 =	vmul.f32 v56, v56;
	v50 =	vmul.f32 v26, v18;
	v8 =	vadd.f32 v32, v8  }
0x322: {  	v2 =	vadd.f32 v2, v30;
	v55 =	vmul.f32 v14, v14;
	v56 =	vld [tilespmem:s0+$0x4430];
	v52 =	vmul.f32 v36, v20  }
0x323: {  	v57 =	vld [tilespmem:s0+$0xC400];
	v0 =	vadd.f32 v0, v3;
	v3 =	vmul.f32 v5, v5;
	v8 =	vadd.f32 v50, v8  }
0x324: {  	v10 =	vmul.f32 v61, v61;
	v1 =	vadd.f32 v1, v2;
	v2 =	vmul.f32 v60, v60;
	v60 =	vld [tilespmem:s0+$0x4420]  }
0x325: {  	v0 =	vadd.f32 v3, v0;
	v3 =	vmul.f32 v7, v7;
	v31 =	vld [tilespmem:s0+$0x4400];
	v8 =	vadd.f32 v51, v8  }
0x326: {  	s31 =	simm.s32 $0x10710;
	v7 =	vmul.f32 v63, v63;
	v58 =	vmul.f32 v62, v48;
	v26 =	vld [tilespmem:s0+$0xC470]  }
0x327: {  	v1 =	vadd.f32 v4, v1;
	v61 =	vmul.f32 v43, v56;
	v9 =	vmul.f32 v28, v45;
	v47 =	vld [tilespmem:s0+$0x4470];
	[tilespmem:s31+$0xFFFFFFF0] =	vst v8  }
0x328: {  	v14 =	vmul.f32 v56, v56;
	v43 =	vmul.f32 v43, v43;
	v5 =	vld [tilespmem:s3+$0xC4F0]  }
0x329: {  	v0 =	vadd.f32 v3, v0;
	v3 =	vmul.f32 v59, v59;
	v1 =	vadd.f32 v6, v1;
	v11 =	vld [tilespmem:s3+$0xC4E0]  }
0x32a: {  	v59 =	vmul.f32 v48, v48;
	v4 =	vmul.f32 v58, v23;
	v32 =	vld [tilespmem:s3+$0x44D0]  }
0x32b: {  	v6 =	vmul.f32 v62, v62;
	v0 =	vadd.f32 v54, v0;
	v1 =	vadd.f32 v53, v1;
	v34 =	vld [tilespmem:s3+$0xC490]  }
0x32c: {  	v13 =	vmul.f32 v63, v60;
	v63 =	vmul.f32 v60, v60;
	v48 =	vld [tilespmem:s3+$0x4490]  }
0x32d: {  	v53 =	vmul.f32 v61, v21;
	v0 =	vadd.f32 v55, v0;
	v1 =	vadd.f32 v12, v1;
	v35 =	vld [tilespmem:s3+$0xC4C0]  }
0x32e: {  	v61 =	vmul.f32 v42, v42;
	v55 =	vmul.f32 v57, v57;
	v39 =	vld [tilespmem:s3+$0x44C0]  }
0x32f: {  	v62 =	vmul.f32 v57, v31;
	v0 =	vadd.f32 v3, v0;
	v1 =	vadd.f32 v40, v1;
	v51 =	vld [tilespmem:s3+$0x44A0]  }
0x330: {  	v46 =	vmul.f32 v31, v31;
	v3 =	vmul.f32 v27, v42;
	v36 =	vld [tilespmem:s3+$0xC4A0]  }
0x331: {  	v42 =	vmul.f32 v13, v22;
	v0 =	vadd.f32 v10, v0;
	v1 =	vadd.f32 v2, v1;
	v38 =	vld [tilespmem:s3+$0xC4D0]  }
0x332: {  	v54 =	vmul.f32 v26, v47;
	v8 =	vmul.f32 v62, v24;
	v37 =	vld [tilespmem:s3+$0x44E0]  }
0x333: {  	v2 =	vmul.f32 v44, v44;
	v0 =	vadd.f32 v46, v0;
	v1 =	vadd.f32 v55, v1;
	v58 =	vld [tilespmem:s3+$0x44B0]  }
0x334: {  	v60 =	vmul.f32 v54, v17;
	v62 =	vmul.f32 v45, v45;
	v46 =	vld [tilespmem:s3+$0xC4B0];
	v4 =	vadd.f32 v4, v8  }
0x335: {  	v44 =	vld [tilespmem:s3+$0x44F0];
	v0 =	vadd.f32 v59, v0;
	v6 =	vadd.f32 v6, v1;
	v1 =	vmul.f32 v3, v19  }
0x336: {  	v59 =	vld [tilespmem:s3+$0x4480];
	v45 =	vadd.f32 v42, v4;
	v42 =	vmul.f32 v47, v47;
	v30 =	vmul.f32 v11, v11  }
0x337: {  	v0 =	vadd.f32 v63, v0;
	v31 =	vmul.f32 v5, v5;
	v40 =	vmul.f32 v34, v48  }
0x338: {  	v41 =	vmul.f32 v35, v39;
	v49 =	vmul.f32 v36, v51  }
0x339: {  	v57 =	vmul.f32 v38, v32;
	v3 =	vadd.f32 v14, v0;
	v55 =	vmul.f32 v11, v37  }
0x33a: {  	s21 =	simm.s32 $0x800;
	v56 =	vadd.f32 v7, v6;
	v0 =	vmul.f32 v9, v18;
	v54 =	vmul.f32 v5, v44  }
0x33b: {  	s18 =	simm.s32 $0x10730;
	s12 =	simm.s32 $0x10730;
	s4 =	simm.s32 $0x0;
	v50 =	vmul.f32 v46, v58;
	v63 =	vadd.f32 v2, v3;
	v2 =	vmul.f32 v59, v59  }
.LBB2_14:
0x33c: {  	s22 =	sshra.s32 s21, $0x2;
	p0 =	sne.s32 s21, $0xFC00;
	s21 =	sadd.s32 $0x400, s21;
	v47 =	vmul.f32 v26, v26;
	v54 =	vmul.f32 v54, v17  }
0x33d: {  	v5 =	vmul.f32 v48, v48;
	v3 =	vld [tilespmem:s22+$0xC450];
	v4 =	vadd.f32 v53, v45;
	v2 =	vadd.f32 v2, v29  }
0x33e: {  	v6 =	vmul.f32 v38, v38;
	v29 =	vmul.f32 v44, v44;
	v45 =	vld [tilespmem:s22+$0x4450]  }
0x33f: {  	v7 =	vld [tilespmem:s22+$0x4410];
	v4 =	vadd.f32 v52, v4;
	v2 =	vadd.f32 v5, v2;
	v5 =	vmul.f32 v51, v51  }
0x340: {  	v9 =	vmul.f32 v57, v19;
	v10 =	vmul.f32 v55, v18;
	v8 =	vld [tilespmem:s3+$0xC480];
	s3 =	smov.u32 s0;
	s0 =	smov.u32 s22  }
0x341: {  	v44 =	vld [tilespmem:s0+$0xC430];
	v1 =	vadd.f32 v1, v4;
	v2 =	vadd.f32 v5, v2;
	v4 =	vmul.f32 v35, v35  }
0x342: {  	v11 =	vmul.f32 v37, v37;
	v5 =	vmul.f32 v58, v58;
	v26 =	vld [tilespmem:s0+$0xC470]  }
0x343: {  	v13 =	vadd.f32 v61, v63;
	v12 =	vld [tilespmem:s0+$0x4440];
	v0 =	vadd.f32 v0, v1;
	v1 =	vmul.f32 v32, v32  }
0x344: {  	v2 =	vadd.f32 v5, v2;
	v5 =	vmul.f32 v46, v46;
	v32 =	vmul.f32 v39, v39;
	v14 =	vld [tilespmem:s0+$0xC440]  }
0x345: {  	v13 =	vadd.f32 v62, v13;
	v35 =	vld [tilespmem:s0+$0xC410];
	v0 =	vadd.f32 v60, v0;
	v37 =	vmul.f32 v8, v59  }
0x346: {  	v39 =	vmul.f32 v41, v20;
	v8 =	vmul.f32 v8, v8;
	v2 =	vadd.f32 v32, v2;
	v38 =	vld [tilespmem:s0+$0xC460]  }
0x347: {  	v13 =	vadd.f32 v42, v13;
	v32 =	vmul.f32 v40, v23;
	v41 =	vld [tilespmem:s0+$0xC420];
	[tilespmem:s18+$0xFFFFFFF0] =	vst v0;
	v0 =	vmul.f32 v37, v24  }
0x348: {  	v37 =	vadd.f32 v43, v56;
	v8 =	vadd.f32 v8, v25;
	v25 =	vmul.f32 v34, v34;
	v42 =	vld [tilespmem:s3+$0xC4F0]  }
0x349: {  	v34 =	vmul.f32 v49, v22;
	v1 =	vadd.f32 v1, v2;
	v55 =	vld [tilespmem:s3+$0xC4E0];
	v0 =	vadd.f32 v32, v0  }
0x34a: {  	v2 =	vadd.f32 v33, v37;
	v8 =	vadd.f32 v25, v8;
	v25 =	vmul.f32 v36, v36;
	v32 =	vld [tilespmem:s3+$0x44D0]  }
0x34b: {  	v36 =	vmul.f32 v28, v28;
	v43 =	vld [tilespmem:s0+$0x4430];
	v0 =	vadd.f32 v34, v0;
	v34 =	vmul.f32 v50, v21;
	v28 =	vmovc v38  }
0x34c: {  	v33 =	vmul.f32 v14, v14;
	v8 =	vadd.f32 v25, v8;
	v37 =	vld [tilespmem:s0+$0xC400];
	v56 =	vmul.f32 v41, v41  }
0x34d: {  	v40 =	vmul.f32 v27, v27;
	v27 =	vmovc v3;
	v38 =	vmul.f32 v35, v7;
	v25 =	vld [tilespmem:s0+$0x4400];
	v0 =	vadd.f32 v34, v0  }
0x34e: {  	v3 =	vmul.f32 v7, v7;
	v5 =	vadd.f32 v5, v8;
	v7 =	vld [tilespmem:s0+$0x4460];
	v46 =	vmul.f32 v55, v55  }
0x34f: {  	v2 =	vadd.f32 v40, v2;
	v8 =	vmul.f32 v38, v23;
	v34 =	vld [tilespmem:s3+$0xC490];
	v0 =	vadd.f32 v39, v0  }
0x350: {  	v62 =	vmul.f32 v27, v45;
	v50 =	vmul.f32 v35, v35;
	v4 =	vadd.f32 v4, v5;
	v15 =	vld [tilespmem:s0+$0x4470]  }
0x351: {  	v35 =	vmul.f32 v44, v43;
	v5 =	vld [tilespmem:s0+$0x4420];
	v0 =	vadd.f32 v9, v0;
	v9 =	vadd.f32 v11, v1  }
0x352: {  	v11 =	vmul.f32 v14, v12;
	v4 =	vadd.f32 v6, v4;
	v1 =	vmul.f32 v37, v25;
	v48 =	vld [tilespmem:s3+$0x4490]  }
0x353: {  	s18 =	sadd.s32 $0x20, s18;
	v6 =	vmul.f32 v25, v25;
	v53 =	vmul.f32 v35, v21;
	v35 =	vld [tilespmem:s3+$0xC4C0];
	v0 =	vadd.f32 v10, v0  }
0x354: {  	v2 =	vadd.f32 v36, v2;
	v52 =	vmul.f32 v11, v20;
	v4 =	vadd.f32 v30, v4;
	v30 =	vmovc v46;
	v39 =	vld [tilespmem:s3+$0x44C0]  }
0x355: {  	v11 =	vmul.f32 v42, v42;
	v6 =	vadd.f32 v6, v13;
	v10 =	vmul.f32 v26, v15;
	v51 =	vld [tilespmem:s3+$0x44A0]  }
0x356: {  	v13 =	vmul.f32 v37, v37;
	v0 =	vadd.f32 v54, v0;
	v14 =	vmul.f32 v41, v5;
	v36 =	vld [tilespmem:s3+$0xC4A0]  }
0x357: {  	v3 =	vadd.f32 v3, v6;
	v5 =	vmul.f32 v5, v5;
	v40 =	vmul.f32 v34, v48;
	v38 =	vld [tilespmem:s3+$0xC4D0]  }
0x358: {  	v1 =	vmul.f32 v1, v24;
	v25 =	vadd.f32 v31, v4;
	v6 =	vmul.f32 v28, v7;
	v37 =	vld [tilespmem:s3+$0x44E0];
	[tilespmem:s31+$0x0] =	vst v0;
	s31 =	smov.u32 s12;
	s12 =	smov.u32 s18  }
0x359: {  	v31 =	vmovc v11;
	v0 =	vadd.f32 v5, v3;
	v3 =	vmul.f32 v43, v43;
	v58 =	vld [tilespmem:s3+$0x44B0];
	v41 =	vmul.f32 v35, v39  }
0x35a: {  	v2 =	vadd.f32 v47, v2;
	v4 =	vmul.f32 v12, v12;
	v43 =	vmul.f32 v44, v44;
	v46 =	vld [tilespmem:s3+$0xC4B0]  }
0x35b: {  	v60 =	vmul.f32 v10, v17;
	v5 =	vadd.f32 v8, v1;
	v49 =	vmul.f32 v36, v51;
	v44 =	vld [tilespmem:s3+$0x44F0]  }
0x35c: {  	v61 =	vmul.f32 v45, v45;
	v2 =	vadd.f32 v13, v2;
	v59 =	vld [tilespmem:s3+$0x4480];
	v57 =	vmul.f32 v38, v32  }
.Ltmp6:
0x35d: {  	v1 =	vmul.f32 v62, v19;
	v3 =	vadd.f32 v3, v0;
	v55 =	vmul.f32 v55, v37;
	(pc) =	sbr.rel @p0 .LBB2_14-.Ltmp6, $4  }
0x35e: {  	v2 =	vadd.f32 v50, v2;
	v8 =	vmul.f32 v14, v22;
	v0 =	vmul.f32 v6, v18  }
0x35f: {  	v29 =	vadd.f32 v29, v9;
	v62 =	vmul.f32 v7, v7;
	v50 =	vmul.f32 v46, v58  }
0x360: {  	v56 =	vadd.f32 v56, v2;
	v63 =	vadd.f32 v4, v3;
	v54 =	vmul.f32 v42, v44  }
0x361: {  	v45 =	vadd.f32 v8, v5;
	v42 =	vmul.f32 v15, v15;
	v2 =	vmul.f32 v59, v59  }
0x362: {  	_ = 	snop  }
0x363: {  	v3 =	vadd.f32 v53, v45;
	_ =	sdelay $0x1  }
0x364: {  	v3 =	vadd.f32 v52, v3;
	_ =	sdelay $0x1  }
0x365: {  	v1 =	vadd.f32 v1, v3;
	_ =	sdelay $0x1  }
0x366: {  	v0 =	vadd.f32 v0, v1;
	_ =	sdelay $0x1  }
0x367: {  	v0 =	vadd.f32 v60, v0;
	_ =	sdelay $0x1  }
0x368: {  	v3 =	vld [tilespmem:s3+$0xC480];
	[tilespmem:s18+$0xFFFFFFF0] =	vst v0  }
0x369: {  	v1 =	vadd.f32 v2, v29;
	v2 =	vmul.f32 v48, v48;
	v29 =	vld [tilespmem:s0+$0x44D0]  }
0x36a: {  	v45 =	vld [tilespmem:s0+$0xC490]  }
0x36b: {  	v0 =	vadd.f32 v2, v1;
	v2 =	vld [tilespmem:s0+$0x4480]  }
0x36c: {  	v1 =	vmul.f32 v51, v51;
	v4 =	vld [tilespmem:s0+$0xC480]  }
0x36d: {  	v6 =	vld [tilespmem:s0+$0x4490]  }
0x36e: {  	v8 =	vld [tilespmem:s0+$0x44A0];
	v0 =	vadd.f32 v1, v0;
	v1 =	vmul.f32 v58, v58  }
0x36f: {  	v7 =	vmul.f32 v3, v59;
	v3 =	vmul.f32 v3, v3;
	v9 =	vld [tilespmem:s0+$0x44B0]  }
0x370: {  	v5 =	vadd.f32 v61, v63;
	v0 =	vadd.f32 v1, v0;
	v1 =	vmul.f32 v39, v39;
	v39 =	vld [tilespmem:s0+$0xC4A0]  }
0x371: {  	v10 =	vmul.f32 v34, v34;
	v51 =	vmul.f32 v40, v23;
	v3 =	vadd.f32 v3, v25;
	v40 =	vld [tilespmem:s0+$0xC4B0]  }
0x372: {  	v25 =	vld [tilespmem:s0+$0xC4C0];
	v0 =	vadd.f32 v1, v0;
	v1 =	vmul.f32 v7, v24;
	v11 =	vmul.f32 v4, v2  }
0x373: {  	v14 =	vadd.f32 v43, v56;
	v56 =	vmul.f32 v50, v21;
	v13 =	vld [tilespmem:s0+$0x44C0];
	v12 =	vmul.f32 v45, v6  }
0x374: {  	v52 =	vmul.f32 v49, v22;
	v34 =	vld [tilespmem:s0+$0xC4D0];
	v1 =	vadd.f32 v51, v1;
	v11 =	vmul.f32 v11, v24  }
0x375: {  	v12 =	vmul.f32 v12, v23;
	v15 =	vmul.f32 v39, v8  }
0x376: {  	v53 =	vmul.f32 v36, v36;
	v5 =	vadd.f32 v62, v5;
	v1 =	vadd.f32 v52, v1  }
0x377: {  	v24 =	vld [tilespmem:s0+$0xC4E0];
	v58 =	vadd.f32 v12, v11;
	v12 =	vmul.f32 v40, v9;
	v59 =	vmul.f32 v15, v22  }
0x378: {  	v60 =	vmul.f32 v41, v20;
	v62 =	vmul.f32 v25, v13;
	v22 =	vld [tilespmem:s0+$0x44E0];
	v1 =	vadd.f32 v56, v1  }
0x379: {  	v41 =	vmul.f32 v34, v29;
	v23 =	vld [tilespmem:s0+$0xC4F0];
	v63 =	vmul.f32 v12, v21;
	v61 =	vadd.f32 v59, v58  }
0x37a: {  	v3 =	vadd.f32 v10, v3;
	v21 =	vld [tilespmem:s0+$0x44F0];
	v12 =	vmul.f32 v57, v19;
	v1 =	vadd.f32 v60, v1  }
0x37b: {  	v10 =	vmul.f32 v62, v20;
	v43 =	vmul.f32 v41, v19;
	v7 =	vadd.f32 v63, v61  }
0x37c: {  	v15 =	vmul.f32 v46, v46;
	v1 =	vadd.f32 v12, v1;
	v12 =	vmul.f32 v55, v18  }
0x37d: {  	v19 =	vmul.f32 v35, v35;
	v35 =	vld [tilespmem:$0x1FF20];
	v46 =	vmul.f32 v24, v22;
	v7 =	vadd.f32 v10, v7  }
0x37e: {  	v3 =	vadd.f32 v53, v3;
	v1 =	vadd.f32 v12, v1  }
0x37f: {  	v12 =	vmul.f32 v23, v21;
	v10 =	vmul.f32 v46, v18;
	v7 =	vadd.f32 v43, v7  }
0x380: {  	v36 =	vld [tilespmem:$0x1FF30];
	v3 =	vadd.f32 v15, v3;
	v15 =	vmul.f32 v54, v17  }
0x381: {  	v47 =	vmul.f32 v12, v17;
	v7 =	vadd.f32 v10, v7  }
0x382: {  	v48 =	vor.u32 s4, v35;
	v1 =	vadd.f32 v15, v1  }
0x383: {  	v14 =	vadd.f32 v33, v14;
	v33 =	vld [tilespmem:$0x1FF00];
	v17 =	vmul.f32 v32, v32;
	v7 =	vadd.f32 v47, v7  }
0x384: {  	v32 =	vld [tilespmem:$0x1FF10];
	[tilespmem:s31+$0x0] =	vst v1  }
0x385: {  	v49 =	vor.u32 s4, v36;
	v0 =	vadd.f32 v17, v0;
	v17 =	vmul.f32 v37, v37;
	v37 =	vld [tilespmem:$0x1FF40];
	[tilespmem:s12+$0x0] =	vst v7  }
0x386: {  	v15 =	vmul.f32 v38, v38;
	v38 =	vld [tilespmem:$0x1FF50]  }
0x387: {  	v10 =	vld.idx.msk [tilespmem:v48+s20+$0x0], $0xffff  }
0x388: {  	v41 =	vld [tilespmem:$0x1FF60]  }
0x389: {  	v3 =	vadd.f32 v19, v3;
	v43 =	vld [tilespmem:$0x1FF70]  }
0x38a: {  	v11 =	vld.idx.msk [tilespmem:v49+s20+$0x0], $0xffff  }
0x38b: {  	v3 =	vadd.f32 v15, v3;
	v15 =	vmul.f32 v44, v44;
	v44 =	vld [tilespmem:$0x1FF80]  }
0x38c: {  	v18 =	vmul.f32 v27, v27;
	v12 =	vor.u32 s4, v33;
	s31 =	simm.s32 $0x100;
	v46 =	vld [tilespmem:$0x1FFA0]  }
0x38d: {  	v27 =	vor.u32 s31, v35;
	v0 =	vadd.f32 v17, v0;
	v17 =	vadd.f32 v42, v5;
	v42 =	vld [tilespmem:$0x1FF90]  }
0x38e: {  	v2 =	vmul.f32 v2, v2;
	v12 =	vand.u32 v32, v12;
	v47 =	vld [tilespmem:$0x1FFB0]  }
0x38f: {  	v6 =	vmul.f32 v6, v6;
	v53 =	vmul.f32 v8, v8;
	v48 =	vld [tilespmem:$0x1FFC0]  }
0x390: {  	v4 =	vmul.f32 v4, v4;
	v61 =	vmul.f32 v45, v45;
	v45 =	vld [tilespmem:$0x1FFD0];
	v1 =	vor.u32 s4, v37  }
0x391: {  	v63 =	vmul.f32 v39, v39;
	v0 =	vadd.f32 v15, v0;
	v39 =	vld [tilespmem:$0x1FFE0];
	v50 =	vor.u32 s4, v38  }
0x392: {  	v13 =	vmul.f32 v13, v13;
	v14 =	vadd.f32 v18, v14;
	v60 =	vld.idx.msk [tilespmem:v27+s20+$0x0], $0xffff;
	v18 =	vor.u32 s4, v41  }
0x393: {  	v19 =	vmul.f32 v28, v28;
	v0 =	vadd.f32 v2, v0;
	v12 =	vld.idx.msk [tilespmem:v12+s20+$0x0], $0xffff;
	v20 =	vor.u32 s4, v43  }
0x394: {  	v3 =	vadd.f32 v30, v3;
	v27 =	vmul.f32 v40, v40;
	v40 =	vld [tilespmem:$0x1FFF0];
	v15 =	vor.u32 s4, v44  }
0x395: {  	v51 =	vadd.f32 v19, v14;
	v0 =	vadd.f32 v6, v0;
	v14 =	vor.u32 s4, v46;
	v1 =	vld.idx.msk [tilespmem:v1+s20+$0x0], $0xffff  }
0x396: {  	v9 =	vmul.f32 v9, v9;
	v3 =	vadd.f32 v31, v3;
	v52 =	vor.u32 s4, v42;
	v2 =	vld.idx.msk [tilespmem:v50+s20+$0x0], $0xffff  }
0x397: {  	v56 =	vor.u32 s31, v36;
	v59 =	vor.u32 s4, v48;
	v0 =	vadd.f32 v53, v0;
	v19 =	vld.idx.msk [tilespmem:v18+s20+$0x0], $0xffff  }
0x398: {  	v3 =	vadd.f32 v4, v3;
	v10 =	vadd.f32 v10, v12;
	v18 =	vor.u32 s31, v33;
	v20 =	vld.idx.msk [tilespmem:v20+s20+$0x0], $0xffff  }
0x399: {  	v0 =	vadd.f32 v9, v0;
	v12 =	vmul.f32 v26, v26;
	v54 =	vld.idx.msk [tilespmem:v15+s20+$0x0], $0xffff;
	v26 =	vand.u32 v32, v18  }
0x39a: {  	v3 =	vadd.f32 v61, v3;
	v15 =	vor.u32 s4, v47;
	v57 =	vld.idx.msk [tilespmem:v14+s20+$0x0], $0xffff;
	v55 =	vadd.f32 v11, v10  }
0x39b: {  	v58 =	vld.idx.msk [tilespmem:v52+s20+$0x0], $0xffff;
	v0 =	vadd.f32 v13, v0;
	v13 =	vor.u32 s31, v43  }
0x39c: {  	v3 =	vadd.f32 v63, v3;
	v7 =	vld.idx.msk [tilespmem:v59+s20+$0x0], $0xffff;
	v50 =	vor.u32 s31, v44;
	v1 =	vadd.f32 v1, v55  }
0x39d: {  	v25 =	vmul.f32 v25, v25;
	v18 =	vadd.f32 v12, v51;
	v12 =	vor.u32 s31, v37;
	v10 =	vld.idx.msk [tilespmem:v56+s20+$0x0], $0xffff  }
0x39e: {  	v3 =	vadd.f32 v27, v3;
	v52 =	vor.u32 s31, v42;
	v1 =	vadd.f32 v2, v1;
	v14 =	vld.idx.msk [tilespmem:v26+s20+$0x0], $0xffff  }
0x39f: {  	s0 =	simm.s32 $0x200;
	v2 =	vor.u32 s31, v38;
	v62 =	vld.idx.msk [tilespmem:v15+s20+$0x0], $0xffff  }
0x3a0: {  	v3 =	vadd.f32 v25, v3;
	v25 =	vor.u32 s0, v35;
	v13 =	vld.idx.msk [tilespmem:v13+s20+$0x0], $0xffff;
	v1 =	vadd.f32 v19, v1  }
0x3a1: {  	v55 =	vld.idx.msk [tilespmem:v50+s20+$0x0], $0xffff;
	v19 =	vor.u32 s31, v41  }
0x3a2: {  	v26 =	vor.u32 s4, v45;
	v49 =	vld.idx.msk [tilespmem:v12+s20+$0x0], $0xffff;
	v1 =	vadd.f32 v20, v1  }
0x3a3: {  	v56 =	vor.u32 s31, v47;
	v6 =	vld.idx.msk [tilespmem:v52+s20+$0x0], $0xffff;
	v5 =	vadd.f32 v60, v14  }
0x3a4: {  	v15 =	vor.u32 s4, v39;
	v2 =	vld.idx.msk [tilespmem:v2+s20+$0x0], $0xffff;
	v1 =	vadd.f32 v54, v1  }
0x3a5: {  	v59 =	vld.idx.msk [tilespmem:v25+s20+$0x0], $0xffff;
	v12 =	vor.u32 s4, v40;
	v5 =	vadd.f32 v10, v5  }
0x3a6: {  	v53 =	vor.u32 s0, v33;
	v14 =	vor.u32 s4, v16;
	v51 =	vld.idx.msk [tilespmem:v19+s20+$0x0], $0xffff;
	v1 =	vadd.f32 v58, v1  }
0x3a7: {  	v20 =	vld.idx.msk [tilespmem:v26+s20+$0x0], $0xffff;
	v26 =	vmul.f32 v34, v34;
	v19 =	vor.u32 s31, v46;
	v4 =	vadd.f32 v49, v5  }
0x3a8: {  	v24 =	vmul.f32 v24, v24;
	v8 =	vld.idx.msk [tilespmem:v56+s20+$0x0], $0xffff;
	v1 =	vadd.f32 v57, v1;
	v5 =	vand.u32 v32, v53  }
0x3a9: {  	v15 =	vld.idx.msk [tilespmem:v15+s20+$0x0], $0xffff;
	v3 =	vadd.f32 v26, v3;
	v58 =	vor.u32 s31, v48;
	v2 =	vadd.f32 v2, v4  }
0x3aa: {  	v12 =	vld.idx.msk [tilespmem:v12+s20+$0x0], $0xffff;
	v60 =	vor.u32 s31, v39;
	v57 =	vor.u32 s0, v36;
	v1 =	vadd.f32 v62, v1  }
0x3ab: {  	v3 =	vadd.f32 v24, v3;
	v54 =	vld.idx.msk [tilespmem:v14+s20+$0x0], $0xffff;
	v14 =	vmul.f32 v29, v29;
	v2 =	vadd.f32 v51, v2  }
0x3ac: {  	v26 =	vld.idx.msk [tilespmem:v19+s20+$0x0], $0xffff;
	v19 =	vmul.f32 v22, v22;
	v62 =	vor.u32 s0, v43;
	v1 =	vadd.f32 v7, v1  }
0x3ad: {  	v0 =	vadd.f32 v14, v0;
	v14 =	vor.u32 s0, v37;
	v5 =	vld.idx.msk [tilespmem:v5+s20+$0x0], $0xffff;
	v2 =	vadd.f32 v13, v2  }
0x3ae: {  	v22 =	vmul.f32 v23, v23;
	v23 =	vor.u32 s0, v38;
	v10 =	vld.idx.msk [tilespmem:v58+s20+$0x0], $0xffff;
	v1 =	vadd.f32 v20, v1  }
0x3af: {  	v0 =	vadd.f32 v19, v0;
	v9 =	vld.idx.msk [tilespmem:v57+s20+$0x0], $0xffff;
	v13 =	vor.u32 s31, v45;
	v2 =	vadd.f32 v55, v2  }
0x3b0: {  	v19 =	vadd.f32 v22, v3;
	v3 =	vor.u32 s0, v41;
	v22 =	vld.idx.msk [tilespmem:v60+s20+$0x0], $0xffff;
	v1 =	vadd.f32 v15, v1  }
0x3b1: {  	v61 =	vor.u32 s31, v40;
	v27 =	vld.idx.msk [tilespmem:v62+s20+$0x0], $0xffff;
	v15 =	vmul.f32 v21, v21;
	v2 =	vadd.f32 v6, v2  }
0x3b2: {  	v14 =	vld.idx.msk [tilespmem:v14+s20+$0x0], $0xffff;
	v1 =	vadd.f32 v12, v1;
	v5 =	vadd.f32 v59, v5  }
0x3b3: {  	v28 =	vor.u32 s31, v16;
	v20 =	vadd.f32 v15, v0;
	v0 =	vld.idx.msk [tilespmem:v23+s20+$0x0], $0xffff;
	v2 =	vadd.f32 v26, v2  }
0x3b4: {  	v21 =	vld.idx.msk [tilespmem:v13+s20+$0x0], $0xffff;
	v11 =	vadd.f32 v54, v1;
	v26 =	vor.u32 s0, v44  }
0x3b5: {  	s4 =	simm.s32 $0x300;
	v25 =	vld.idx.msk [tilespmem:v3+s20+$0x0], $0xffff;
	v63 =	vadd.f32 v9, v5;
	v1 =	vor.u32 s0, v46;
	v2 =	vadd.f32 v8, v2  }
0x3b6: {  	s3 =	simm.s32 $0x10600;
	v30 =	vor.u32 s4, v35;
	v29 =	vor.u32 s0, v42;
	v23 =	vld.idx.msk [tilespmem:v61+s20+$0x0], $0xffff  }
0x3b7: {  	s12 =	simm.s32 $0x400;
	v15 =	vmovc v33;
	v31 =	vadd.f32 v14, v63;
	[tilespmem:s3+$0x0] =	vst v11;
	v24 =	vadd.f32 v10, v2;
	v2 =	vor.u32 s4, v33  }
.LBB2_16:
0x3b8: {  	p0 =	sne.s32 s12, $0x700;
	v2 =	vand.u32 v32, v2;
	v3 =	vld.idx.msk [tilespmem:v28+s20+$0x0], $0xffff  }
0x3b9: {  	v5 =	vor.u32 s0, v47;
	v0 =	vadd.f32 v0, v31;
	v4 =	vld.idx.msk [tilespmem:v26+s20+$0x0], $0xffff;
	v6 =	vadd.f32 v21, v24  }
0x3ba: {  	v7 =	vor.u32 s4, v36;
	v1 =	vld.idx.msk [tilespmem:v1+s20+$0x0], $0xffff  }
0x3bb: {  	v9 =	vor.u32 s0, v48;
	v0 =	vadd.f32 v25, v0;
	v8 =	vld.idx.msk [tilespmem:v29+s20+$0x0], $0xffff;
	v6 =	vadd.f32 v22, v6  }
0x3bc: {  	v11 =	vor.u32 s4, v37;
	v10 =	vld.idx.msk [tilespmem:v30+s20+$0x0], $0xffff  }
0x3bd: {  	v12 =	vor.u32 s0, v45;
	v2 =	vld.idx.msk [tilespmem:v2+s20+$0x0], $0xffff;
	v0 =	vadd.f32 v27, v0;
	v6 =	vadd.f32 v23, v6  }
0x3be: {  	v13 =	vor.u32 s4, v38;
	v5 =	vld.idx.msk [tilespmem:v5+s20+$0x0], $0xffff  }
0x3bf: {  	v7 =	vld.idx.msk [tilespmem:v7+s20+$0x0], $0xffff;
	v0 =	vadd.f32 v4, v0;
	v4 =	vor.u32 s0, v39;
	v3 =	vadd.f32 v3, v6  }
0x3c0: {  	s3 =	sadd.s32 $0x10, s3;
	v6 =	vor.u32 s4, v41;
	v9 =	vld.idx.msk [tilespmem:v9+s20+$0x0], $0xffff  }
0x3c1: {  	v14 =	vor.u32 s0, v40;
	v11 =	vld.idx.msk [tilespmem:v11+s20+$0x0], $0xffff;
	v8 =	vadd.f32 v8, v0;
	[tilespmem:s3+$0x0] =	vst v3  }
0x3c2: {  	v3 =	vor.u32 s4, v43;
	v21 =	vld.idx.msk [tilespmem:v12+s20+$0x0], $0xffff  }
.Ltmp7:
0x3c3: {  	v28 =	vor.u32 s0, v16;
	s0 =	smov.u32 s4;
	s4 =	smov.u32 s12;
	v2 =	vadd.f32 v10, v2;
	v0 =	vld.idx.msk [tilespmem:v13+s20+$0x0], $0xffff;
	v8 =	vadd.f32 v1, v8;
	(pc) =	sbr.rel @p0 .LBB2_16-.Ltmp7, $4  }
0x3c4: {  	v26 =	vor.u32 s0, v44;
	v22 =	vld.idx.msk [tilespmem:v4+s20+$0x0], $0xffff  }
0x3c5: {  	v1 =	vor.u32 s0, v46;
	v4 =	vadd.f32 v7, v2;
	v25 =	vld.idx.msk [tilespmem:v6+s20+$0x0], $0xffff;
	v5 =	vadd.f32 v5, v8  }
0x3c6: {  	v30 =	vor.u32 s12, v35;
	v29 =	vor.u32 s0, v42;
	v23 =	vld.idx.msk [tilespmem:v14+s20+$0x0], $0xffff  }
0x3c7: {  	s12 =	sadd.s32 $0x100, s12;
	v2 =	vor.u32 s4, v15;
	v31 =	vadd.f32 v11, v4;
	v27 =	vld.idx.msk [tilespmem:v3+s20+$0x0], $0xffff;
	v24 =	vadd.f32 v9, v5  }
0x3c8: {  	v2 =	vand.u32 v32, v2;
	_ =	sdelay $0x1  }
0x3c9: {  	v3 =	vor.u32 s4, v36;
	_ =	sdelay $0x1  }
0x3ca: {  	v4 =	vld.idx.msk [tilespmem:v30+s20+$0x0], $0xffff;
	v5 =	vor.u32 s4, v37  }
0x3cb: {  	v2 =	vld.idx.msk [tilespmem:v2+s20+$0x0], $0xffff  }
0x3cc: {  	v6 =	vor.u32 s4, v38  }
0x3cd: {  	v3 =	vld.idx.msk [tilespmem:v3+s20+$0x0], $0xffff  }
0x3ce: {  	v7 =	vor.u32 s4, v41  }
0x3cf: {  	v5 =	vld.idx.msk [tilespmem:v5+s20+$0x0], $0xffff  }
0x3d0: {  	v41 =	vor.u32 s4, v43;
	v2 =	vadd.f32 v4, v2  }
0x3d1: {  	v6 =	vld.idx.msk [tilespmem:v6+s20+$0x0], $0xffff  }
0x3d2: {  	v43 =	vor.u32 s4, v44;
	v2 =	vadd.f32 v3, v2  }
0x3d3: {  	v7 =	vld.idx.msk [tilespmem:v7+s20+$0x0], $0xffff  }
0x3d4: {  	v9 =	vld.idx.msk [tilespmem:v26+s20+$0x0], $0xffff;
	v10 =	vor.u32 s4, v42;
	v0 =	vadd.f32 v0, v31;
	v2 =	vadd.f32 v5, v2  }
0x3d5: {  	v12 =	vor.u32 s4, v46;
	v4 =	vld.idx.msk [tilespmem:v41+s20+$0x0], $0xffff  }
0x3d6: {  	v44 =	vor.u32 s0, v47;
	v11 =	vld.idx.msk [tilespmem:v29+s20+$0x0], $0xffff;
	v0 =	vadd.f32 v25, v0;
	v2 =	vadd.f32 v6, v2  }
0x3d7: {  	v13 =	vor.u32 s4, v47;
	v3 =	vld.idx.msk [tilespmem:v43+s20+$0x0], $0xffff  }
0x3d8: {  	v46 =	vor.u32 s0, v48;
	v1 =	vld.idx.msk [tilespmem:v1+s20+$0x0], $0xffff;
	v0 =	vadd.f32 v27, v0;
	v2 =	vadd.f32 v7, v2  }
0x3d9: {  	v49 =	vor.u32 s4, v48;
	v10 =	vld.idx.msk [tilespmem:v10+s20+$0x0], $0xffff  }
0x3da: {  	v47 =	vor.u32 s0, v45;
	v12 =	vld.idx.msk [tilespmem:v12+s20+$0x0], $0xffff;
	v0 =	vadd.f32 v9, v0;
	v2 =	vadd.f32 v4, v2  }
0x3db: {  	v51 =	vor.u32 s4, v45;
	v5 =	vld.idx.msk [tilespmem:v44+s20+$0x0], $0xffff  }
0x3dc: {  	v50 =	vor.u32 s0, v39;
	v13 =	vld.idx.msk [tilespmem:v13+s20+$0x0], $0xffff;
	v0 =	vadd.f32 v11, v0;
	v2 =	vadd.f32 v3, v2  }
0x3dd: {  	v53 =	vor.u32 s4, v39;
	v6 =	vld.idx.msk [tilespmem:v46+s20+$0x0], $0xffff  }
0x3de: {  	v52 =	vor.u32 s0, v40;
	v9 =	vld.idx.msk [tilespmem:v49+s20+$0x0], $0xffff;
	v0 =	vadd.f32 v1, v0;
	v2 =	vadd.f32 v10, v2  }
0x3df: {  	v54 =	vor.u32 s0, v16;
	v7 =	vld.idx.msk [tilespmem:v47+s20+$0x0], $0xffff  }
0x3e0: {  	v55 =	vor.u32 s4, v40;
	v11 =	vld.idx.msk [tilespmem:v51+s20+$0x0], $0xffff;
	v0 =	vadd.f32 v5, v0;
	v2 =	vadd.f32 v12, v2  }
0x3e1: {  	v4 =	vld.idx.msk [tilespmem:v50+s20+$0x0], $0xffff  }
0x3e2: {  	v56 =	vor.u32 s4, v16;
	v1 =	vld.idx.msk [tilespmem:v53+s20+$0x0], $0xffff;
	v0 =	vadd.f32 v6, v0;
	v2 =	vadd.f32 v13, v2  }
0x3e3: {  	v3 =	vld.idx.msk [tilespmem:v52+s20+$0x0], $0xffff  }
0x3e4: {  	v57 =	vld.idx.msk [tilespmem:v54+s20+$0x0], $0xffff;
	v0 =	vadd.f32 v7, v0;
	v2 =	vadd.f32 v9, v2  }
0x3e5: {  	v5 =	vld.idx.msk [tilespmem:v55+s20+$0x0], $0xffff;
	v12 =	vadd.f32 v21, v24  }
0x3e6: {  	v8 =	vld.idx.msk [tilespmem:v28+s20+$0x0], $0xffff;
	v0 =	vadd.f32 v4, v0;
	v2 =	vadd.f32 v11, v2  }
0x3e7: {  	v6 =	vld.idx.msk [tilespmem:v56+s20+$0x0], $0xffff;
	v58 =	vadd.f32 v22, v12  }
0x3e8: {  	v0 =	vadd.f32 v3, v0;
	v1 =	vadd.f32 v1, v2  }
0x3e9: {  	v61 =	vadd.f32 v20, v17;
	v59 =	vadd.f32 v23, v58  }
0x3ea: {  	s31 =	sadd.s32 $0x10, s3;
	v0 =	vadd.f32 v57, v0;
	v1 =	vadd.f32 v5, v1  }
0x3eb: {  	v62 =	vadd.f32 v19, v18;
	s0 =	sadd.s32 $0x10, s31;
	v60 =	vadd.f32 v8, v59  }
0x3ec: {  	[tilespmem:s0+$0x0] =	vst v0;
	v1 =	vadd.f32 v6, v1  }
0x3ed: {  	v63 =	vadd.f32 v62, v61;
	s0 =	sadd.s32 $0x10, s0;
	[tilespmem:s31+$0x0] =	vst v60  }
0x3ee: {  	[tilespmem:s0+$0x0] =	vst v1  }
0x3ef: {  	[tilespmem:$0x10680] =	vst v63  }
0x3f0: {  	[hbm4b:s8+s5] =	stream.linear.scatter [tilespmem:s26], [sflag:$0x3], $0x200, $0x38;
	[tilespmem:$0x10F00] =	vst v63  }
0x3f1: {  	s30 =	sadd.s32 $0x1, s30;
	_ =	swait.ge [sflag:s28], $0x200  }
0x3f2: {  	p0 =	sne.s32 s30, s10;
	[sflag:s28] =	ssyncset.done $0x0  }
.Ltmp8:
0x3f3: {  	[sflag:s28] =	ssyncadd.s32 $0xFFFFFE00;
	(pc) =	sbr.rel @p0 .LBB2_1-.Ltmp8, $4  }
0x3f4: {  	[hbm4b:s9+s5] =	stream.linear.scatter [tilespmem:s29], [sflag:$0x3], $0x80, $0x38;
	[tilespmem:$0x10F00] =	vst v63  }
0x3f5: {  	_ =	swait.ge [sflag:s28], $0x80  }
0x3f6: {  	[sflag:s28] =	ssyncset.done $0x0  }
0x3f7: {  	[sflag:s28] =	ssyncadd.s32 $0xFFFFFF80  }
0x3f8: {  	_ =	sfence.sel $0x180000  }
0x3f9: {  	[bflag:$0x0] =	sbarrier.arrive $0xFFFF  }
0x3fa: {  	_ =	strace $0x90000047  }
0x3fb: {  	s0 =	stileid.u32;
	[bflag:$0x2] =	sbarrier.arrive $0xFFFF  }
0x3fc: {  	p0 =	sne.s32 s0, $0x0;
	s0 =	rddreg [dreg:$0x7]  }
0x3fd: {  	s0 =	sadd.s32 @!p0 $0x100000, s0  }
0x3fe: {  	[sflag:s0] =	ssyncadd.tile.s32 @!p0 $0x1;
	_ =	shalt  }
.Lfunc_end2:
_tile_overlayer_lowered:
.L_overlay_start_2:
0x3ff: {  	(tag) =	ssettag $0x2  }
0x400: {  	s0 =	rddreg [dreg:$0x0];
	s2 =	stileid.u32  }
0x401: {  	s1 =	rddreg [dreg:$0x1];
	p0 =	sne.s32 s2, $0x0  }
0x402: {  	s3 =	rddreg [dreg:$0x2];
	[bflag:$0x3] =	sbarrier.arrive $0xFFFF;
	s2 =	simm.s32 @!p0 $0x1C03  }
0x403: {  	[timem:s3], [sflag:s2] =	dma.local @!p0 [hbm:s0], s1  }
0x404: {  	s0 =	simm.s32 @!p0 $0x3  }
0x405: {  	_ =	swait.ge @!p0 [sflag:s0], s1  }
0x406: {  	s1 =	ssub.s32 @!p0 $0x0, s1;
	[sflag:s0] =	ssyncset.done @!p0 $0x0  }
0x407: {  	[sflag:s0] =	ssyncadd.s32 @!p0 s1  }
0x408: {  	[bflag:$0x3] =	sbarrier.arrive $0xFFFF  }
0x409: {  	_ =	shalt  }

</sc_bundles>
